<compile_context>
chip_gen: v7x
topology: tpu7x:2x2x1
jax: 0.10.2.dev20260603
libtpu: 0.0.44.dev20260713+nightly
codegen_flags: <defaults>
</compile_context>

<pallas_src>
import functools

import numpy as np
import jax
import jax.numpy as jnp
from jax import lax
from jax.experimental import pallas as pl
from jax.experimental.pallas import tpu as pltpu
from jax.experimental.pallas import tpu_sc as plsc

BATCH = 16
IN_F = 2048
OUT_F = 2048
L = 16
NC, NS = 2, 16
NW = NC * NS
O_PER_W = OUT_F // NW
NCHUNK = IN_F // L



def _rotl32(x, d):
    return ((x << np.uint32(d)) | (x >> np.uint32(32 - d))).astype(np.uint32)


def _threefry2x32(k1, k2, x1, x2):
    rotations = ((13, 15, 26, 6), (17, 29, 16, 24))
    ks = [np.uint32(k1), np.uint32(k2),
          np.uint32(k1) ^ np.uint32(k2) ^ np.uint32(0x1BD11BDA)]
    x = [(x1 + ks[0]).astype(np.uint32), (x2 + ks[1]).astype(np.uint32)]

    def rounds(x, rots):
        for r in rots:
            x[0] = (x[0] + x[1]).astype(np.uint32)
            x[1] = x[0] ^ _rotl32(x[1], r)
        return x

    for i, rots in enumerate((rotations[0], rotations[1], rotations[0],
                              rotations[1], rotations[0])):
        x = rounds(x, rots)
        x[0] = (x[0] + ks[(i + 1) % 3]).astype(np.uint32)
        x[1] = (x[1] + ks[(i + 2) % 3] + np.uint32(i + 1)).astype(np.uint32)
    return x[0], x[1]


def _iota_2x32(shape):
    flat = np.arange(int(np.prod(shape)), dtype=np.uint64)
    c1 = (flat >> np.uint64(32)).astype(np.uint32).reshape(shape)
    c2 = (flat & np.uint64(0xFFFFFFFF)).astype(np.uint32).reshape(shape)
    return c1, c2


def _np_split(key, num=2):
    c1, c2 = _iota_2x32((num,))
    b1, b2 = _threefry2x32(key[0], key[1], c1, c2)
    return [(b1[i], b2[i]) for i in range(num)]


def _np_random_bits(key, shape):
    c1, c2 = _iota_2x32(shape)
    b1, b2 = _threefry2x32(key[0], key[1], c1, c2)
    return b1 ^ b2


def _np_uniform(key, shape):
    bits = _np_random_bits(key, shape)
    fb = (bits >> np.uint32(9)) | np.uint32(0x3F800000)
    floats = fb.view(np.float32) - np.float32(1.0)
    floats = floats * np.float32(1.0) + np.float32(0.0)
    return np.maximum(np.float32(0.0), floats)


def _np_randint(key, shape, minval, maxval):
    k1, k2 = _np_split(key)
    hi = _np_random_bits(k1, shape)
    lo = _np_random_bits(k2, shape)
    span = np.uint32(maxval - minval)
    mult = np.uint32((((2 ** 16) % int(span)) ** 2) % int(span))
    off = ((hi % span) * mult + lo % span) % span
    return (np.int32(minval) + off.astype(np.int32)).astype(np.int32)


_KB1, _KB2 = _np_split((np.uint32(0), np.uint32(42)))
_U_CONST = _np_uniform(_KB1, (OUT_F, IN_F))
_RC_CONST = _np_randint(_KB2, (OUT_F,), 0, IN_F)

with np.errstate(divide="ignore"):
    _u64 = _U_CONST.astype(np.float64)
    _TH_CONST = (np.log(_u64) - np.log1p(-_u64)).astype(np.float32)


_GATHER_DNUMS = lax.GatherDimensionNumbers(
    offset_dims=(), collapsed_slice_dims=(0,), start_index_map=(0,))


def _vperm(v, idx):
    return lax.gather(v, idx[:, None], _GATHER_DNUMS, (1,),
                      mode=lax.GatherScatterMode.PROMISE_IN_BOUNDS)


_MESH = plsc.VectorSubcoreMesh(
    core_axis_name="c", subcore_axis_name="s", num_cores=NC, num_subcores=NS)


@functools.partial(
    pl.kernel,
    out_type=jax.ShapeDtypeStruct((OUT_F, BATCH), jnp.float32),
    mesh=_MESH,
    compiler_params=pltpu.CompilerParams(needs_layout_passes=False),
    scratch_types=[
        pltpu.VMEM((BATCH, IN_F), jnp.float32),
        pltpu.VMEM((2, 2 * IN_F), jnp.float32),
        pltpu.VMEM((2, 2 * IN_F), jnp.float32),
        pltpu.VMEM((O_PER_W,), jnp.int32),
        pltpu.VMEM((O_PER_W, BATCH), jnp.float32),
        pltpu.VMEM((BATCH * L,), jnp.float32),
        pltpu.SemaphoreType.DMA,
        pltpu.SemaphoreType.DMA,
        pltpu.SemaphoreType.DMA,
        pltpu.SemaphoreType.DMA,
    ],
)
def _edge_sel(x_hbm, t_hbm, th_hbm, rc_hbm, out_hbm,
              x_v, t_v, th_v, rc_v, out_v, red_v,
              sem_t0, sem_t1, sem_th0, sem_th1):
    wid = lax.axis_index("s") * NC + lax.axis_index("c")
    o_base = pl.multiple_of(wid * O_PER_W, O_PER_W)

    pltpu.sync_copy(x_hbm, x_v)
    pltpu.sync_copy(rc_hbm.at[pl.ds(o_base, O_PER_W)], rc_v)

    sems_t = (sem_t0, sem_t1)
    sems_th = (sem_th0, sem_th1)

    lanes = lax.iota(jnp.int32, L)

    def _pair_copies(pair, slot):
        row2 = pl.ds((o_base + 2 * pair) * IN_F, 2 * IN_F)
        return (
            pltpu.make_async_copy(t_hbm.at[row2], t_v.at[slot], sems_t[slot]),
            pltpu.make_async_copy(th_hbm.at[row2], th_v.at[slot], sems_th[slot]),
        )

    def start_pair(pair, slot):
        for cp in _pair_copies(pair, slot):
            cp.start()

    def wait_pair(pair, slot):
        for cp in _pair_copies(pair, slot):
            cp.wait()

    def emit_row(o_local, accs, minc):
        for step in (8, 4, 2, 1):
            perm = (lanes + step) & (L - 1)
            minc = jnp.minimum(minc, _vperm(minc, perm))
            accs = tuple(jnp.minimum(a, _vperm(a, perm)) for a in accs)

        for b in range(BATCH):
            red_v[pl.ds(b * L, L)] = accs[b]
        redvec = plsc.load_gather(red_v, [lanes * L])

        rc_splat = plsc.load_gather(rc_v, [jnp.full((L,), o_local, jnp.int32)])
        fix = plsc.load_gather(x_v, [lanes, rc_splat])
        no_conn = minc > jnp.float32(0.5)
        final = jnp.minimum(redvec, jnp.where(no_conn, fix, jnp.inf))

        plsc.store_scatter(
            out_v, [jnp.full((L,), o_local, jnp.int32), lanes], final)

    def compute_pair(pair, slot):
        def chunk(j, carry):
            accs_a, accs_b, minc_a, minc_b = carry
            base = j * L
            ta = t_v[slot, pl.ds(base, L)]
            tb = t_v[slot, pl.ds(IN_F + base, L)]
            tha = th_v[slot, pl.ds(base, L)]
            thb = th_v[slot, pl.ds(IN_F + base, L)]
            one = jnp.float32(1.0)
            zero = jnp.float32(0.0)
            cinv_a = jnp.where(ta > tha, zero, one)
            cinv_b = jnp.where(tb > thb, zero, one)
            minc_a = jnp.minimum(minc_a, cinv_a)
            minc_b = jnp.minimum(minc_b, cinv_b)
            new_a = []
            new_b = []
            for b in range(BATCH):
                xb = x_v[b, pl.ds(base, L)]
                new_a.append(jnp.minimum(accs_a[b], xb + cinv_a))
                new_b.append(jnp.minimum(accs_b[b], xb + cinv_b))
            return tuple(new_a), tuple(new_b), minc_a, minc_b

        inf_vec = jnp.full((L,), jnp.inf, jnp.float32)
        one_vec = jnp.full((L,), 1.0, jnp.float32)
        accs0 = tuple(inf_vec for _ in range(BATCH))
        accs_a, accs_b, minc_a, minc_b = lax.fori_loop(
            0, NCHUNK, chunk, (accs0, accs0, one_vec, one_vec))

        emit_row(2 * pair, accs_a, minc_a)
        emit_row(2 * pair + 1, accs_b, minc_b)

    start_pair(0, 0)
    n_pairs = O_PER_W // 2

    def outer(g, carry):
        for s in range(2):
            pair = 2 * g + s

            @pl.when(pair + 1 < n_pairs)
            def _():
                start_pair(pair + 1, 1 - s)

            wait_pair(pair, s)
            compute_pair(pair, s)
        return carry

    lax.fori_loop(0, n_pairs // 2, outer, 0)

    pltpu.sync_copy(out_v, out_hbm.at[pl.ds(o_base, O_PER_W)])


def kernel(x, prob_weights):
    t = (prob_weights[:, :, 1] - prob_weights[:, :, 0]).reshape(-1)
    th = jnp.asarray(_TH_CONST.reshape(-1))
    rc = jnp.asarray(_RC_CONST)
    out_t = _edge_sel(x, t, th, rc)
    return out_t.T

# --- scband reference (transcript-rebuilt; emitter-appended) ---
"""Pipeline reference for scband-edge-selection-layer-67388036874389 (READ-ONLY COPY).

The authoritative reference and input builder live on the scoring server;
editing this copy changes nothing except your own understanding.
"""

import jax, jax.numpy as jnp
import numpy as np

BATCH = 16
IN_FEATURES = 2048
OUT_FEATURES = 2048


def setup_inputs(seed: int = 0) -> dict:
    key = jax.random.key(seed)
    k1, k2 = jax.random.split(key)
    x = jax.random.normal(k1, (BATCH, IN_FEATURES), dtype=jnp.float32)
    # learned parameter: prob_weights ~ torch.rand(out_features, in_features, len(EdgeType))
    prob_weights = jax.random.uniform(k2, (OUT_FEATURES, IN_FEATURES, 2), dtype=jnp.float32)
    return {"x": x, "prob_weights": prob_weights}


def _compute_choices(prob_weights):
    # softmax over edge-type dim, take P(NORMAL_EDGE)
    prob = jax.nn.softmax(prob_weights, axis=-1)
    prob_edge = prob[..., 1]
    kb = jax.random.key(42)
    kb1, kb2 = jax.random.split(kb)
    # bernoulli sample of edge existence
    choices = jax.random.bernoulli(kb1, prob_edge).astype(jnp.float32)
    # _zero_connection_neuron: neurons with zero connections get one random connection
    conn_count = jnp.count_nonzero(choices, axis=-1)
    rand_cols = jax.random.randint(kb2, (choices.shape[0],), 0, choices.shape[1])
    add_mask = (conn_count == 0).astype(jnp.float32)
    choices = choices.at[jnp.arange(choices.shape[0]), rand_cols].add(add_mask)
    # choices.add(-1).abs(): invert 0<->1 (selected edges become 0 offset, unselected become +1)
    choices = jnp.abs(choices - 1.0)
    # operator == torch.min, so no *-1 branch
    return choices


def reference(x, prob_weights):
    choices = _compute_choices(prob_weights)  # [out, in]
    # per-batch: result[i] = min(x[i] + choices, dim=-1).values
    result = jax.lax.map(lambda xb: jnp.min(xb[None, :] + choices, axis=-1), x)
    return result

if __name__ == "__main__":
    import jax
    _d = setup_inputs()
    print(jax.jit(kernel)(*tuple(_d.values())))

</pallas_src>

<mosaic_0001>
#map = affine_map<(d0, d1) -> (0, 0)>
#map1 = affine_map<(d0, d1) -> (0)>
module attributes {stable_mosaic.version = 14 : i64} {
  func.func @_edge_sel(%arg0: i32, %arg1: i32, %arg2: memref<16x2048xf32, #tpu.memory_space<hbm>>, %arg3: memref<4194304xf32, #tpu.memory_space<hbm>>, %arg4: memref<4194304xf32, #tpu.memory_space<hbm>>, %arg5: memref<2048xi32, #tpu.memory_space<hbm>>, %arg6: memref<2048x16xf32, #tpu.memory_space<hbm>>, %arg7: memref<16x2048xf32, #tpu.memory_space<vmem>>, %arg8: memref<2x4096xf32, #tpu.memory_space<vmem>>, %arg9: memref<2x4096xf32, #tpu.memory_space<vmem>>, %arg10: memref<64xi32, #tpu.memory_space<vmem>>, %arg11: memref<64x16xf32, #tpu.memory_space<vmem>>, %arg12: memref<256xf32, #tpu.memory_space<vmem>>, %arg13: memref<!tpu.dma_semaphore, #tpu.memory_space<semaphore_mem>>, %arg14: memref<!tpu.dma_semaphore, #tpu.memory_space<semaphore_mem>>, %arg15: memref<!tpu.dma_semaphore, #tpu.memory_space<semaphore_mem>>, %arg16: memref<!tpu.dma_semaphore, #tpu.memory_space<semaphore_mem>>) attributes {dimension_semantics = [#tpu.dimension_semantics<core_parallel>, #tpu.dimension_semantics<subcore_parallel>], iteration_bounds = array<i64: 2, 16>, scalar_prefetch = 0 : i64, scratch_operands = 10 : i64, tpu.core_type = #tpu.core_type<sc_vector_subcore>, window_params = [{transform_indices = #map}, {transform_indices = #map1}, {transform_indices = #map1}, {transform_indices = #map1}, {transform_indices = #map}]} {
    %mul3A = arith.constant 2 : i32
    %mul3A_0 = arith.muli %arg1, %mul3A : i32
    %add3A = arith.addi %mul3A_0, %arg0 : i32
    %mul3A_1 = arith.constant 64 : i32
    %mul3A_2 = arith.muli %add3A, %mul3A_1 : i32
    %multiple_of3A = tpu.assume_multiple %mul3A_2, 64 : i32
    "tpu.region"() ({
      %run_scoped3A = tpu.sem_alloc : memref<!tpu.dma_semaphore, #tpu.memory_space<semaphore_mem>>
      tpu.enqueue_dma source(%arg2 : memref<16x2048xf32, #tpu.memory_space<hbm>>) target(%arg7 : memref<16x2048xf32, #tpu.memory_space<vmem>>) target_semaphore(%run_scoped3A : memref<!tpu.dma_semaphore, #tpu.memory_space<semaphore_mem>>)
      tpu.wait_dma2 semaphore(%run_scoped3A : memref<!tpu.dma_semaphore, #tpu.memory_space<semaphore_mem>>) src(%arg2 : memref<16x2048xf32, #tpu.memory_space<hbm>>) dst(%arg7 : memref<16x2048xf32, #tpu.memory_space<vmem>>)
      tpu.yield
    }) : () -> ()
    "tpu.region"() ({
      %run_scoped3A = tpu.sem_alloc : memref<!tpu.dma_semaphore, #tpu.memory_space<semaphore_mem>>
      %dma_start3A_29 = tpu.memref_slice %arg5[%multiple_of3A] : memref<2048xi32, #tpu.memory_space<hbm>> -> memref<64xi32, #tpu.memory_space<hbm>>
      %dma_start3A_30 = tpu.memref_slice %arg5[%multiple_of3A] : memref<2048xi32, #tpu.memory_space<hbm>> -> memref<64xi32, #tpu.memory_space<hbm>>
      tpu.enqueue_dma source(%dma_start3A_30 : memref<64xi32, #tpu.memory_space<hbm>>) target(%arg10 : memref<64xi32, #tpu.memory_space<vmem>>) target_semaphore(%run_scoped3A : memref<!tpu.dma_semaphore, #tpu.memory_space<semaphore_mem>>)
      %dma_wait3A = tpu.memref_slice %arg5[%multiple_of3A] : memref<2048xi32, #tpu.memory_space<hbm>> -> memref<64xi32, #tpu.memory_space<hbm>>
      %dma_wait3A_31 = tpu.memref_slice %arg5[%multiple_of3A] : memref<2048xi32, #tpu.memory_space<hbm>> -> memref<64xi32, #tpu.memory_space<hbm>>
      tpu.wait_dma2 semaphore(%run_scoped3A : memref<!tpu.dma_semaphore, #tpu.memory_space<semaphore_mem>>) src(%dma_wait3A_31 : memref<64xi32, #tpu.memory_space<hbm>>) dst(%arg10 : memref<64xi32, #tpu.memory_space<vmem>>)
      tpu.yield
    }) : () -> ()
    %iota3A = tpu.iota {dimensions = array<i32: 0>} : vector<16xi32>
    %add3A_3 = arith.constant 0 : i32
    %add3A_4 = arith.addi %multiple_of3A, %add3A_3 : i32
    %mul3A_5 = arith.constant 2048 : i32
    %mul3A_6 = arith.muli %add3A_4, %mul3A_5 : i32
    %dma_start3A = arith.constant 0 : i32
    %dma_start3A_7 = arith.constant 0 : i32
    %dma_start3A_8 = tpu.memref_slice %arg8[%dma_start3A, %dma_start3A_7] : memref<2x4096xf32, #tpu.memory_space<vmem>> -> memref<1x4096xf32, #tpu.memory_space<vmem>>
    %dma_start3A_9 = tpu.memref_squeeze %dma_start3A_8 : memref<1x4096xf32, #tpu.memory_space<vmem>> -> memref<4096xf32, #tpu.memory_space<vmem>>
    %dma_start3A_10 = tpu.memref_slice %arg3[%mul3A_6] : memref<4194304xf32, #tpu.memory_space<hbm>> -> memref<4096xf32, #tpu.memory_space<hbm>>
    %dma_start3A_11 = arith.constant 0 : i32
    %dma_start3A_12 = tpu.memref_slice %arg8[%dma_start3A, %dma_start3A_11] : memref<2x4096xf32, #tpu.memory_space<vmem>> -> memref<1x4096xf32, #tpu.memory_space<vmem>>
    %dma_start3A_13 = tpu.memref_squeeze %dma_start3A_12 : memref<1x4096xf32, #tpu.memory_space<vmem>> -> memref<4096xf32, #tpu.memory_space<vmem>>
    %dma_start3A_14 = tpu.memref_slice %arg3[%mul3A_6] : memref<4194304xf32, #tpu.memory_space<hbm>> -> memref<4096xf32, #tpu.memory_space<hbm>>
    tpu.enqueue_dma source(%dma_start3A_14 : memref<4096xf32, #tpu.memory_space<hbm>>) target(%dma_start3A_13 : memref<4096xf32, #tpu.memory_space<vmem>>) target_semaphore(%arg13 : memref<!tpu.dma_semaphore, #tpu.memory_space<semaphore_mem>>)
    %dma_start3A_15 = arith.constant 0 : i32
    %dma_start3A_16 = arith.constant 0 : i32
    %dma_start3A_17 = tpu.memref_slice %arg9[%dma_start3A_15, %dma_start3A_16] : memref<2x4096xf32, #tpu.memory_space<vmem>> -> memref<1x4096xf32, #tpu.memory_space<vmem>>
    %dma_start3A_18 = tpu.memref_squeeze %dma_start3A_17 : memref<1x4096xf32, #tpu.memory_space<vmem>> -> memref<4096xf32, #tpu.memory_space<vmem>>
    %dma_start3A_19 = tpu.memref_slice %arg4[%mul3A_6] : memref<4194304xf32, #tpu.memory_space<hbm>> -> memref<4096xf32, #tpu.memory_space<hbm>>
    %dma_start3A_20 = arith.constant 0 : i32
    %dma_start3A_21 = tpu.memref_slice %arg9[%dma_start3A_15, %dma_start3A_20] : memref<2x4096xf32, #tpu.memory_space<vmem>> -> memref<1x4096xf32, #tpu.memory_space<vmem>>
    %dma_start3A_22 = tpu.memref_squeeze %dma_start3A_21 : memref<1x4096xf32, #tpu.memory_space<vmem>> -> memref<4096xf32, #tpu.memory_space<vmem>>
    %dma_start3A_23 = tpu.memref_slice %arg4[%mul3A_6] : memref<4194304xf32, #tpu.memory_space<hbm>> -> memref<4096xf32, #tpu.memory_space<hbm>>
    tpu.enqueue_dma source(%dma_start3A_23 : memref<4096xf32, #tpu.memory_space<hbm>>) target(%dma_start3A_22 : memref<4096xf32, #tpu.memory_space<vmem>>) target_semaphore(%arg15 : memref<!tpu.dma_semaphore, #tpu.memory_space<semaphore_mem>>)
    %scan3A = arith.constant 0 : i32
    %scan3A_24 = arith.constant 0 : i32
    %scan3A_25 = arith.constant 16 : i32
    %scan3A_26 = arith.addi %scan3A_24, %scan3A_25 : i32
    %scan3A_27 = arith.constant 1 : i32
    scf.for %scan3A_29 = %scan3A_24 to %scan3A_26 step %scan3A_27  : i32 {
      %mul3A_30 = arith.constant 2 : i32
      %mul3A_31 = arith.muli %mul3A_30, %scan3A_29 : i32
      %add3A_32 = arith.constant 0 : i32
      %add3A_33 = arith.addi %mul3A_31, %add3A_32 : i32
      %add3A_34 = arith.constant 1 : i32
      %add3A_35 = arith.addi %add3A_33, %add3A_34 : i32
      %lt3A = arith.constant 32 : i32
      %lt3A_36 = arith.cmpi slt, %add3A_35, %lt3A : i32
      %convert_element_type3A = arith.extui %lt3A_36 : i1 to i32
      %cond3A = arith.constant 0 : i32
      %cond3A_37 = arith.cmpi ne, %convert_element_type3A, %cond3A : i32
      scf.if %cond3A_37 {
        %add3A_1490 = arith.constant 1 : i32
        %add3A_1491 = arith.addi %add3A_33, %add3A_1490 : i32
        %mul3A_1492 = arith.constant 2 : i32
        %mul3A_1493 = arith.muli %mul3A_1492, %add3A_1491 : i32
        %add3A_1494 = arith.addi %multiple_of3A, %mul3A_1493 : i32
        %mul3A_1495 = arith.constant 2048 : i32
        %mul3A_1496 = arith.muli %add3A_1494, %mul3A_1495 : i32
        %dma_start3A_1497 = arith.constant 1 : i32
        %dma_start3A_1498 = arith.constant 0 : i32
        %dma_start3A_1499 = tpu.memref_slice %arg8[%dma_start3A_1497, %dma_start3A_1498] : memref<2x4096xf32, #tpu.memory_space<vmem>> -> memref<1x4096xf32, #tpu.memory_space<vmem>>
        %dma_start3A_1500 = tpu.memref_squeeze %dma_start3A_1499 : memref<1x4096xf32, #tpu.memory_space<vmem>> -> memref<4096xf32, #tpu.memory_space<vmem>>
        %dma_start3A_1501 = tpu.memref_slice %arg3[%mul3A_1496] : memref<4194304xf32, #tpu.memory_space<hbm>> -> memref<4096xf32, #tpu.memory_space<hbm>>
        %dma_start3A_1502 = arith.constant 0 : i32
        %dma_start3A_1503 = tpu.memref_slice %arg8[%dma_start3A_1497, %dma_start3A_1502] : memref<2x4096xf32, #tpu.memory_space<vmem>> -> memref<1x4096xf32, #tpu.memory_space<vmem>>
        %dma_start3A_1504 = tpu.memref_squeeze %dma_start3A_1503 : memref<1x4096xf32, #tpu.memory_space<vmem>> -> memref<4096xf32, #tpu.memory_space<vmem>>
        %dma_start3A_1505 = tpu.memref_slice %arg3[%mul3A_1496] : memref<4194304xf32, #tpu.memory_space<hbm>> -> memref<4096xf32, #tpu.memory_space<hbm>>
        tpu.enqueue_dma source(%dma_start3A_1505 : memref<4096xf32, #tpu.memory_space<hbm>>) target(%dma_start3A_1504 : memref<4096xf32, #tpu.memory_space<vmem>>) target_semaphore(%arg14 : memref<!tpu.dma_semaphore, #tpu.memory_space<semaphore_mem>>)
        %dma_start3A_1506 = arith.constant 1 : i32
        %dma_start3A_1507 = arith.constant 0 : i32
        %dma_start3A_1508 = tpu.memref_slice %arg9[%dma_start3A_1506, %dma_start3A_1507] : memref<2x4096xf32, #tpu.memory_space<vmem>> -> memref<1x4096xf32, #tpu.memory_space<vmem>>
        %dma_start3A_1509 = tpu.memref_squeeze %dma_start3A_1508 : memref<1x4096xf32, #tpu.memory_space<vmem>> -> memref<4096xf32, #tpu.memory_space<vmem>>
        %dma_start3A_1510 = tpu.memref_slice %arg4[%mul3A_1496] : memref<4194304xf32, #tpu.memory_space<hbm>> -> memref<4096xf32, #tpu.memory_space<hbm>>
        %dma_start3A_1511 = arith.constant 0 : i32
        %dma_start3A_1512 = tpu.memref_slice %arg9[%dma_start3A_1506, %dma_start3A_1511] : memref<2x4096xf32, #tpu.memory_space<vmem>> -> memref<1x4096xf32, #tpu.memory_space<vmem>>
        %dma_start3A_1513 = tpu.memref_squeeze %dma_start3A_1512 : memref<1x4096xf32, #tpu.memory_space<vmem>> -> memref<4096xf32, #tpu.memory_space<vmem>>
        %dma_start3A_1514 = tpu.memref_slice %arg4[%mul3A_1496] : memref<4194304xf32, #tpu.memory_space<hbm>> -> memref<4096xf32, #tpu.memory_space<hbm>>
        tpu.enqueue_dma source(%dma_start3A_1514 : memref<4096xf32, #tpu.memory_space<hbm>>) target(%dma_start3A_1513 : memref<4096xf32, #tpu.memory_space<vmem>>) target_semaphore(%arg16 : memref<!tpu.dma_semaphore, #tpu.memory_space<semaphore_mem>>)
      } else {
      }
      %mul3A_38 = arith.constant 2 : i32
      %mul3A_39 = arith.muli %mul3A_38, %add3A_33 : i32
      %add3A_40 = arith.addi %multiple_of3A, %mul3A_39 : i32
      %mul3A_41 = arith.constant 2048 : i32
      %mul3A_42 = arith.muli %add3A_40, %mul3A_41 : i32
      %dma_wait3A = arith.constant 0 : i32
      %dma_wait3A_43 = arith.constant 0 : i32
      %dma_wait3A_44 = tpu.memref_slice %arg8[%dma_wait3A, %dma_wait3A_43] : memref<2x4096xf32, #tpu.memory_space<vmem>> -> memref<1x4096xf32, #tpu.memory_space<vmem>>
      %dma_wait3A_45 = tpu.memref_squeeze %dma_wait3A_44 : memref<1x4096xf32, #tpu.memory_space<vmem>> -> memref<4096xf32, #tpu.memory_space<vmem>>
      %dma_wait3A_46 = tpu.memref_slice %arg3[%mul3A_42] : memref<4194304xf32, #tpu.memory_space<hbm>> -> memref<4096xf32, #tpu.memory_space<hbm>>
      %dma_wait3A_47 = arith.constant 0 : i32
      %dma_wait3A_48 = tpu.memref_slice %arg8[%dma_wait3A, %dma_wait3A_47] : memref<2x4096xf32, #tpu.memory_space<vmem>> -> memref<1x4096xf32, #tpu.memory_space<vmem>>
      %dma_wait3A_49 = tpu.memref_squeeze %dma_wait3A_48 : memref<1x4096xf32, #tpu.memory_space<vmem>> -> memref<4096xf32, #tpu.memory_space<vmem>>
      %dma_wait3A_50 = tpu.memref_slice %arg3[%mul3A_42] : memref<4194304xf32, #tpu.memory_space<hbm>> -> memref<4096xf32, #tpu.memory_space<hbm>>
      tpu.wait_dma2 semaphore(%arg13 : memref<!tpu.dma_semaphore, #tpu.memory_space<semaphore_mem>>) src(%dma_wait3A_50 : memref<4096xf32, #tpu.memory_space<hbm>>) dst(%dma_wait3A_49 : memref<4096xf32, #tpu.memory_space<vmem>>)
      %dma_wait3A_51 = arith.constant 0 : i32
      %dma_wait3A_52 = arith.constant 0 : i32
      %dma_wait3A_53 = tpu.memref_slice %arg9[%dma_wait3A_51, %dma_wait3A_52] : memref<2x4096xf32, #tpu.memory_space<vmem>> -> memref<1x4096xf32, #tpu.memory_space<vmem>>
      %dma_wait3A_54 = tpu.memref_squeeze %dma_wait3A_53 : memref<1x4096xf32, #tpu.memory_space<vmem>> -> memref<4096xf32, #tpu.memory_space<vmem>>
      %dma_wait3A_55 = tpu.memref_slice %arg4[%mul3A_42] : memref<4194304xf32, #tpu.memory_space<hbm>> -> memref<4096xf32, #tpu.memory_space<hbm>>
      %dma_wait3A_56 = arith.constant 0 : i32
      %dma_wait3A_57 = tpu.memref_slice %arg9[%dma_wait3A_51, %dma_wait3A_56] : memref<2x4096xf32, #tpu.memory_space<vmem>> -> memref<1x4096xf32, #tpu.memory_space<vmem>>
      %dma_wait3A_58 = tpu.memref_squeeze %dma_wait3A_57 : memref<1x4096xf32, #tpu.memory_space<vmem>> -> memref<4096xf32, #tpu.memory_space<vmem>>
      %dma_wait3A_59 = tpu.memref_slice %arg4[%mul3A_42] : memref<4194304xf32, #tpu.memory_space<hbm>> -> memref<4096xf32, #tpu.memory_space<hbm>>
      tpu.wait_dma2 semaphore(%arg15 : memref<!tpu.dma_semaphore, #tpu.memory_space<semaphore_mem>>) src(%dma_wait3A_59 : memref<4096xf32, #tpu.memory_space<hbm>>) dst(%dma_wait3A_58 : memref<4096xf32, #tpu.memory_space<vmem>>)
      %broadcast_in_dim3A = arith.constant 0x7F800000 : f32
      %broadcast_in_dim3A_60 = vector.broadcast %broadcast_in_dim3A : f32 to vector<16xf32>
      %broadcast_in_dim3A_61 = arith.constant 1.000000e+00 : f32
      %broadcast_in_dim3A_62 = vector.broadcast %broadcast_in_dim3A_61 : f32 to vector<16xf32>
      %scan3A_63 = arith.constant 0 : i32
      %scan3A_64 = arith.constant 128 : i32
      %scan3A_65 = arith.addi %scan3A_63, %scan3A_64 : i32
      %scan3A_66 = arith.constant 1 : i32
      %scan3A_67:34 = scf.for %scan3A_1490 = %scan3A_63 to %scan3A_65 step %scan3A_66 iter_args(%scan3A_1491 = %broadcast_in_dim3A_60, %scan3A_1492 = %broadcast_in_dim3A_60, %scan3A_1493 = %broadcast_in_dim3A_60, %scan3A_1494 = %broadcast_in_dim3A_60, %scan3A_1495 = %broadcast_in_dim3A_60, %scan3A_1496 = %broadcast_in_dim3A_60, %scan3A_1497 = %broadcast_in_dim3A_60, %scan3A_1498 = %broadcast_in_dim3A_60, %scan3A_1499 = %broadcast_in_dim3A_60, %scan3A_1500 = %broadcast_in_dim3A_60, %scan3A_1501 = %broadcast_in_dim3A_60, %scan3A_1502 = %broadcast_in_dim3A_60, %scan3A_1503 = %broadcast_in_dim3A_60, %scan3A_1504 = %broadcast_in_dim3A_60, %scan3A_1505 = %broadcast_in_dim3A_60, %scan3A_1506 = %broadcast_in_dim3A_60, %scan3A_1507 = %broadcast_in_dim3A_60, %scan3A_1508 = %broadcast_in_dim3A_60, %scan3A_1509 = %broadcast_in_dim3A_60, %scan3A_1510 = %broadcast_in_dim3A_60, %scan3A_1511 = %broadcast_in_dim3A_60, %scan3A_1512 = %broadcast_in_dim3A_60, %scan3A_1513 = %broadcast_in_dim3A_60, %scan3A_1514 = %broadcast_in_dim3A_60, %scan3A_1515 = %broadcast_in_dim3A_60, %scan3A_1516 = %broadcast_in_dim3A_60, %scan3A_1517 = %broadcast_in_dim3A_60, %scan3A_1518 = %broadcast_in_dim3A_60, %scan3A_1519 = %broadcast_in_dim3A_60, %scan3A_1520 = %broadcast_in_dim3A_60, %scan3A_1521 = %broadcast_in_dim3A_60, %scan3A_1522 = %broadcast_in_dim3A_60, %scan3A_1523 = %broadcast_in_dim3A_62, %scan3A_1524 = %broadcast_in_dim3A_62) -> (vector<16xf32>, vector<16xf32>, vector<16xf32>, vector<16xf32>, vector<16xf32>, vector<16xf32>, vector<16xf32>, vector<16xf32>, vector<16xf32>, vector<16xf32>, vector<16xf32>, vector<16xf32>, vector<16xf32>, vector<16xf32>, vector<16xf32>, vector<16xf32>, vector<16xf32>, vector<16xf32>, vector<16xf32>, vector<16xf32>, vector<16xf32>, vector<16xf32>, vector<16xf32>, vector<16xf32>, vector<16xf32>, vector<16xf32>, vector<16xf32>, vector<16xf32>, vector<16xf32>, vector<16xf32>, vector<16xf32>, vector<16xf32>, vector<16xf32>, vector<16xf32>)  : i32 {
        %mul3A_1525 = arith.constant 16 : i32
        %mul3A_1526 = arith.muli %scan3A_1490, %mul3A_1525 : i32
        %get3A = arith.constant 0 : i32
        %get3A_1527 = arith.index_cast %get3A : i32 to index
        %get3A_1528 = arith.index_cast %mul3A_1526 : i32 to index
        %get3A_1529 = tpu.vector_load %arg8[%get3A_1527, %get3A_1528] {strides = array<i32>} : memref<2x4096xf32, #tpu.memory_space<vmem>>, vector<16xf32>,
        %add3A_1530 = arith.constant 2048 : i32
        %add3A_1531 = arith.addi %add3A_1530, %mul3A_1526 : i32
        %get3A_1532 = arith.constant 0 : i32
        %get3A_1533 = arith.index_cast %get3A_1532 : i32 to index
        %get3A_1534 = arith.index_cast %add3A_1531 : i32 to index
        %get3A_1535 = tpu.vector_load %arg8[%get3A_1533, %get3A_1534] {strides = array<i32>} : memref<2x4096xf32, #tpu.memory_space<vmem>>, vector<16xf32>,
        %get3A_1536 = arith.constant 0 : i32
        %get3A_1537 = arith.index_cast %get3A_1536 : i32 to index
        %get3A_1538 = arith.index_cast %mul3A_1526 : i32 to index
        %get3A_1539 = tpu.vector_load %arg9[%get3A_1537, %get3A_1538] {strides = array<i32>} : memref<2x4096xf32, #tpu.memory_space<vmem>>, vector<16xf32>,
        %add3A_1540 = arith.constant 2048 : i32
        %add3A_1541 = arith.addi %add3A_1540, %mul3A_1526 : i32
        %get3A_1542 = arith.constant 0 : i32
        %get3A_1543 = arith.index_cast %get3A_1542 : i32 to index
        %get3A_1544 = arith.index_cast %add3A_1541 : i32 to index
        %get3A_1545 = tpu.vector_load %arg9[%get3A_1543, %get3A_1544] {strides = array<i32>} : memref<2x4096xf32, #tpu.memory_space<vmem>>, vector<16xf32>,
        %gt3A_1546 = arith.cmpf ogt, %get3A_1529, %get3A_1539 : vector<16xf32>
        %jit3A_1547 = arith.constant 0.000000e+00 : f32
        %jit3A_1548 = arith.constant 1.000000e+00 : f32
        %broadcast_in_dim3A_1549 = vector.broadcast %jit3A_1547 : f32 to vector<16xf32>
        %broadcast_in_dim3A_1550 = vector.broadcast %jit3A_1548 : f32 to vector<16xf32>
        %select_n3A_1551 = arith.select %gt3A_1546, %broadcast_in_dim3A_1549, %broadcast_in_dim3A_1550 : vector<16xi1>, vector<16xf32>
        %gt3A_1552 = arith.cmpf ogt, %get3A_1535, %get3A_1545 : vector<16xf32>
        %jit3A_1553 = arith.constant 0.000000e+00 : f32
        %jit3A_1554 = arith.constant 1.000000e+00 : f32
        %broadcast_in_dim3A_1555 = vector.broadcast %jit3A_1553 : f32 to vector<16xf32>
        %broadcast_in_dim3A_1556 = vector.broadcast %jit3A_1554 : f32 to vector<16xf32>
        %select_n3A_1557 = arith.select %gt3A_1552, %broadcast_in_dim3A_1555, %broadcast_in_dim3A_1556 : vector<16xi1>, vector<16xf32>
        %min3A_1558 = arith.minimumf %scan3A_1523, %select_n3A_1551 : vector<16xf32>
        %min3A_1559 = arith.minimumf %scan3A_1524, %select_n3A_1557 : vector<16xf32>
        %get3A_1560 = arith.constant 0 : i32
        %get3A_1561 = arith.index_cast %get3A_1560 : i32 to index
        %get3A_1562 = arith.index_cast %mul3A_1526 : i32 to index
        %get3A_1563 = tpu.vector_load %arg7[%get3A_1561, %get3A_1562] {strides = array<i32>} : memref<16x2048xf32, #tpu.memory_space<vmem>>, vector<16xf32>,
        %add3A_1564 = arith.addf %get3A_1563, %select_n3A_1551 : vector<16xf32>
        %min3A_1565 = arith.minimumf %scan3A_1491, %add3A_1564 : vector<16xf32>
        %add3A_1566 = arith.addf %get3A_1563, %select_n3A_1557 : vector<16xf32>
        %min3A_1567 = arith.minimumf %scan3A_1507, %add3A_1566 : vector<16xf32>
        %get3A_1568 = arith.constant 1 : i32
        %get3A_1569 = arith.index_cast %get3A_1568 : i32 to index
        %get3A_1570 = arith.index_cast %mul3A_1526 : i32 to index
        %get3A_1571 = tpu.vector_load %arg7[%get3A_1569, %get3A_1570] {strides = array<i32>} : memref<16x2048xf32, #tpu.memory_space<vmem>>, vector<16xf32>,
        %add3A_1572 = arith.addf %get3A_1571, %select_n3A_1551 : vector<16xf32>
        %min3A_1573 = arith.minimumf %scan3A_1492, %add3A_1572 : vector<16xf32>
        %add3A_1574 = arith.addf %get3A_1571, %select_n3A_1557 : vector<16xf32>
        %min3A_1575 = arith.minimumf %scan3A_1508, %add3A_1574 : vector<16xf32>
        %get3A_1576 = arith.constant 2 : i32
        %get3A_1577 = arith.index_cast %get3A_1576 : i32 to index
        %get3A_1578 = arith.index_cast %mul3A_1526 : i32 to index
        %get3A_1579 = tpu.vector_load %arg7[%get3A_1577, %get3A_1578] {strides = array<i32>} : memref<16x2048xf32, #tpu.memory_space<vmem>>, vector<16xf32>,
        %add3A_1580 = arith.addf %get3A_1579, %select_n3A_1551 : vector<16xf32>
        %min3A_1581 = arith.minimumf %scan3A_1493, %add3A_1580 : vector<16xf32>
        %add3A_1582 = arith.addf %get3A_1579, %select_n3A_1557 : vector<16xf32>
        %min3A_1583 = arith.minimumf %scan3A_1509, %add3A_1582 : vector<16xf32>
        %get3A_1584 = arith.constant 3 : i32
        %get3A_1585 = arith.index_cast %get3A_1584 : i32 to index
        %get3A_1586 = arith.index_cast %mul3A_1526 : i32 to index
        %get3A_1587 = tpu.vector_load %arg7[%get3A_1585, %get3A_1586] {strides = array<i32>} : memref<16x2048xf32, #tpu.memory_space<vmem>>, vector<16xf32>,
        %add3A_1588 = arith.addf %get3A_1587, %select_n3A_1551 : vector<16xf32>
        %min3A_1589 = arith.minimumf %scan3A_1494, %add3A_1588 : vector<16xf32>
        %add3A_1590 = arith.addf %get3A_1587, %select_n3A_1557 : vector<16xf32>
        %min3A_1591 = arith.minimumf %scan3A_1510, %add3A_1590 : vector<16xf32>
        %get3A_1592 = arith.constant 4 : i32
        %get3A_1593 = arith.index_cast %get3A_1592 : i32 to index
        %get3A_1594 = arith.index_cast %mul3A_1526 : i32 to index
        %get3A_1595 = tpu.vector_load %arg7[%get3A_1593, %get3A_1594] {strides = array<i32>} : memref<16x2048xf32, #tpu.memory_space<vmem>>, vector<16xf32>,
        %add3A_1596 = arith.addf %get3A_1595, %select_n3A_1551 : vector<16xf32>
        %min3A_1597 = arith.minimumf %scan3A_1495, %add3A_1596 : vector<16xf32>
        %add3A_1598 = arith.addf %get3A_1595, %select_n3A_1557 : vector<16xf32>
        %min3A_1599 = arith.minimumf %scan3A_1511, %add3A_1598 : vector<16xf32>
        %get3A_1600 = arith.constant 5 : i32
        %get3A_1601 = arith.index_cast %get3A_1600 : i32 to index
        %get3A_1602 = arith.index_cast %mul3A_1526 : i32 to index
        %get3A_1603 = tpu.vector_load %arg7[%get3A_1601, %get3A_1602] {strides = array<i32>} : memref<16x2048xf32, #tpu.memory_space<vmem>>, vector<16xf32>,
        %add3A_1604 = arith.addf %get3A_1603, %select_n3A_1551 : vector<16xf32>
        %min3A_1605 = arith.minimumf %scan3A_1496, %add3A_1604 : vector<16xf32>
        %add3A_1606 = arith.addf %get3A_1603, %select_n3A_1557 : vector<16xf32>
        %min3A_1607 = arith.minimumf %scan3A_1512, %add3A_1606 : vector<16xf32>
        %get3A_1608 = arith.constant 6 : i32
        %get3A_1609 = arith.index_cast %get3A_1608 : i32 to index
        %get3A_1610 = arith.index_cast %mul3A_1526 : i32 to index
        %get3A_1611 = tpu.vector_load %arg7[%get3A_1609, %get3A_1610] {strides = array<i32>} : memref<16x2048xf32, #tpu.memory_space<vmem>>, vector<16xf32>,
        %add3A_1612 = arith.addf %get3A_1611, %select_n3A_1551 : vector<16xf32>
        %min3A_1613 = arith.minimumf %scan3A_1497, %add3A_1612 : vector<16xf32>
        %add3A_1614 = arith.addf %get3A_1611, %select_n3A_1557 : vector<16xf32>
        %min3A_1615 = arith.minimumf %scan3A_1513, %add3A_1614 : vector<16xf32>
        %get3A_1616 = arith.constant 7 : i32
        %get3A_1617 = arith.index_cast %get3A_1616 : i32 to index
        %get3A_1618 = arith.index_cast %mul3A_1526 : i32 to index
        %get3A_1619 = tpu.vector_load %arg7[%get3A_1617, %get3A_1618] {strides = array<i32>} : memref<16x2048xf32, #tpu.memory_space<vmem>>, vector<16xf32>,
        %add3A_1620 = arith.addf %get3A_1619, %select_n3A_1551 : vector<16xf32>
        %min3A_1621 = arith.minimumf %scan3A_1498, %add3A_1620 : vector<16xf32>
        %add3A_1622 = arith.addf %get3A_1619, %select_n3A_1557 : vector<16xf32>
        %min3A_1623 = arith.minimumf %scan3A_1514, %add3A_1622 : vector<16xf32>
        %get3A_1624 = arith.constant 8 : i32
        %get3A_1625 = arith.index_cast %get3A_1624 : i32 to index
        %get3A_1626 = arith.index_cast %mul3A_1526 : i32 to index
        %get3A_1627 = tpu.vector_load %arg7[%get3A_1625, %get3A_1626] {strides = array<i32>} : memref<16x2048xf32, #tpu.memory_space<vmem>>, vector<16xf32>,
        %add3A_1628 = arith.addf %get3A_1627, %select_n3A_1551 : vector<16xf32>
        %min3A_1629 = arith.minimumf %scan3A_1499, %add3A_1628 : vector<16xf32>
        %add3A_1630 = arith.addf %get3A_1627, %select_n3A_1557 : vector<16xf32>
        %min3A_1631 = arith.minimumf %scan3A_1515, %add3A_1630 : vector<16xf32>
        %get3A_1632 = arith.constant 9 : i32
        %get3A_1633 = arith.index_cast %get3A_1632 : i32 to index
        %get3A_1634 = arith.index_cast %mul3A_1526 : i32 to index
        %get3A_1635 = tpu.vector_load %arg7[%get3A_1633, %get3A_1634] {strides = array<i32>} : memref<16x2048xf32, #tpu.memory_space<vmem>>, vector<16xf32>,
        %add3A_1636 = arith.addf %get3A_1635, %select_n3A_1551 : vector<16xf32>
        %min3A_1637 = arith.minimumf %scan3A_1500, %add3A_1636 : vector<16xf32>
        %add3A_1638 = arith.addf %get3A_1635, %select_n3A_1557 : vector<16xf32>
        %min3A_1639 = arith.minimumf %scan3A_1516, %add3A_1638 : vector<16xf32>
        %get3A_1640 = arith.constant 10 : i32
        %get3A_1641 = arith.index_cast %get3A_1640 : i32 to index
        %get3A_1642 = arith.index_cast %mul3A_1526 : i32 to index
        %get3A_1643 = tpu.vector_load %arg7[%get3A_1641, %get3A_1642] {strides = array<i32>} : memref<16x2048xf32, #tpu.memory_space<vmem>>, vector<16xf32>,
        %add3A_1644 = arith.addf %get3A_1643, %select_n3A_1551 : vector<16xf32>
        %min3A_1645 = arith.minimumf %scan3A_1501, %add3A_1644 : vector<16xf32>
        %add3A_1646 = arith.addf %get3A_1643, %select_n3A_1557 : vector<16xf32>
        %min3A_1647 = arith.minimumf %scan3A_1517, %add3A_1646 : vector<16xf32>
        %get3A_1648 = arith.constant 11 : i32
        %get3A_1649 = arith.index_cast %get3A_1648 : i32 to index
        %get3A_1650 = arith.index_cast %mul3A_1526 : i32 to index
        %get3A_1651 = tpu.vector_load %arg7[%get3A_1649, %get3A_1650] {strides = array<i32>} : memref<16x2048xf32, #tpu.memory_space<vmem>>, vector<16xf32>,
        %add3A_1652 = arith.addf %get3A_1651, %select_n3A_1551 : vector<16xf32>
        %min3A_1653 = arith.minimumf %scan3A_1502, %add3A_1652 : vector<16xf32>
        %add3A_1654 = arith.addf %get3A_1651, %select_n3A_1557 : vector<16xf32>
        %min3A_1655 = arith.minimumf %scan3A_1518, %add3A_1654 : vector<16xf32>
        %get3A_1656 = arith.constant 12 : i32
        %get3A_1657 = arith.index_cast %get3A_1656 : i32 to index
        %get3A_1658 = arith.index_cast %mul3A_1526 : i32 to index
        %get3A_1659 = tpu.vector_load %arg7[%get3A_1657, %get3A_1658] {strides = array<i32>} : memref<16x2048xf32, #tpu.memory_space<vmem>>, vector<16xf32>,
        %add3A_1660 = arith.addf %get3A_1659, %select_n3A_1551 : vector<16xf32>
        %min3A_1661 = arith.minimumf %scan3A_1503, %add3A_1660 : vector<16xf32>
        %add3A_1662 = arith.addf %get3A_1659, %select_n3A_1557 : vector<16xf32>
        %min3A_1663 = arith.minimumf %scan3A_1519, %add3A_1662 : vector<16xf32>
        %get3A_1664 = arith.constant 13 : i32
        %get3A_1665 = arith.index_cast %get3A_1664 : i32 to index
        %get3A_1666 = arith.index_cast %mul3A_1526 : i32 to index
        %get3A_1667 = tpu.vector_load %arg7[%get3A_1665, %get3A_1666] {strides = array<i32>} : memref<16x2048xf32, #tpu.memory_space<vmem>>, vector<16xf32>,
        %add3A_1668 = arith.addf %get3A_1667, %select_n3A_1551 : vector<16xf32>
        %min3A_1669 = arith.minimumf %scan3A_1504, %add3A_1668 : vector<16xf32>
        %add3A_1670 = arith.addf %get3A_1667, %select_n3A_1557 : vector<16xf32>
        %min3A_1671 = arith.minimumf %scan3A_1520, %add3A_1670 : vector<16xf32>
        %get3A_1672 = arith.constant 14 : i32
        %get3A_1673 = arith.index_cast %get3A_1672 : i32 to index
        %get3A_1674 = arith.index_cast %mul3A_1526 : i32 to index
        %get3A_1675 = tpu.vector_load %arg7[%get3A_1673, %get3A_1674] {strides = array<i32>} : memref<16x2048xf32, #tpu.memory_space<vmem>>, vector<16xf32>,
        %add3A_1676 = arith.addf %get3A_1675, %select_n3A_1551 : vector<16xf32>
        %min3A_1677 = arith.minimumf %scan3A_1505, %add3A_1676 : vector<16xf32>
        %add3A_1678 = arith.addf %get3A_1675, %select_n3A_1557 : vector<16xf32>
        %min3A_1679 = arith.minimumf %scan3A_1521, %add3A_1678 : vector<16xf32>
        %get3A_1680 = arith.constant 15 : i32
        %get3A_1681 = arith.index_cast %get3A_1680 : i32 to index
        %get3A_1682 = arith.index_cast %mul3A_1526 : i32 to index
        %get3A_1683 = tpu.vector_load %arg7[%get3A_1681, %get3A_1682] {strides = array<i32>} : memref<16x2048xf32, #tpu.memory_space<vmem>>, vector<16xf32>,
        %add3A_1684 = arith.addf %get3A_1683, %select_n3A_1551 : vector<16xf32>
        %min3A_1685 = arith.minimumf %scan3A_1506, %add3A_1684 : vector<16xf32>
        %add3A_1686 = arith.addf %get3A_1683, %select_n3A_1557 : vector<16xf32>
        %min3A_1687 = arith.minimumf %scan3A_1522, %add3A_1686 : vector<16xf32>
        scf.yield %min3A_1565, %min3A_1573, %min3A_1581, %min3A_1589, %min3A_1597, %min3A_1605, %min3A_1613, %min3A_1621, %min3A_1629, %min3A_1637, %min3A_1645, %min3A_1653, %min3A_1661, %min3A_1669, %min3A_1677, %min3A_1685, %min3A_1567, %min3A_1575, %min3A_1583, %min3A_1591, %min3A_1599, %min3A_1607, %min3A_1615, %min3A_1623, %min3A_1631, %min3A_1639, %min3A_1647, %min3A_1655, %min3A_1663, %min3A_1671, %min3A_1679, %min3A_1687, %min3A_1558, %min3A_1559 : vector<16xf32>, vector<16xf32>, vector<16xf32>, vector<16xf32>, vector<16xf32>, vector<16xf32>, vector<16xf32>, vector<16xf32>, vector<16xf32>, vector<16xf32>, vector<16xf32>, vector<16xf32>, vector<16xf32>, vector<16xf32>, vector<16xf32>, vector<16xf32>, vector<16xf32>, vector<16xf32>, vector<16xf32>, vector<16xf32>, vector<16xf32>, vector<16xf32>, vector<16xf32>, vector<16xf32>, vector<16xf32>, vector<16xf32>, vector<16xf32>, vector<16xf32>, vector<16xf32>, vector<16xf32>, vector<16xf32>, vector<16xf32>, vector<16xf32>, vector<16xf32>
      }
      %scan3A_68 = arith.constant 128 : i32
      %mul3A_69 = arith.constant 2 : i32
      %mul3A_70 = arith.muli %mul3A_69, %add3A_33 : i32
      %add3A_71 = arith.constant 8 : i32
      %add3A_72 = vector.broadcast %add3A_71 : i32 to vector<16xi32>
      %add3A_73 = arith.addi %iota3A, %add3A_72 : vector<16xi32>
      %and3A = arith.constant 15 : i32
      %and3A_74 = vector.broadcast %and3A : i32 to vector<16xi32>
      %and3A_75 = arith.andi %add3A_73, %and3A_74 : vector<16xi32>
      %broadcast_in_dim3A_76 = vector.shape_cast %and3A_75 : vector<16xi32> to vector<16x1xi32>
      %gather3A = vector.shape_cast %broadcast_in_dim3A_76 : vector<16x1xi32> to vector<16xi32>
      %gather3A_77 = tpu.dynamic_gather %scan3A_67#32[%gather3A] in [0] : vector<16xf32>, vector<16xi32> -> vector<16xf32>
      %min3A = arith.minimumf %scan3A_67#32, %gather3A_77 : vector<16xf32>
      %broadcast_in_dim3A_78 = vector.shape_cast %and3A_75 : vector<16xi32> to vector<16x1xi32>
      %gather3A_79 = vector.shape_cast %broadcast_in_dim3A_78 : vector<16x1xi32> to vector<16xi32>
      %gather3A_80 = tpu.dynamic_gather %scan3A_67#0[%gather3A_79] in [0] : vector<16xf32>, vector<16xi32> -> vector<16xf32>
      %min3A_81 = arith.minimumf %scan3A_67#0, %gather3A_80 : vector<16xf32>
      %broadcast_in_dim3A_82 = vector.shape_cast %and3A_75 : vector<16xi32> to vector<16x1xi32>
      %gather3A_83 = vector.shape_cast %broadcast_in_dim3A_82 : vector<16x1xi32> to vector<16xi32>
      %gather3A_84 = tpu.dynamic_gather %scan3A_67#1[%gather3A_83] in [0] : vector<16xf32>, vector<16xi32> -> vector<16xf32>
      %min3A_85 = arith.minimumf %scan3A_67#1, %gather3A_84 : vector<16xf32>
      %broadcast_in_dim3A_86 = vector.shape_cast %and3A_75 : vector<16xi32> to vector<16x1xi32>
      %gather3A_87 = vector.shape_cast %broadcast_in_dim3A_86 : vector<16x1xi32> to vector<16xi32>
      %gather3A_88 = tpu.dynamic_gather %scan3A_67#2[%gather3A_87] in [0] : vector<16xf32>, vector<16xi32> -> vector<16xf32>
      %min3A_89 = arith.minimumf %scan3A_67#2, %gather3A_88 : vector<16xf32>
      %broadcast_in_dim3A_90 = vector.shape_cast %and3A_75 : vector<16xi32> to vector<16x1xi32>
      %gather3A_91 = vector.shape_cast %broadcast_in_dim3A_90 : vector<16x1xi32> to vector<16xi32>
      %gather3A_92 = tpu.dynamic_gather %scan3A_67#3[%gather3A_91] in [0] : vector<16xf32>, vector<16xi32> -> vector<16xf32>
      %min3A_93 = arith.minimumf %scan3A_67#3, %gather3A_92 : vector<16xf32>
      %broadcast_in_dim3A_94 = vector.shape_cast %and3A_75 : vector<16xi32> to vector<16x1xi32>
      %gather3A_95 = vector.shape_cast %broadcast_in_dim3A_94 : vector<16x1xi32> to vector<16xi32>
      %gather3A_96 = tpu.dynamic_gather %scan3A_67#4[%gather3A_95] in [0] : vector<16xf32>, vector<16xi32> -> vector<16xf32>
      %min3A_97 = arith.minimumf %scan3A_67#4, %gather3A_96 : vector<16xf32>
      %broadcast_in_dim3A_98 = vector.shape_cast %and3A_75 : vector<16xi32> to vector<16x1xi32>
      %gather3A_99 = vector.shape_cast %broadcast_in_dim3A_98 : vector<16x1xi32> to vector<16xi32>
      %gather3A_100 = tpu.dynamic_gather %scan3A_67#5[%gather3A_99] in [0] : vector<16xf32>, vector<16xi32> -> vector<16xf32>
      %min3A_101 = arith.minimumf %scan3A_67#5, %gather3A_100 : vector<16xf32>
      %broadcast_in_dim3A_102 = vector.shape_cast %and3A_75 : vector<16xi32> to vector<16x1xi32>
      %gather3A_103 = vector.shape_cast %broadcast_in_dim3A_102 : vector<16x1xi32> to vector<16xi32>
      %gather3A_104 = tpu.dynamic_gather %scan3A_67#6[%gather3A_103] in [0] : vector<16xf32>, vector<16xi32> -> vector<16xf32>
      %min3A_105 = arith.minimumf %scan3A_67#6, %gather3A_104 : vector<16xf32>
      %broadcast_in_dim3A_106 = vector.shape_cast %and3A_75 : vector<16xi32> to vector<16x1xi32>
      %gather3A_107 = vector.shape_cast %broadcast_in_dim3A_106 : vector<16x1xi32> to vector<16xi32>
      %gather3A_108 = tpu.dynamic_gather %scan3A_67#7[%gather3A_107] in [0] : vector<16xf32>, vector<16xi32> -> vector<16xf32>
      %min3A_109 = arith.minimumf %scan3A_67#7, %gather3A_108 : vector<16xf32>
      %broadcast_in_dim3A_110 = vector.shape_cast %and3A_75 : vector<16xi32> to vector<16x1xi32>
      %gather3A_111 = vector.shape_cast %broadcast_in_dim3A_110 : vector<16x1xi32> to vector<16xi32>
      %gather3A_112 = tpu.dynamic_gather %scan3A_67#8[%gather3A_111] in [0] : vector<16xf32>, vector<16xi32> -> vector<16xf32>
      %min3A_113 = arith.minimumf %scan3A_67#8, %gather3A_112 : vector<16xf32>
      %broadcast_in_dim3A_114 = vector.shape_cast %and3A_75 : vector<16xi32> to vector<16x1xi32>
      %gather3A_115 = vector.shape_cast %broadcast_in_dim3A_114 : vector<16x1xi32> to vector<16xi32>
      %gather3A_116 = tpu.dynamic_gather %scan3A_67#9[%gather3A_115] in [0] : vector<16xf32>, vector<16xi32> -> vector<16xf32>
      %min3A_117 = arith.minimumf %scan3A_67#9, %gather3A_116 : vector<16xf32>
      %broadcast_in_dim3A_118 = vector.shape_cast %and3A_75 : vector<16xi32> to vector<16x1xi32>
      %gather3A_119 = vector.shape_cast %broadcast_in_dim3A_118 : vector<16x1xi32> to vector<16xi32>
      %gather3A_120 = tpu.dynamic_gather %scan3A_67#10[%gather3A_119] in [0] : vector<16xf32>, vector<16xi32> -> vector<16xf32>
      %min3A_121 = arith.minimumf %scan3A_67#10, %gather3A_120 : vector<16xf32>
      %broadcast_in_dim3A_122 = vector.shape_cast %and3A_75 : vector<16xi32> to vector<16x1xi32>
      %gather3A_123 = vector.shape_cast %broadcast_in_dim3A_122 : vector<16x1xi32> to vector<16xi32>
      %gather3A_124 = tpu.dynamic_gather %scan3A_67#11[%gather3A_123] in [0] : vector<16xf32>, vector<16xi32> -> vector<16xf32>
      %min3A_125 = arith.minimumf %scan3A_67#11, %gather3A_124 : vector<16xf32>
      %broadcast_in_dim3A_126 = vector.shape_cast %and3A_75 : vector<16xi32> to vector<16x1xi32>
      %gather3A_127 = vector.shape_cast %broadcast_in_dim3A_126 : vector<16x1xi32> to vector<16xi32>
      %gather3A_128 = tpu.dynamic_gather %scan3A_67#12[%gather3A_127] in [0] : vector<16xf32>, vector<16xi32> -> vector<16xf32>
      %min3A_129 = arith.minimumf %scan3A_67#12, %gather3A_128 : vector<16xf32>
      %broadcast_in_dim3A_130 = vector.shape_cast %and3A_75 : vector<16xi32> to vector<16x1xi32>
      %gather3A_131 = vector.shape_cast %broadcast_in_dim3A_130 : vector<16x1xi32> to vector<16xi32>
      %gather3A_132 = tpu.dynamic_gather %scan3A_67#13[%gather3A_131] in [0] : vector<16xf32>, vector<16xi32> -> vector<16xf32>
      %min3A_133 = arith.minimumf %scan3A_67#13, %gather3A_132 : vector<16xf32>
      %broadcast_in_dim3A_134 = vector.shape_cast %and3A_75 : vector<16xi32> to vector<16x1xi32>
      %gather3A_135 = vector.shape_cast %broadcast_in_dim3A_134 : vector<16x1xi32> to vector<16xi32>
      %gather3A_136 = tpu.dynamic_gather %scan3A_67#14[%gather3A_135] in [0] : vector<16xf32>, vector<16xi32> -> vector<16xf32>
      %min3A_137 = arith.minimumf %scan3A_67#14, %gather3A_136 : vector<16xf32>
      %broadcast_in_dim3A_138 = vector.shape_cast %and3A_75 : vector<16xi32> to vector<16x1xi32>
      %gather3A_139 = vector.shape_cast %broadcast_in_dim3A_138 : vector<16x1xi32> to vector<16xi32>
      %gather3A_140 = tpu.dynamic_gather %scan3A_67#15[%gather3A_139] in [0] : vector<16xf32>, vector<16xi32> -> vector<16xf32>
      %min3A_141 = arith.minimumf %scan3A_67#15, %gather3A_140 : vector<16xf32>
      %add3A_142 = arith.constant 4 : i32
      %add3A_143 = vector.broadcast %add3A_142 : i32 to vector<16xi32>
      %add3A_144 = arith.addi %iota3A, %add3A_143 : vector<16xi32>
      %and3A_145 = arith.constant 15 : i32
      %and3A_146 = vector.broadcast %and3A_145 : i32 to vector<16xi32>
      %and3A_147 = arith.andi %add3A_144, %and3A_146 : vector<16xi32>
      %broadcast_in_dim3A_148 = vector.shape_cast %and3A_147 : vector<16xi32> to vector<16x1xi32>
      %gather3A_149 = vector.shape_cast %broadcast_in_dim3A_148 : vector<16x1xi32> to vector<16xi32>
      %gather3A_150 = tpu.dynamic_gather %min3A[%gather3A_149] in [0] : vector<16xf32>, vector<16xi32> -> vector<16xf32>
      %min3A_151 = arith.minimumf %min3A, %gather3A_150 : vector<16xf32>
      %broadcast_in_dim3A_152 = vector.shape_cast %and3A_147 : vector<16xi32> to vector<16x1xi32>
      %gather3A_153 = vector.shape_cast %broadcast_in_dim3A_152 : vector<16x1xi32> to vector<16xi32>
      %gather3A_154 = tpu.dynamic_gather %min3A_81[%gather3A_153] in [0] : vector<16xf32>, vector<16xi32> -> vector<16xf32>
      %min3A_155 = arith.minimumf %min3A_81, %gather3A_154 : vector<16xf32>
      %broadcast_in_dim3A_156 = vector.shape_cast %and3A_147 : vector<16xi32> to vector<16x1xi32>
      %gather3A_157 = vector.shape_cast %broadcast_in_dim3A_156 : vector<16x1xi32> to vector<16xi32>
      %gather3A_158 = tpu.dynamic_gather %min3A_85[%gather3A_157] in [0] : vector<16xf32>, vector<16xi32> -> vector<16xf32>
      %min3A_159 = arith.minimumf %min3A_85, %gather3A_158 : vector<16xf32>
      %broadcast_in_dim3A_160 = vector.shape_cast %and3A_147 : vector<16xi32> to vector<16x1xi32>
      %gather3A_161 = vector.shape_cast %broadcast_in_dim3A_160 : vector<16x1xi32> to vector<16xi32>
      %gather3A_162 = tpu.dynamic_gather %min3A_89[%gather3A_161] in [0] : vector<16xf32>, vector<16xi32> -> vector<16xf32>
      %min3A_163 = arith.minimumf %min3A_89, %gather3A_162 : vector<16xf32>
      %broadcast_in_dim3A_164 = vector.shape_cast %and3A_147 : vector<16xi32> to vector<16x1xi32>
      %gather3A_165 = vector.shape_cast %broadcast_in_dim3A_164 : vector<16x1xi32> to vector<16xi32>
      %gather3A_166 = tpu.dynamic_gather %min3A_93[%gather3A_165] in [0] : vector<16xf32>, vector<16xi32> -> vector<16xf32>
      %min3A_167 = arith.minimumf %min3A_93, %gather3A_166 : vector<16xf32>
      %broadcast_in_dim3A_168 = vector.shape_cast %and3A_147 : vector<16xi32> to vector<16x1xi32>
      %gather3A_169 = vector.shape_cast %broadcast_in_dim3A_168 : vector<16x1xi32> to vector<16xi32>
      %gather3A_170 = tpu.dynamic_gather %min3A_97[%gather3A_169] in [0] : vector<16xf32>, vector<16xi32> -> vector<16xf32>
      %min3A_171 = arith.minimumf %min3A_97, %gather3A_170 : vector<16xf32>
      %broadcast_in_dim3A_172 = vector.shape_cast %and3A_147 : vector<16xi32> to vector<16x1xi32>
      %gather3A_173 = vector.shape_cast %broadcast_in_dim3A_172 : vector<16x1xi32> to vector<16xi32>
      %gather3A_174 = tpu.dynamic_gather %min3A_101[%gather3A_173] in [0] : vector<16xf32>, vector<16xi32> -> vector<16xf32>
      %min3A_175 = arith.minimumf %min3A_101, %gather3A_174 : vector<16xf32>
      %broadcast_in_dim3A_176 = vector.shape_cast %and3A_147 : vector<16xi32> to vector<16x1xi32>
      %gather3A_177 = vector.shape_cast %broadcast_in_dim3A_176 : vector<16x1xi32> to vector<16xi32>
      %gather3A_178 = tpu.dynamic_gather %min3A_105[%gather3A_177] in [0] : vector<16xf32>, vector<16xi32> -> vector<16xf32>
      %min3A_179 = arith.minimumf %min3A_105, %gather3A_178 : vector<16xf32>
      %broadcast_in_dim3A_180 = vector.shape_cast %and3A_147 : vector<16xi32> to vector<16x1xi32>
      %gather3A_181 = vector.shape_cast %broadcast_in_dim3A_180 : vector<16x1xi32> to vector<16xi32>
      %gather3A_182 = tpu.dynamic_gather %min3A_109[%gather3A_181] in [0] : vector<16xf32>, vector<16xi32> -> vector<16xf32>
      %min3A_183 = arith.minimumf %min3A_109, %gather3A_182 : vector<16xf32>
      %broadcast_in_dim3A_184 = vector.shape_cast %and3A_147 : vector<16xi32> to vector<16x1xi32>
      %gather3A_185 = vector.shape_cast %broadcast_in_dim3A_184 : vector<16x1xi32> to vector<16xi32>
      %gather3A_186 = tpu.dynamic_gather %min3A_113[%gather3A_185] in [0] : vector<16xf32>, vector<16xi32> -> vector<16xf32>
      %min3A_187 = arith.minimumf %min3A_113, %gather3A_186 : vector<16xf32>
      %broadcast_in_dim3A_188 = vector.shape_cast %and3A_147 : vector<16xi32> to vector<16x1xi32>
      %gather3A_189 = vector.shape_cast %broadcast_in_dim3A_188 : vector<16x1xi32> to vector<16xi32>
      %gather3A_190 = tpu.dynamic_gather %min3A_117[%gather3A_189] in [0] : vector<16xf32>, vector<16xi32> -> vector<16xf32>
      %min3A_191 = arith.minimumf %min3A_117, %gather3A_190 : vector<16xf32>
      %broadcast_in_dim3A_192 = vector.shape_cast %and3A_147 : vector<16xi32> to vector<16x1xi32>
      %gather3A_193 = vector.shape_cast %broadcast_in_dim3A_192 : vector<16x1xi32> to vector<16xi32>
      %gather3A_194 = tpu.dynamic_gather %min3A_121[%gather3A_193] in [0] : vector<16xf32>, vector<16xi32> -> vector<16xf32>
      %min3A_195 = arith.minimumf %min3A_121, %gather3A_194 : vector<16xf32>
      %broadcast_in_dim3A_196 = vector.shape_cast %and3A_147 : vector<16xi32> to vector<16x1xi32>
      %gather3A_197 = vector.shape_cast %broadcast_in_dim3A_196 : vector<16x1xi32> to vector<16xi32>
      %gather3A_198 = tpu.dynamic_gather %min3A_125[%gather3A_197] in [0] : vector<16xf32>, vector<16xi32> -> vector<16xf32>
      %min3A_199 = arith.minimumf %min3A_125, %gather3A_198 : vector<16xf32>
      %broadcast_in_dim3A_200 = vector.shape_cast %and3A_147 : vector<16xi32> to vector<16x1xi32>
      %gather3A_201 = vector.shape_cast %broadcast_in_dim3A_200 : vector<16x1xi32> to vector<16xi32>
      %gather3A_202 = tpu.dynamic_gather %min3A_129[%gather3A_201] in [0] : vector<16xf32>, vector<16xi32> -> vector<16xf32>
      %min3A_203 = arith.minimumf %min3A_129, %gather3A_202 : vector<16xf32>
      %broadcast_in_dim3A_204 = vector.shape_cast %and3A_147 : vector<16xi32> to vector<16x1xi32>
      %gather3A_205 = vector.shape_cast %broadcast_in_dim3A_204 : vector<16x1xi32> to vector<16xi32>
      %gather3A_206 = tpu.dynamic_gather %min3A_133[%gather3A_205] in [0] : vector<16xf32>, vector<16xi32> -> vector<16xf32>
      %min3A_207 = arith.minimumf %min3A_133, %gather3A_206 : vector<16xf32>
      %broadcast_in_dim3A_208 = vector.shape_cast %and3A_147 : vector<16xi32> to vector<16x1xi32>
      %gather3A_209 = vector.shape_cast %broadcast_in_dim3A_208 : vector<16x1xi32> to vector<16xi32>
      %gather3A_210 = tpu.dynamic_gather %min3A_137[%gather3A_209] in [0] : vector<16xf32>, vector<16xi32> -> vector<16xf32>
      %min3A_211 = arith.minimumf %min3A_137, %gather3A_210 : vector<16xf32>
      %broadcast_in_dim3A_212 = vector.shape_cast %and3A_147 : vector<16xi32> to vector<16x1xi32>
      %gather3A_213 = vector.shape_cast %broadcast_in_dim3A_212 : vector<16x1xi32> to vector<16xi32>
      %gather3A_214 = tpu.dynamic_gather %min3A_141[%gather3A_213] in [0] : vector<16xf32>, vector<16xi32> -> vector<16xf32>
      %min3A_215 = arith.minimumf %min3A_141, %gather3A_214 : vector<16xf32>
      %add3A_216 = arith.constant 2 : i32
      %add3A_217 = vector.broadcast %add3A_216 : i32 to vector<16xi32>
      %add3A_218 = arith.addi %iota3A, %add3A_217 : vector<16xi32>
      %and3A_219 = arith.constant 15 : i32
      %and3A_220 = vector.broadcast %and3A_219 : i32 to vector<16xi32>
      %and3A_221 = arith.andi %add3A_218, %and3A_220 : vector<16xi32>
      %broadcast_in_dim3A_222 = vector.shape_cast %and3A_221 : vector<16xi32> to vector<16x1xi32>
      %gather3A_223 = vector.shape_cast %broadcast_in_dim3A_222 : vector<16x1xi32> to vector<16xi32>
      %gather3A_224 = tpu.dynamic_gather %min3A_151[%gather3A_223] in [0] : vector<16xf32>, vector<16xi32> -> vector<16xf32>
      %min3A_225 = arith.minimumf %min3A_151, %gather3A_224 : vector<16xf32>
      %broadcast_in_dim3A_226 = vector.shape_cast %and3A_221 : vector<16xi32> to vector<16x1xi32>
      %gather3A_227 = vector.shape_cast %broadcast_in_dim3A_226 : vector<16x1xi32> to vector<16xi32>
      %gather3A_228 = tpu.dynamic_gather %min3A_155[%gather3A_227] in [0] : vector<16xf32>, vector<16xi32> -> vector<16xf32>
      %min3A_229 = arith.minimumf %min3A_155, %gather3A_228 : vector<16xf32>
      %broadcast_in_dim3A_230 = vector.shape_cast %and3A_221 : vector<16xi32> to vector<16x1xi32>
      %gather3A_231 = vector.shape_cast %broadcast_in_dim3A_230 : vector<16x1xi32> to vector<16xi32>
      %gather3A_232 = tpu.dynamic_gather %min3A_159[%gather3A_231] in [0] : vector<16xf32>, vector<16xi32> -> vector<16xf32>
      %min3A_233 = arith.minimumf %min3A_159, %gather3A_232 : vector<16xf32>
      %broadcast_in_dim3A_234 = vector.shape_cast %and3A_221 : vector<16xi32> to vector<16x1xi32>
      %gather3A_235 = vector.shape_cast %broadcast_in_dim3A_234 : vector<16x1xi32> to vector<16xi32>
      %gather3A_236 = tpu.dynamic_gather %min3A_163[%gather3A_235] in [0] : vector<16xf32>, vector<16xi32> -> vector<16xf32>
      %min3A_237 = arith.minimumf %min3A_163, %gather3A_236 : vector<16xf32>
      %broadcast_in_dim3A_238 = vector.shape_cast %and3A_221 : vector<16xi32> to vector<16x1xi32>
      %gather3A_239 = vector.shape_cast %broadcast_in_dim3A_238 : vector<16x1xi32> to vector<16xi32>
      %gather3A_240 = tpu.dynamic_gather %min3A_167[%gather3A_239] in [0] : vector<16xf32>, vector<16xi32> -> vector<16xf32>
      %min3A_241 = arith.minimumf %min3A_167, %gather3A_240 : vector<16xf32>
      %broadcast_in_dim3A_242 = vector.shape_cast %and3A_221 : vector<16xi32> to vector<16x1xi32>
      %gather3A_243 = vector.shape_cast %broadcast_in_dim3A_242 : vector<16x1xi32> to vector<16xi32>
      %gather3A_244 = tpu.dynamic_gather %min3A_171[%gather3A_243] in [0] : vector<16xf32>, vector<16xi32> -> vector<16xf32>
      %min3A_245 = arith.minimumf %min3A_171, %gather3A_244 : vector<16xf32>
      %broadcast_in_dim3A_246 = vector.shape_cast %and3A_221 : vector<16xi32> to vector<16x1xi32>
      %gather3A_247 = vector.shape_cast %broadcast_in_dim3A_246 : vector<16x1xi32> to vector<16xi32>
      %gather3A_248 = tpu.dynamic_gather %min3A_175[%gather3A_247] in [0] : vector<16xf32>, vector<16xi32> -> vector<16xf32>
      %min3A_249 = arith.minimumf %min3A_175, %gather3A_248 : vector<16xf32>
      %broadcast_in_dim3A_250 = vector.shape_cast %and3A_221 : vector<16xi32> to vector<16x1xi32>
      %gather3A_251 = vector.shape_cast %broadcast_in_dim3A_250 : vector<16x1xi32> to vector<16xi32>
      %gather3A_252 = tpu.dynamic_gather %min3A_179[%gather3A_251] in [0] : vector<16xf32>, vector<16xi32> -> vector<16xf32>
      %min3A_253 = arith.minimumf %min3A_179, %gather3A_252 : vector<16xf32>
      %broadcast_in_dim3A_254 = vector.shape_cast %and3A_221 : vector<16xi32> to vector<16x1xi32>
      %gather3A_255 = vector.shape_cast %broadcast_in_dim3A_254 : vector<16x1xi32> to vector<16xi32>
      %gather3A_256 = tpu.dynamic_gather %min3A_183[%gather3A_255] in [0] : vector<16xf32>, vector<16xi32> -> vector<16xf32>
      %min3A_257 = arith.minimumf %min3A_183, %gather3A_256 : vector<16xf32>
      %broadcast_in_dim3A_258 = vector.shape_cast %and3A_221 : vector<16xi32> to vector<16x1xi32>
      %gather3A_259 = vector.shape_cast %broadcast_in_dim3A_258 : vector<16x1xi32> to vector<16xi32>
      %gather3A_260 = tpu.dynamic_gather %min3A_187[%gather3A_259] in [0] : vector<16xf32>, vector<16xi32> -> vector<16xf32>
      %min3A_261 = arith.minimumf %min3A_187, %gather3A_260 : vector<16xf32>
      %broadcast_in_dim3A_262 = vector.shape_cast %and3A_221 : vector<16xi32> to vector<16x1xi32>
      %gather3A_263 = vector.shape_cast %broadcast_in_dim3A_262 : vector<16x1xi32> to vector<16xi32>
      %gather3A_264 = tpu.dynamic_gather %min3A_191[%gather3A_263] in [0] : vector<16xf32>, vector<16xi32> -> vector<16xf32>
      %min3A_265 = arith.minimumf %min3A_191, %gather3A_264 : vector<16xf32>
      %broadcast_in_dim3A_266 = vector.shape_cast %and3A_221 : vector<16xi32> to vector<16x1xi32>
      %gather3A_267 = vector.shape_cast %broadcast_in_dim3A_266 : vector<16x1xi32> to vector<16xi32>
      %gather3A_268 = tpu.dynamic_gather %min3A_195[%gather3A_267] in [0] : vector<16xf32>, vector<16xi32> -> vector<16xf32>
      %min3A_269 = arith.minimumf %min3A_195, %gather3A_268 : vector<16xf32>
      %broadcast_in_dim3A_270 = vector.shape_cast %and3A_221 : vector<16xi32> to vector<16x1xi32>
      %gather3A_271 = vector.shape_cast %broadcast_in_dim3A_270 : vector<16x1xi32> to vector<16xi32>
      %gather3A_272 = tpu.dynamic_gather %min3A_199[%gather3A_271] in [0] : vector<16xf32>, vector<16xi32> -> vector<16xf32>
      %min3A_273 = arith.minimumf %min3A_199, %gather3A_272 : vector<16xf32>
      %broadcast_in_dim3A_274 = vector.shape_cast %and3A_221 : vector<16xi32> to vector<16x1xi32>
      %gather3A_275 = vector.shape_cast %broadcast_in_dim3A_274 : vector<16x1xi32> to vector<16xi32>
      %gather3A_276 = tpu.dynamic_gather %min3A_203[%gather3A_275] in [0] : vector<16xf32>, vector<16xi32> -> vector<16xf32>
      %min3A_277 = arith.minimumf %min3A_203, %gather3A_276 : vector<16xf32>
      %broadcast_in_dim3A_278 = vector.shape_cast %and3A_221 : vector<16xi32> to vector<16x1xi32>
      %gather3A_279 = vector.shape_cast %broadcast_in_dim3A_278 : vector<16x1xi32> to vector<16xi32>
      %gather3A_280 = tpu.dynamic_gather %min3A_207[%gather3A_279] in [0] : vector<16xf32>, vector<16xi32> -> vector<16xf32>
      %min3A_281 = arith.minimumf %min3A_207, %gather3A_280 : vector<16xf32>
      %broadcast_in_dim3A_282 = vector.shape_cast %and3A_221 : vector<16xi32> to vector<16x1xi32>
      %gather3A_283 = vector.shape_cast %broadcast_in_dim3A_282 : vector<16x1xi32> to vector<16xi32>
      %gather3A_284 = tpu.dynamic_gather %min3A_211[%gather3A_283] in [0] : vector<16xf32>, vector<16xi32> -> vector<16xf32>
      %min3A_285 = arith.minimumf %min3A_211, %gather3A_284 : vector<16xf32>
      %broadcast_in_dim3A_286 = vector.shape_cast %and3A_221 : vector<16xi32> to vector<16x1xi32>
      %gather3A_287 = vector.shape_cast %broadcast_in_dim3A_286 : vector<16x1xi32> to vector<16xi32>
      %gather3A_288 = tpu.dynamic_gather %min3A_215[%gather3A_287] in [0] : vector<16xf32>, vector<16xi32> -> vector<16xf32>
      %min3A_289 = arith.minimumf %min3A_215, %gather3A_288 : vector<16xf32>
      %add3A_290 = arith.constant 1 : i32
      %add3A_291 = vector.broadcast %add3A_290 : i32 to vector<16xi32>
      %add3A_292 = arith.addi %iota3A, %add3A_291 : vector<16xi32>
      %and3A_293 = arith.constant 15 : i32
      %and3A_294 = vector.broadcast %and3A_293 : i32 to vector<16xi32>
      %and3A_295 = arith.andi %add3A_292, %and3A_294 : vector<16xi32>
      %broadcast_in_dim3A_296 = vector.shape_cast %and3A_295 : vector<16xi32> to vector<16x1xi32>
      %gather3A_297 = vector.shape_cast %broadcast_in_dim3A_296 : vector<16x1xi32> to vector<16xi32>
      %gather3A_298 = tpu.dynamic_gather %min3A_225[%gather3A_297] in [0] : vector<16xf32>, vector<16xi32> -> vector<16xf32>
      %min3A_299 = arith.minimumf %min3A_225, %gather3A_298 : vector<16xf32>
      %broadcast_in_dim3A_300 = vector.shape_cast %and3A_295 : vector<16xi32> to vector<16x1xi32>
      %gather3A_301 = vector.shape_cast %broadcast_in_dim3A_300 : vector<16x1xi32> to vector<16xi32>
      %gather3A_302 = tpu.dynamic_gather %min3A_229[%gather3A_301] in [0] : vector<16xf32>, vector<16xi32> -> vector<16xf32>
      %min3A_303 = arith.minimumf %min3A_229, %gather3A_302 : vector<16xf32>
      %broadcast_in_dim3A_304 = vector.shape_cast %and3A_295 : vector<16xi32> to vector<16x1xi32>
      %gather3A_305 = vector.shape_cast %broadcast_in_dim3A_304 : vector<16x1xi32> to vector<16xi32>
      %gather3A_306 = tpu.dynamic_gather %min3A_233[%gather3A_305] in [0] : vector<16xf32>, vector<16xi32> -> vector<16xf32>
      %min3A_307 = arith.minimumf %min3A_233, %gather3A_306 : vector<16xf32>
      %broadcast_in_dim3A_308 = vector.shape_cast %and3A_295 : vector<16xi32> to vector<16x1xi32>
      %gather3A_309 = vector.shape_cast %broadcast_in_dim3A_308 : vector<16x1xi32> to vector<16xi32>
      %gather3A_310 = tpu.dynamic_gather %min3A_237[%gather3A_309] in [0] : vector<16xf32>, vector<16xi32> -> vector<16xf32>
      %min3A_311 = arith.minimumf %min3A_237, %gather3A_310 : vector<16xf32>
      %broadcast_in_dim3A_312 = vector.shape_cast %and3A_295 : vector<16xi32> to vector<16x1xi32>
      %gather3A_313 = vector.shape_cast %broadcast_in_dim3A_312 : vector<16x1xi32> to vector<16xi32>
      %gather3A_314 = tpu.dynamic_gather %min3A_241[%gather3A_313] in [0] : vector<16xf32>, vector<16xi32> -> vector<16xf32>
      %min3A_315 = arith.minimumf %min3A_241, %gather3A_314 : vector<16xf32>
      %broadcast_in_dim3A_316 = vector.shape_cast %and3A_295 : vector<16xi32> to vector<16x1xi32>
      %gather3A_317 = vector.shape_cast %broadcast_in_dim3A_316 : vector<16x1xi32> to vector<16xi32>
      %gather3A_318 = tpu.dynamic_gather %min3A_245[%gather3A_317] in [0] : vector<16xf32>, vector<16xi32> -> vector<16xf32>
      %min3A_319 = arith.minimumf %min3A_245, %gather3A_318 : vector<16xf32>
      %broadcast_in_dim3A_320 = vector.shape_cast %and3A_295 : vector<16xi32> to vector<16x1xi32>
      %gather3A_321 = vector.shape_cast %broadcast_in_dim3A_320 : vector<16x1xi32> to vector<16xi32>
      %gather3A_322 = tpu.dynamic_gather %min3A_249[%gather3A_321] in [0] : vector<16xf32>, vector<16xi32> -> vector<16xf32>
      %min3A_323 = arith.minimumf %min3A_249, %gather3A_322 : vector<16xf32>
      %broadcast_in_dim3A_324 = vector.shape_cast %and3A_295 : vector<16xi32> to vector<16x1xi32>
      %gather3A_325 = vector.shape_cast %broadcast_in_dim3A_324 : vector<16x1xi32> to vector<16xi32>
      %gather3A_326 = tpu.dynamic_gather %min3A_253[%gather3A_325] in [0] : vector<16xf32>, vector<16xi32> -> vector<16xf32>
      %min3A_327 = arith.minimumf %min3A_253, %gather3A_326 : vector<16xf32>
      %broadcast_in_dim3A_328 = vector.shape_cast %and3A_295 : vector<16xi32> to vector<16x1xi32>
      %gather3A_329 = vector.shape_cast %broadcast_in_dim3A_328 : vector<16x1xi32> to vector<16xi32>
      %gather3A_330 = tpu.dynamic_gather %min3A_257[%gather3A_329] in [0] : vector<16xf32>, vector<16xi32> -> vector<16xf32>
      %min3A_331 = arith.minimumf %min3A_257, %gather3A_330 : vector<16xf32>
      %broadcast_in_dim3A_332 = vector.shape_cast %and3A_295 : vector<16xi32> to vector<16x1xi32>
      %gather3A_333 = vector.shape_cast %broadcast_in_dim3A_332 : vector<16x1xi32> to vector<16xi32>
      %gather3A_334 = tpu.dynamic_gather %min3A_261[%gather3A_333] in [0] : vector<16xf32>, vector<16xi32> -> vector<16xf32>
      %min3A_335 = arith.minimumf %min3A_261, %gather3A_334 : vector<16xf32>
      %broadcast_in_dim3A_336 = vector.shape_cast %and3A_295 : vector<16xi32> to vector<16x1xi32>
      %gather3A_337 = vector.shape_cast %broadcast_in_dim3A_336 : vector<16x1xi32> to vector<16xi32>
      %gather3A_338 = tpu.dynamic_gather %min3A_265[%gather3A_337] in [0] : vector<16xf32>, vector<16xi32> -> vector<16xf32>
      %min3A_339 = arith.minimumf %min3A_265, %gather3A_338 : vector<16xf32>
      %broadcast_in_dim3A_340 = vector.shape_cast %and3A_295 : vector<16xi32> to vector<16x1xi32>
      %gather3A_341 = vector.shape_cast %broadcast_in_dim3A_340 : vector<16x1xi32> to vector<16xi32>
      %gather3A_342 = tpu.dynamic_gather %min3A_269[%gather3A_341] in [0] : vector<16xf32>, vector<16xi32> -> vector<16xf32>
      %min3A_343 = arith.minimumf %min3A_269, %gather3A_342 : vector<16xf32>
      %broadcast_in_dim3A_344 = vector.shape_cast %and3A_295 : vector<16xi32> to vector<16x1xi32>
      %gather3A_345 = vector.shape_cast %broadcast_in_dim3A_344 : vector<16x1xi32> to vector<16xi32>
      %gather3A_346 = tpu.dynamic_gather %min3A_273[%gather3A_345] in [0] : vector<16xf32>, vector<16xi32> -> vector<16xf32>
      %min3A_347 = arith.minimumf %min3A_273, %gather3A_346 : vector<16xf32>
      %broadcast_in_dim3A_348 = vector.shape_cast %and3A_295 : vector<16xi32> to vector<16x1xi32>
      %gather3A_349 = vector.shape_cast %broadcast_in_dim3A_348 : vector<16x1xi32> to vector<16xi32>
      %gather3A_350 = tpu.dynamic_gather %min3A_277[%gather3A_349] in [0] : vector<16xf32>, vector<16xi32> -> vector<16xf32>
      %min3A_351 = arith.minimumf %min3A_277, %gather3A_350 : vector<16xf32>
      %broadcast_in_dim3A_352 = vector.shape_cast %and3A_295 : vector<16xi32> to vector<16x1xi32>
      %gather3A_353 = vector.shape_cast %broadcast_in_dim3A_352 : vector<16x1xi32> to vector<16xi32>
      %gather3A_354 = tpu.dynamic_gather %min3A_281[%gather3A_353] in [0] : vector<16xf32>, vector<16xi32> -> vector<16xf32>
      %min3A_355 = arith.minimumf %min3A_281, %gather3A_354 : vector<16xf32>
      %broadcast_in_dim3A_356 = vector.shape_cast %and3A_295 : vector<16xi32> to vector<16x1xi32>
      %gather3A_357 = vector.shape_cast %broadcast_in_dim3A_356 : vector<16x1xi32> to vector<16xi32>
      %gather3A_358 = tpu.dynamic_gather %min3A_285[%gather3A_357] in [0] : vector<16xf32>, vector<16xi32> -> vector<16xf32>
      %min3A_359 = arith.minimumf %min3A_285, %gather3A_358 : vector<16xf32>
      %broadcast_in_dim3A_360 = vector.shape_cast %and3A_295 : vector<16xi32> to vector<16x1xi32>
      %gather3A_361 = vector.shape_cast %broadcast_in_dim3A_360 : vector<16x1xi32> to vector<16xi32>
      %gather3A_362 = tpu.dynamic_gather %min3A_289[%gather3A_361] in [0] : vector<16xf32>, vector<16xi32> -> vector<16xf32>
      %min3A_363 = arith.minimumf %min3A_289, %gather3A_362 : vector<16xf32>
      %swap3A = arith.constant 0 : index
      %swap3A_364 = tpu.vector_load %arg12[%swap3A] {strides = array<i32>} : memref<256xf32, #tpu.memory_space<vmem>>, vector<16xf32>,
      tpu.vector_store %arg12[%swap3A], %min3A_303 {strides = array<i32>} : memref<256xf32, #tpu.memory_space<vmem>>, vector<16xf32>,
      %swap3A_365 = arith.constant 16 : index
      %swap3A_366 = tpu.vector_load %arg12[%swap3A_365] {strides = array<i32>} : memref<256xf32, #tpu.memory_space<vmem>>, vector<16xf32>,
      tpu.vector_store %arg12[%swap3A_365], %min3A_307 {strides = array<i32>} : memref<256xf32, #tpu.memory_space<vmem>>, vector<16xf32>,
      %swap3A_367 = arith.constant 32 : index
      %swap3A_368 = tpu.vector_load %arg12[%swap3A_367] {strides = array<i32>} : memref<256xf32, #tpu.memory_space<vmem>>, vector<16xf32>,
      tpu.vector_store %arg12[%swap3A_367], %min3A_311 {strides = array<i32>} : memref<256xf32, #tpu.memory_space<vmem>>, vector<16xf32>,
      %swap3A_369 = arith.constant 48 : index
      %swap3A_370 = tpu.vector_load %arg12[%swap3A_369] {strides = array<i32>} : memref<256xf32, #tpu.memory_space<vmem>>, vector<16xf32>,
      tpu.vector_store %arg12[%swap3A_369], %min3A_315 {strides = array<i32>} : memref<256xf32, #tpu.memory_space<vmem>>, vector<16xf32>,
      %swap3A_371 = arith.constant 64 : index
      %swap3A_372 = tpu.vector_load %arg12[%swap3A_371] {strides = array<i32>} : memref<256xf32, #tpu.memory_space<vmem>>, vector<16xf32>,
      tpu.vector_store %arg12[%swap3A_371], %min3A_319 {strides = array<i32>} : memref<256xf32, #tpu.memory_space<vmem>>, vector<16xf32>,
      %swap3A_373 = arith.constant 80 : index
      %swap3A_374 = tpu.vector_load %arg12[%swap3A_373] {strides = array<i32>} : memref<256xf32, #tpu.memory_space<vmem>>, vector<16xf32>,
      tpu.vector_store %arg12[%swap3A_373], %min3A_323 {strides = array<i32>} : memref<256xf32, #tpu.memory_space<vmem>>, vector<16xf32>,
      %swap3A_375 = arith.constant 96 : index
      %swap3A_376 = tpu.vector_load %arg12[%swap3A_375] {strides = array<i32>} : memref<256xf32, #tpu.memory_space<vmem>>, vector<16xf32>,
      tpu.vector_store %arg12[%swap3A_375], %min3A_327 {strides = array<i32>} : memref<256xf32, #tpu.memory_space<vmem>>, vector<16xf32>,
      %swap3A_377 = arith.constant 112 : index
      %swap3A_378 = tpu.vector_load %arg12[%swap3A_377] {strides = array<i32>} : memref<256xf32, #tpu.memory_space<vmem>>, vector<16xf32>,
      tpu.vector_store %arg12[%swap3A_377], %min3A_331 {strides = array<i32>} : memref<256xf32, #tpu.memory_space<vmem>>, vector<16xf32>,
      %swap3A_379 = arith.constant 128 : index
      %swap3A_380 = tpu.vector_load %arg12[%swap3A_379] {strides = array<i32>} : memref<256xf32, #tpu.memory_space<vmem>>, vector<16xf32>,
      tpu.vector_store %arg12[%swap3A_379], %min3A_335 {strides = array<i32>} : memref<256xf32, #tpu.memory_space<vmem>>, vector<16xf32>,
      %swap3A_381 = arith.constant 144 : index
      %swap3A_382 = tpu.vector_load %arg12[%swap3A_381] {strides = array<i32>} : memref<256xf32, #tpu.memory_space<vmem>>, vector<16xf32>,
      tpu.vector_store %arg12[%swap3A_381], %min3A_339 {strides = array<i32>} : memref<256xf32, #tpu.memory_space<vmem>>, vector<16xf32>,
      %swap3A_383 = arith.constant 160 : index
      %swap3A_384 = tpu.vector_load %arg12[%swap3A_383] {strides = array<i32>} : memref<256xf32, #tpu.memory_space<vmem>>, vector<16xf32>,
      tpu.vector_store %arg12[%swap3A_383], %min3A_343 {strides = array<i32>} : memref<256xf32, #tpu.memory_space<vmem>>, vector<16xf32>,
      %swap3A_385 = arith.constant 176 : index
      %swap3A_386 = tpu.vector_load %arg12[%swap3A_385] {strides = array<i32>} : memref<256xf32, #tpu.memory_space<vmem>>, vector<16xf32>,
      tpu.vector_store %arg12[%swap3A_385], %min3A_347 {strides = array<i32>} : memref<256xf32, #tpu.memory_space<vmem>>, vector<16xf32>,
      %swap3A_387 = arith.constant 192 : index
      %swap3A_388 = tpu.vector_load %arg12[%swap3A_387] {strides = array<i32>} : memref<256xf32, #tpu.memory_space<vmem>>, vector<16xf32>,
      tpu.vector_store %arg12[%swap3A_387], %min3A_351 {strides = array<i32>} : memref<256xf32, #tpu.memory_space<vmem>>, vector<16xf32>,
      %swap3A_389 = arith.constant 208 : index
      %swap3A_390 = tpu.vector_load %arg12[%swap3A_389] {strides = array<i32>} : memref<256xf32, #tpu.memory_space<vmem>>, vector<16xf32>,
      tpu.vector_store %arg12[%swap3A_389], %min3A_355 {strides = array<i32>} : memref<256xf32, #tpu.memory_space<vmem>>, vector<16xf32>,
      %swap3A_391 = arith.constant 224 : index
      %swap3A_392 = tpu.vector_load %arg12[%swap3A_391] {strides = array<i32>} : memref<256xf32, #tpu.memory_space<vmem>>, vector<16xf32>,
      tpu.vector_store %arg12[%swap3A_391], %min3A_359 {strides = array<i32>} : memref<256xf32, #tpu.memory_space<vmem>>, vector<16xf32>,
      %swap3A_393 = arith.constant 240 : index
      %swap3A_394 = tpu.vector_load %arg12[%swap3A_393] {strides = array<i32>} : memref<256xf32, #tpu.memory_space<vmem>>, vector<16xf32>,
      tpu.vector_store %arg12[%swap3A_393], %min3A_363 {strides = array<i32>} : memref<256xf32, #tpu.memory_space<vmem>>, vector<16xf32>,
      %mul3A_395 = arith.constant 16 : i32
      %mul3A_396 = vector.broadcast %mul3A_395 : i32 to vector<16xi32>
      %mul3A_397 = arith.muli %iota3A, %mul3A_396 : vector<16xi32>
      %gather3A_398 = tpu.vector_load_idx %arg12[%mul3A_397] : memref<256xf32, #tpu.memory_space<vmem>>[vector<16xi32>], vector<16xf32>,
      %broadcast_in_dim3A_399 = vector.broadcast %mul3A_70 : i32 to vector<16xi32>
      %gather3A_400 = tpu.vector_load_idx %arg10[%broadcast_in_dim3A_399] : memref<64xi32, #tpu.memory_space<vmem>>[vector<16xi32>], vector<16xi32>,
      %gather3A_401 = tpu.vector_load_idx %arg7[%iota3A, %gather3A_400] : memref<16x2048xf32, #tpu.memory_space<vmem>>[vector<16xi32>, vector<16xi32>], vector<16xf32>,
      %gt3A = arith.constant 5.000000e-01 : f32
      %gt3A_402 = vector.broadcast %gt3A : f32 to vector<16xf32>
      %gt3A_403 = arith.cmpf ogt, %min3A_299, %gt3A_402 : vector<16xf32>
      %jit3A = arith.constant 0x7F800000 : f32
      %broadcast_in_dim3A_404 = vector.broadcast %jit3A : f32 to vector<16xf32>
      %select_n3A = arith.select %gt3A_403, %gather3A_401, %broadcast_in_dim3A_404 : vector<16xi1>, vector<16xf32>
      %min3A_405 = arith.minimumf %gather3A_398, %select_n3A : vector<16xf32>
      %broadcast_in_dim3A_406 = vector.broadcast %mul3A_70 : i32 to vector<16xi32>
      tpu.vector_store_idx %arg11[%broadcast_in_dim3A_406, %iota3A], %min3A_405 : memref<64x16xf32, #tpu.memory_space<vmem>>[vector<16xi32>, vector<16xi32>], vector<16xf32>,
      %mul3A_407 = arith.constant 2 : i32
      %mul3A_408 = arith.muli %mul3A_407, %add3A_33 : i32
      %add3A_409 = arith.constant 1 : i32
      %add3A_410 = arith.addi %mul3A_408, %add3A_409 : i32
      %add3A_411 = arith.constant 8 : i32
      %add3A_412 = vector.broadcast %add3A_411 : i32 to vector<16xi32>
      %add3A_413 = arith.addi %iota3A, %add3A_412 : vector<16xi32>
      %and3A_414 = arith.constant 15 : i32
      %and3A_415 = vector.broadcast %and3A_414 : i32 to vector<16xi32>
      %and3A_416 = arith.andi %add3A_413, %and3A_415 : vector<16xi32>
      %broadcast_in_dim3A_417 = vector.shape_cast %and3A_416 : vector<16xi32> to vector<16x1xi32>
      %gather3A_418 = vector.shape_cast %broadcast_in_dim3A_417 : vector<16x1xi32> to vector<16xi32>
      %gather3A_419 = tpu.dynamic_gather %scan3A_67#33[%gather3A_418] in [0] : vector<16xf32>, vector<16xi32> -> vector<16xf32>
      %min3A_420 = arith.minimumf %scan3A_67#33, %gather3A_419 : vector<16xf32>
      %broadcast_in_dim3A_421 = vector.shape_cast %and3A_416 : vector<16xi32> to vector<16x1xi32>
      %gather3A_422 = vector.shape_cast %broadcast_in_dim3A_421 : vector<16x1xi32> to vector<16xi32>
      %gather3A_423 = tpu.dynamic_gather %scan3A_67#16[%gather3A_422] in [0] : vector<16xf32>, vector<16xi32> -> vector<16xf32>
      %min3A_424 = arith.minimumf %scan3A_67#16, %gather3A_423 : vector<16xf32>
      %broadcast_in_dim3A_425 = vector.shape_cast %and3A_416 : vector<16xi32> to vector<16x1xi32>
      %gather3A_426 = vector.shape_cast %broadcast_in_dim3A_425 : vector<16x1xi32> to vector<16xi32>
      %gather3A_427 = tpu.dynamic_gather %scan3A_67#17[%gather3A_426] in [0] : vector<16xf32>, vector<16xi32> -> vector<16xf32>
      %min3A_428 = arith.minimumf %scan3A_67#17, %gather3A_427 : vector<16xf32>
      %broadcast_in_dim3A_429 = vector.shape_cast %and3A_416 : vector<16xi32> to vector<16x1xi32>
      %gather3A_430 = vector.shape_cast %broadcast_in_dim3A_429 : vector<16x1xi32> to vector<16xi32>
      %gather3A_431 = tpu.dynamic_gather %scan3A_67#18[%gather3A_430] in [0] : vector<16xf32>, vector<16xi32> -> vector<16xf32>
      %min3A_432 = arith.minimumf %scan3A_67#18, %gather3A_431 : vector<16xf32>
      %broadcast_in_dim3A_433 = vector.shape_cast %and3A_416 : vector<16xi32> to vector<16x1xi32>
      %gather3A_434 = vector.shape_cast %broadcast_in_dim3A_433 : vector<16x1xi32> to vector<16xi32>
      %gather3A_435 = tpu.dynamic_gather %scan3A_67#19[%gather3A_434] in [0] : vector<16xf32>, vector<16xi32> -> vector<16xf32>
      %min3A_436 = arith.minimumf %scan3A_67#19, %gather3A_435 : vector<16xf32>
      %broadcast_in_dim3A_437 = vector.shape_cast %and3A_416 : vector<16xi32> to vector<16x1xi32>
      %gather3A_438 = vector.shape_cast %broadcast_in_dim3A_437 : vector<16x1xi32> to vector<16xi32>
      %gather3A_439 = tpu.dynamic_gather %scan3A_67#20[%gather3A_438] in [0] : vector<16xf32>, vector<16xi32> -> vector<16xf32>
      %min3A_440 = arith.minimumf %scan3A_67#20, %gather3A_439 : vector<16xf32>
      %broadcast_in_dim3A_441 = vector.shape_cast %and3A_416 : vector<16xi32> to vector<16x1xi32>
      %gather3A_442 = vector.shape_cast %broadcast_in_dim3A_441 : vector<16x1xi32> to vector<16xi32>
      %gather3A_443 = tpu.dynamic_gather %scan3A_67#21[%gather3A_442] in [0] : vector<16xf32>, vector<16xi32> -> vector<16xf32>
      %min3A_444 = arith.minimumf %scan3A_67#21, %gather3A_443 : vector<16xf32>
      %broadcast_in_dim3A_445 = vector.shape_cast %and3A_416 : vector<16xi32> to vector<16x1xi32>
      %gather3A_446 = vector.shape_cast %broadcast_in_dim3A_445 : vector<16x1xi32> to vector<16xi32>
      %gather3A_447 = tpu.dynamic_gather %scan3A_67#22[%gather3A_446] in [0] : vector<16xf32>, vector<16xi32> -> vector<16xf32>
      %min3A_448 = arith.minimumf %scan3A_67#22, %gather3A_447 : vector<16xf32>
      %broadcast_in_dim3A_449 = vector.shape_cast %and3A_416 : vector<16xi32> to vector<16x1xi32>
      %gather3A_450 = vector.shape_cast %broadcast_in_dim3A_449 : vector<16x1xi32> to vector<16xi32>
      %gather3A_451 = tpu.dynamic_gather %scan3A_67#23[%gather3A_450] in [0] : vector<16xf32>, vector<16xi32> -> vector<16xf32>
      %min3A_452 = arith.minimumf %scan3A_67#23, %gather3A_451 : vector<16xf32>
      %broadcast_in_dim3A_453 = vector.shape_cast %and3A_416 : vector<16xi32> to vector<16x1xi32>
      %gather3A_454 = vector.shape_cast %broadcast_in_dim3A_453 : vector<16x1xi32> to vector<16xi32>
      %gather3A_455 = tpu.dynamic_gather %scan3A_67#24[%gather3A_454] in [0] : vector<16xf32>, vector<16xi32> -> vector<16xf32>
      %min3A_456 = arith.minimumf %scan3A_67#24, %gather3A_455 : vector<16xf32>
      %broadcast_in_dim3A_457 = vector.shape_cast %and3A_416 : vector<16xi32> to vector<16x1xi32>
      %gather3A_458 = vector.shape_cast %broadcast_in_dim3A_457 : vector<16x1xi32> to vector<16xi32>
      %gather3A_459 = tpu.dynamic_gather %scan3A_67#25[%gather3A_458] in [0] : vector<16xf32>, vector<16xi32> -> vector<16xf32>
      %min3A_460 = arith.minimumf %scan3A_67#25, %gather3A_459 : vector<16xf32>
      %broadcast_in_dim3A_461 = vector.shape_cast %and3A_416 : vector<16xi32> to vector<16x1xi32>
      %gather3A_462 = vector.shape_cast %broadcast_in_dim3A_461 : vector<16x1xi32> to vector<16xi32>
      %gather3A_463 = tpu.dynamic_gather %scan3A_67#26[%gather3A_462] in [0] : vector<16xf32>, vector<16xi32> -> vector<16xf32>
      %min3A_464 = arith.minimumf %scan3A_67#26, %gather3A_463 : vector<16xf32>
      %broadcast_in_dim3A_465 = vector.shape_cast %and3A_416 : vector<16xi32> to vector<16x1xi32>
      %gather3A_466 = vector.shape_cast %broadcast_in_dim3A_465 : vector<16x1xi32> to vector<16xi32>
      %gather3A_467 = tpu.dynamic_gather %scan3A_67#27[%gather3A_466] in [0] : vector<16xf32>, vector<16xi32> -> vector<16xf32>
      %min3A_468 = arith.minimumf %scan3A_67#27, %gather3A_467 : vector<16xf32>
      %broadcast_in_dim3A_469 = vector.shape_cast %and3A_416 : vector<16xi32> to vector<16x1xi32>
      %gather3A_470 = vector.shape_cast %broadcast_in_dim3A_469 : vector<16x1xi32> to vector<16xi32>
      %gather3A_471 = tpu.dynamic_gather %scan3A_67#28[%gather3A_470] in [0] : vector<16xf32>, vector<16xi32> -> vector<16xf32>
      %min3A_472 = arith.minimumf %scan3A_67#28, %gather3A_471 : vector<16xf32>
      %broadcast_in_dim3A_473 = vector.shape_cast %and3A_416 : vector<16xi32> to vector<16x1xi32>
      %gather3A_474 = vector.shape_cast %broadcast_in_dim3A_473 : vector<16x1xi32> to vector<16xi32>
      %gather3A_475 = tpu.dynamic_gather %scan3A_67#29[%gather3A_474] in [0] : vector<16xf32>, vector<16xi32> -> vector<16xf32>
      %min3A_476 = arith.minimumf %scan3A_67#29, %gather3A_475 : vector<16xf32>
      %broadcast_in_dim3A_477 = vector.shape_cast %and3A_416 : vector<16xi32> to vector<16x1xi32>
      %gather3A_478 = vector.shape_cast %broadcast_in_dim3A_477 : vector<16x1xi32> to vector<16xi32>
      %gather3A_479 = tpu.dynamic_gather %scan3A_67#30[%gather3A_478] in [0] : vector<16xf32>, vector<16xi32> -> vector<16xf32>
      %min3A_480 = arith.minimumf %scan3A_67#30, %gather3A_479 : vector<16xf32>
      %broadcast_in_dim3A_481 = vector.shape_cast %and3A_416 : vector<16xi32> to vector<16x1xi32>
      %gather3A_482 = vector.shape_cast %broadcast_in_dim3A_481 : vector<16x1xi32> to vector<16xi32>
      %gather3A_483 = tpu.dynamic_gather %scan3A_67#31[%gather3A_482] in [0] : vector<16xf32>, vector<16xi32> -> vector<16xf32>
      %min3A_484 = arith.minimumf %scan3A_67#31, %gather3A_483 : vector<16xf32>
      %add3A_485 = arith.constant 4 : i32
      %add3A_486 = vector.broadcast %add3A_485 : i32 to vector<16xi32>
      %add3A_487 = arith.addi %iota3A, %add3A_486 : vector<16xi32>
      %and3A_488 = arith.constant 15 : i32
      %and3A_489 = vector.broadcast %and3A_488 : i32 to vector<16xi32>
      %and3A_490 = arith.andi %add3A_487, %and3A_489 : vector<16xi32>
      %broadcast_in_dim3A_491 = vector.shape_cast %and3A_490 : vector<16xi32> to vector<16x1xi32>
      %gather3A_492 = vector.shape_cast %broadcast_in_dim3A_491 : vector<16x1xi32> to vector<16xi32>
      %gather3A_493 = tpu.dynamic_gather %min3A_420[%gather3A_492] in [0] : vector<16xf32>, vector<16xi32> -> vector<16xf32>
      %min3A_494 = arith.minimumf %min3A_420, %gather3A_493 : vector<16xf32>
      %broadcast_in_dim3A_495 = vector.shape_cast %and3A_490 : vector<16xi32> to vector<16x1xi32>
      %gather3A_496 = vector.shape_cast %broadcast_in_dim3A_495 : vector<16x1xi32> to vector<16xi32>
      %gather3A_497 = tpu.dynamic_gather %min3A_424[%gather3A_496] in [0] : vector<16xf32>, vector<16xi32> -> vector<16xf32>
      %min3A_498 = arith.minimumf %min3A_424, %gather3A_497 : vector<16xf32>
      %broadcast_in_dim3A_499 = vector.shape_cast %and3A_490 : vector<16xi32> to vector<16x1xi32>
      %gather3A_500 = vector.shape_cast %broadcast_in_dim3A_499 : vector<16x1xi32> to vector<16xi32>
      %gather3A_501 = tpu.dynamic_gather %min3A_428[%gather3A_500] in [0] : vector<16xf32>, vector<16xi32> -> vector<16xf32>
      %min3A_502 = arith.minimumf %min3A_428, %gather3A_501 : vector<16xf32>
      %broadcast_in_dim3A_503 = vector.shape_cast %and3A_490 : vector<16xi32> to vector<16x1xi32>
      %gather3A_504 = vector.shape_cast %broadcast_in_dim3A_503 : vector<16x1xi32> to vector<16xi32>
      %gather3A_505 = tpu.dynamic_gather %min3A_432[%gather3A_504] in [0] : vector<16xf32>, vector<16xi32> -> vector<16xf32>
      %min3A_506 = arith.minimumf %min3A_432, %gather3A_505 : vector<16xf32>
      %broadcast_in_dim3A_507 = vector.shape_cast %and3A_490 : vector<16xi32> to vector<16x1xi32>
      %gather3A_508 = vector.shape_cast %broadcast_in_dim3A_507 : vector<16x1xi32> to vector<16xi32>
      %gather3A_509 = tpu.dynamic_gather %min3A_436[%gather3A_508] in [0] : vector<16xf32>, vector<16xi32> -> vector<16xf32>
      %min3A_510 = arith.minimumf %min3A_436, %gather3A_509 : vector<16xf32>
      %broadcast_in_dim3A_511 = vector.shape_cast %and3A_490 : vector<16xi32> to vector<16x1xi32>
      %gather3A_512 = vector.shape_cast %broadcast_in_dim3A_511 : vector<16x1xi32> to vector<16xi32>
      %gather3A_513 = tpu.dynamic_gather %min3A_440[%gather3A_512] in [0] : vector<16xf32>, vector<16xi32> -> vector<16xf32>
      %min3A_514 = arith.minimumf %min3A_440, %gather3A_513 : vector<16xf32>
      %broadcast_in_dim3A_515 = vector.shape_cast %and3A_490 : vector<16xi32> to vector<16x1xi32>
      %gather3A_516 = vector.shape_cast %broadcast_in_dim3A_515 : vector<16x1xi32> to vector<16xi32>
      %gather3A_517 = tpu.dynamic_gather %min3A_444[%gather3A_516] in [0] : vector<16xf32>, vector<16xi32> -> vector<16xf32>
      %min3A_518 = arith.minimumf %min3A_444, %gather3A_517 : vector<16xf32>
      %broadcast_in_dim3A_519 = vector.shape_cast %and3A_490 : vector<16xi32> to vector<16x1xi32>
      %gather3A_520 = vector.shape_cast %broadcast_in_dim3A_519 : vector<16x1xi32> to vector<16xi32>
      %gather3A_521 = tpu.dynamic_gather %min3A_448[%gather3A_520] in [0] : vector<16xf32>, vector<16xi32> -> vector<16xf32>
      %min3A_522 = arith.minimumf %min3A_448, %gather3A_521 : vector<16xf32>
      %broadcast_in_dim3A_523 = vector.shape_cast %and3A_490 : vector<16xi32> to vector<16x1xi32>
      %gather3A_524 = vector.shape_cast %broadcast_in_dim3A_523 : vector<16x1xi32> to vector<16xi32>
      %gather3A_525 = tpu.dynamic_gather %min3A_452[%gather3A_524] in [0] : vector<16xf32>, vector<16xi32> -> vector<16xf32>
      %min3A_526 = arith.minimumf %min3A_452, %gather3A_525 : vector<16xf32>
      %broadcast_in_dim3A_527 = vector.shape_cast %and3A_490 : vector<16xi32> to vector<16x1xi32>
      %gather3A_528 = vector.shape_cast %broadcast_in_dim3A_527 : vector<16x1xi32> to vector<16xi32>
      %gather3A_529 = tpu.dynamic_gather %min3A_456[%gather3A_528] in [0] : vector<16xf32>, vector<16xi32> -> vector<16xf32>
      %min3A_530 = arith.minimumf %min3A_456, %gather3A_529 : vector<16xf32>
      %broadcast_in_dim3A_531 = vector.shape_cast %and3A_490 : vector<16xi32> to vector<16x1xi32>
      %gather3A_532 = vector.shape_cast %broadcast_in_dim3A_531 : vector<16x1xi32> to vector<16xi32>
      %gather3A_533 = tpu.dynamic_gather %min3A_460[%gather3A_532] in [0] : vector<16xf32>, vector<16xi32> -> vector<16xf32>
      %min3A_534 = arith.minimumf %min3A_460, %gather3A_533 : vector<16xf32>
      %broadcast_in_dim3A_535 = vector.shape_cast %and3A_490 : vector<16xi32> to vector<16x1xi32>
      %gather3A_536 = vector.shape_cast %broadcast_in_dim3A_535 : vector<16x1xi32> to vector<16xi32>
      %gather3A_537 = tpu.dynamic_gather %min3A_464[%gather3A_536] in [0] : vector<16xf32>, vector<16xi32> -> vector<16xf32>
      %min3A_538 = arith.minimumf %min3A_464, %gather3A_537 : vector<16xf32>
      %broadcast_in_dim3A_539 = vector.shape_cast %and3A_490 : vector<16xi32> to vector<16x1xi32>
      %gather3A_540 = vector.shape_cast %broadcast_in_dim3A_539 : vector<16x1xi32> to vector<16xi32>
      %gather3A_541 = tpu.dynamic_gather %min3A_468[%gather3A_540] in [0] : vector<16xf32>, vector<16xi32> -> vector<16xf32>
      %min3A_542 = arith.minimumf %min3A_468, %gather3A_541 : vector<16xf32>
      %broadcast_in_dim3A_543 = vector.shape_cast %and3A_490 : vector<16xi32> to vector<16x1xi32>
      %gather3A_544 = vector.shape_cast %broadcast_in_dim3A_543 : vector<16x1xi32> to vector<16xi32>
      %gather3A_545 = tpu.dynamic_gather %min3A_472[%gather3A_544] in [0] : vector<16xf32>, vector<16xi32> -> vector<16xf32>
      %min3A_546 = arith.minimumf %min3A_472, %gather3A_545 : vector<16xf32>
      %broadcast_in_dim3A_547 = vector.shape_cast %and3A_490 : vector<16xi32> to vector<16x1xi32>
      %gather3A_548 = vector.shape_cast %broadcast_in_dim3A_547 : vector<16x1xi32> to vector<16xi32>
      %gather3A_549 = tpu.dynamic_gather %min3A_476[%gather3A_548] in [0] : vector<16xf32>, vector<16xi32> -> vector<16xf32>
      %min3A_550 = arith.minimumf %min3A_476, %gather3A_549 : vector<16xf32>
      %broadcast_in_dim3A_551 = vector.shape_cast %and3A_490 : vector<16xi32> to vector<16x1xi32>
      %gather3A_552 = vector.shape_cast %broadcast_in_dim3A_551 : vector<16x1xi32> to vector<16xi32>
      %gather3A_553 = tpu.dynamic_gather %min3A_480[%gather3A_552] in [0] : vector<16xf32>, vector<16xi32> -> vector<16xf32>
      %min3A_554 = arith.minimumf %min3A_480, %gather3A_553 : vector<16xf32>
      %broadcast_in_dim3A_555 = vector.shape_cast %and3A_490 : vector<16xi32> to vector<16x1xi32>
      %gather3A_556 = vector.shape_cast %broadcast_in_dim3A_555 : vector<16x1xi32> to vector<16xi32>
      %gather3A_557 = tpu.dynamic_gather %min3A_484[%gather3A_556] in [0] : vector<16xf32>, vector<16xi32> -> vector<16xf32>
      %min3A_558 = arith.minimumf %min3A_484, %gather3A_557 : vector<16xf32>
      %add3A_559 = arith.constant 2 : i32
      %add3A_560 = vector.broadcast %add3A_559 : i32 to vector<16xi32>
      %add3A_561 = arith.addi %iota3A, %add3A_560 : vector<16xi32>
      %and3A_562 = arith.constant 15 : i32
      %and3A_563 = vector.broadcast %and3A_562 : i32 to vector<16xi32>
      %and3A_564 = arith.andi %add3A_561, %and3A_563 : vector<16xi32>
      %broadcast_in_dim3A_565 = vector.shape_cast %and3A_564 : vector<16xi32> to vector<16x1xi32>
      %gather3A_566 = vector.shape_cast %broadcast_in_dim3A_565 : vector<16x1xi32> to vector<16xi32>
      %gather3A_567 = tpu.dynamic_gather %min3A_494[%gather3A_566] in [0] : vector<16xf32>, vector<16xi32> -> vector<16xf32>
      %min3A_568 = arith.minimumf %min3A_494, %gather3A_567 : vector<16xf32>
      %broadcast_in_dim3A_569 = vector.shape_cast %and3A_564 : vector<16xi32> to vector<16x1xi32>
      %gather3A_570 = vector.shape_cast %broadcast_in_dim3A_569 : vector<16x1xi32> to vector<16xi32>
      %gather3A_571 = tpu.dynamic_gather %min3A_498[%gather3A_570] in [0] : vector<16xf32>, vector<16xi32> -> vector<16xf32>
      %min3A_572 = arith.minimumf %min3A_498, %gather3A_571 : vector<16xf32>
      %broadcast_in_dim3A_573 = vector.shape_cast %and3A_564 : vector<16xi32> to vector<16x1xi32>
      %gather3A_574 = vector.shape_cast %broadcast_in_dim3A_573 : vector<16x1xi32> to vector<16xi32>
      %gather3A_575 = tpu.dynamic_gather %min3A_502[%gather3A_574] in [0] : vector<16xf32>, vector<16xi32> -> vector<16xf32>
      %min3A_576 = arith.minimumf %min3A_502, %gather3A_575 : vector<16xf32>
      %broadcast_in_dim3A_577 = vector.shape_cast %and3A_564 : vector<16xi32> to vector<16x1xi32>
      %gather3A_578 = vector.shape_cast %broadcast_in_dim3A_577 : vector<16x1xi32> to vector<16xi32>
      %gather3A_579 = tpu.dynamic_gather %min3A_506[%gather3A_578] in [0] : vector<16xf32>, vector<16xi32> -> vector<16xf32>
      %min3A_580 = arith.minimumf %min3A_506, %gather3A_579 : vector<16xf32>
      %broadcast_in_dim3A_581 = vector.shape_cast %and3A_564 : vector<16xi32> to vector<16x1xi32>
      %gather3A_582 = vector.shape_cast %broadcast_in_dim3A_581 : vector<16x1xi32> to vector<16xi32>
      %gather3A_583 = tpu.dynamic_gather %min3A_510[%gather3A_582] in [0] : vector<16xf32>, vector<16xi32> -> vector<16xf32>
      %min3A_584 = arith.minimumf %min3A_510, %gather3A_583 : vector<16xf32>
      %broadcast_in_dim3A_585 = vector.shape_cast %and3A_564 : vector<16xi32> to vector<16x1xi32>
      %gather3A_586 = vector.shape_cast %broadcast_in_dim3A_585 : vector<16x1xi32> to vector<16xi32>
      %gather3A_587 = tpu.dynamic_gather %min3A_514[%gather3A_586] in [0] : vector<16xf32>, vector<16xi32> -> vector<16xf32>
      %min3A_588 = arith.minimumf %min3A_514, %gather3A_587 : vector<16xf32>
      %broadcast_in_dim3A_589 = vector.shape_cast %and3A_564 : vector<16xi32> to vector<16x1xi32>
      %gather3A_590 = vector.shape_cast %broadcast_in_dim3A_589 : vector<16x1xi32> to vector<16xi32>
      %gather3A_591 = tpu.dynamic_gather %min3A_518[%gather3A_590] in [0] : vector<16xf32>, vector<16xi32> -> vector<16xf32>
      %min3A_592 = arith.minimumf %min3A_518, %gather3A_591 : vector<16xf32>
      %broadcast_in_dim3A_593 = vector.shape_cast %and3A_564 : vector<16xi32> to vector<16x1xi32>
      %gather3A_594 = vector.shape_cast %broadcast_in_dim3A_593 : vector<16x1xi32> to vector<16xi32>
      %gather3A_595 = tpu.dynamic_gather %min3A_522[%gather3A_594] in [0] : vector<16xf32>, vector<16xi32> -> vector<16xf32>
      %min3A_596 = arith.minimumf %min3A_522, %gather3A_595 : vector<16xf32>
      %broadcast_in_dim3A_597 = vector.shape_cast %and3A_564 : vector<16xi32> to vector<16x1xi32>
      %gather3A_598 = vector.shape_cast %broadcast_in_dim3A_597 : vector<16x1xi32> to vector<16xi32>
      %gather3A_599 = tpu.dynamic_gather %min3A_526[%gather3A_598] in [0] : vector<16xf32>, vector<16xi32> -> vector<16xf32>
      %min3A_600 = arith.minimumf %min3A_526, %gather3A_599 : vector<16xf32>
      %broadcast_in_dim3A_601 = vector.shape_cast %and3A_564 : vector<16xi32> to vector<16x1xi32>
      %gather3A_602 = vector.shape_cast %broadcast_in_dim3A_601 : vector<16x1xi32> to vector<16xi32>
      %gather3A_603 = tpu.dynamic_gather %min3A_530[%gather3A_602] in [0] : vector<16xf32>, vector<16xi32> -> vector<16xf32>
      %min3A_604 = arith.minimumf %min3A_530, %gather3A_603 : vector<16xf32>
      %broadcast_in_dim3A_605 = vector.shape_cast %and3A_564 : vector<16xi32> to vector<16x1xi32>
      %gather3A_606 = vector.shape_cast %broadcast_in_dim3A_605 : vector<16x1xi32> to vector<16xi32>
      %gather3A_607 = tpu.dynamic_gather %min3A_534[%gather3A_606] in [0] : vector<16xf32>, vector<16xi32> -> vector<16xf32>
      %min3A_608 = arith.minimumf %min3A_534, %gather3A_607 : vector<16xf32>
      %broadcast_in_dim3A_609 = vector.shape_cast %and3A_564 : vector<16xi32> to vector<16x1xi32>
      %gather3A_610 = vector.shape_cast %broadcast_in_dim3A_609 : vector<16x1xi32> to vector<16xi32>
      %gather3A_611 = tpu.dynamic_gather %min3A_538[%gather3A_610] in [0] : vector<16xf32>, vector<16xi32> -> vector<16xf32>
      %min3A_612 = arith.minimumf %min3A_538, %gather3A_611 : vector<16xf32>
      %broadcast_in_dim3A_613 = vector.shape_cast %and3A_564 : vector<16xi32> to vector<16x1xi32>
      %gather3A_614 = vector.shape_cast %broadcast_in_dim3A_613 : vector<16x1xi32> to vector<16xi32>
      %gather3A_615 = tpu.dynamic_gather %min3A_542[%gather3A_614] in [0] : vector<16xf32>, vector<16xi32> -> vector<16xf32>
      %min3A_616 = arith.minimumf %min3A_542, %gather3A_615 : vector<16xf32>
      %broadcast_in_dim3A_617 = vector.shape_cast %and3A_564 : vector<16xi32> to vector<16x1xi32>
      %gather3A_618 = vector.shape_cast %broadcast_in_dim3A_617 : vector<16x1xi32> to vector<16xi32>
      %gather3A_619 = tpu.dynamic_gather %min3A_546[%gather3A_618] in [0] : vector<16xf32>, vector<16xi32> -> vector<16xf32>
      %min3A_620 = arith.minimumf %min3A_546, %gather3A_619 : vector<16xf32>
      %broadcast_in_dim3A_621 = vector.shape_cast %and3A_564 : vector<16xi32> to vector<16x1xi32>
      %gather3A_622 = vector.shape_cast %broadcast_in_dim3A_621 : vector<16x1xi32> to vector<16xi32>
      %gather3A_623 = tpu.dynamic_gather %min3A_550[%gather3A_622] in [0] : vector<16xf32>, vector<16xi32> -> vector<16xf32>
      %min3A_624 = arith.minimumf %min3A_550, %gather3A_623 : vector<16xf32>
      %broadcast_in_dim3A_625 = vector.shape_cast %and3A_564 : vector<16xi32> to vector<16x1xi32>
      %gather3A_626 = vector.shape_cast %broadcast_in_dim3A_625 : vector<16x1xi32> to vector<16xi32>
      %gather3A_627 = tpu.dynamic_gather %min3A_554[%gather3A_626] in [0] : vector<16xf32>, vector<16xi32> -> vector<16xf32>
      %min3A_628 = arith.minimumf %min3A_554, %gather3A_627 : vector<16xf32>
      %broadcast_in_dim3A_629 = vector.shape_cast %and3A_564 : vector<16xi32> to vector<16x1xi32>
      %gather3A_630 = vector.shape_cast %broadcast_in_dim3A_629 : vector<16x1xi32> to vector<16xi32>
      %gather3A_631 = tpu.dynamic_gather %min3A_558[%gather3A_630] in [0] : vector<16xf32>, vector<16xi32> -> vector<16xf32>
      %min3A_632 = arith.minimumf %min3A_558, %gather3A_631 : vector<16xf32>
      %add3A_633 = arith.constant 1 : i32
      %add3A_634 = vector.broadcast %add3A_633 : i32 to vector<16xi32>
      %add3A_635 = arith.addi %iota3A, %add3A_634 : vector<16xi32>
      %and3A_636 = arith.constant 15 : i32
      %and3A_637 = vector.broadcast %and3A_636 : i32 to vector<16xi32>
      %and3A_638 = arith.andi %add3A_635, %and3A_637 : vector<16xi32>
      %broadcast_in_dim3A_639 = vector.shape_cast %and3A_638 : vector<16xi32> to vector<16x1xi32>
      %gather3A_640 = vector.shape_cast %broadcast_in_dim3A_639 : vector<16x1xi32> to vector<16xi32>
      %gather3A_641 = tpu.dynamic_gather %min3A_568[%gather3A_640] in [0] : vector<16xf32>, vector<16xi32> -> vector<16xf32>
      %min3A_642 = arith.minimumf %min3A_568, %gather3A_641 : vector<16xf32>
      %broadcast_in_dim3A_643 = vector.shape_cast %and3A_638 : vector<16xi32> to vector<16x1xi32>
      %gather3A_644 = vector.shape_cast %broadcast_in_dim3A_643 : vector<16x1xi32> to vector<16xi32>
      %gather3A_645 = tpu.dynamic_gather %min3A_572[%gather3A_644] in [0] : vector<16xf32>, vector<16xi32> -> vector<16xf32>
      %min3A_646 = arith.minimumf %min3A_572, %gather3A_645 : vector<16xf32>
      %broadcast_in_dim3A_647 = vector.shape_cast %and3A_638 : vector<16xi32> to vector<16x1xi32>
      %gather3A_648 = vector.shape_cast %broadcast_in_dim3A_647 : vector<16x1xi32> to vector<16xi32>
      %gather3A_649 = tpu.dynamic_gather %min3A_576[%gather3A_648] in [0] : vector<16xf32>, vector<16xi32> -> vector<16xf32>
      %min3A_650 = arith.minimumf %min3A_576, %gather3A_649 : vector<16xf32>
      %broadcast_in_dim3A_651 = vector.shape_cast %and3A_638 : vector<16xi32> to vector<16x1xi32>
      %gather3A_652 = vector.shape_cast %broadcast_in_dim3A_651 : vector<16x1xi32> to vector<16xi32>
      %gather3A_653 = tpu.dynamic_gather %min3A_580[%gather3A_652] in [0] : vector<16xf32>, vector<16xi32> -> vector<16xf32>
      %min3A_654 = arith.minimumf %min3A_580, %gather3A_653 : vector<16xf32>
      %broadcast_in_dim3A_655 = vector.shape_cast %and3A_638 : vector<16xi32> to vector<16x1xi32>
      %gather3A_656 = vector.shape_cast %broadcast_in_dim3A_655 : vector<16x1xi32> to vector<16xi32>
      %gather3A_657 = tpu.dynamic_gather %min3A_584[%gather3A_656] in [0] : vector<16xf32>, vector<16xi32> -> vector<16xf32>
      %min3A_658 = arith.minimumf %min3A_584, %gather3A_657 : vector<16xf32>
      %broadcast_in_dim3A_659 = vector.shape_cast %and3A_638 : vector<16xi32> to vector<16x1xi32>
      %gather3A_660 = vector.shape_cast %broadcast_in_dim3A_659 : vector<16x1xi32> to vector<16xi32>
      %gather3A_661 = tpu.dynamic_gather %min3A_588[%gather3A_660] in [0] : vector<16xf32>, vector<16xi32> -> vector<16xf32>
      %min3A_662 = arith.minimumf %min3A_588, %gather3A_661 : vector<16xf32>
      %broadcast_in_dim3A_663 = vector.shape_cast %and3A_638 : vector<16xi32> to vector<16x1xi32>
      %gather3A_664 = vector.shape_cast %broadcast_in_dim3A_663 : vector<16x1xi32> to vector<16xi32>
      %gather3A_665 = tpu.dynamic_gather %min3A_592[%gather3A_664] in [0] : vector<16xf32>, vector<16xi32> -> vector<16xf32>
      %min3A_666 = arith.minimumf %min3A_592, %gather3A_665 : vector<16xf32>
      %broadcast_in_dim3A_667 = vector.shape_cast %and3A_638 : vector<16xi32> to vector<16x1xi32>
      %gather3A_668 = vector.shape_cast %broadcast_in_dim3A_667 : vector<16x1xi32> to vector<16xi32>
      %gather3A_669 = tpu.dynamic_gather %min3A_596[%gather3A_668] in [0] : vector<16xf32>, vector<16xi32> -> vector<16xf32>
      %min3A_670 = arith.minimumf %min3A_596, %gather3A_669 : vector<16xf32>
      %broadcast_in_dim3A_671 = vector.shape_cast %and3A_638 : vector<16xi32> to vector<16x1xi32>
      %gather3A_672 = vector.shape_cast %broadcast_in_dim3A_671 : vector<16x1xi32> to vector<16xi32>
      %gather3A_673 = tpu.dynamic_gather %min3A_600[%gather3A_672] in [0] : vector<16xf32>, vector<16xi32> -> vector<16xf32>
      %min3A_674 = arith.minimumf %min3A_600, %gather3A_673 : vector<16xf32>
      %broadcast_in_dim3A_675 = vector.shape_cast %and3A_638 : vector<16xi32> to vector<16x1xi32>
      %gather3A_676 = vector.shape_cast %broadcast_in_dim3A_675 : vector<16x1xi32> to vector<16xi32>
      %gather3A_677 = tpu.dynamic_gather %min3A_604[%gather3A_676] in [0] : vector<16xf32>, vector<16xi32> -> vector<16xf32>
      %min3A_678 = arith.minimumf %min3A_604, %gather3A_677 : vector<16xf32>
      %broadcast_in_dim3A_679 = vector.shape_cast %and3A_638 : vector<16xi32> to vector<16x1xi32>
      %gather3A_680 = vector.shape_cast %broadcast_in_dim3A_679 : vector<16x1xi32> to vector<16xi32>
      %gather3A_681 = tpu.dynamic_gather %min3A_608[%gather3A_680] in [0] : vector<16xf32>, vector<16xi32> -> vector<16xf32>
      %min3A_682 = arith.minimumf %min3A_608, %gather3A_681 : vector<16xf32>
      %broadcast_in_dim3A_683 = vector.shape_cast %and3A_638 : vector<16xi32> to vector<16x1xi32>
      %gather3A_684 = vector.shape_cast %broadcast_in_dim3A_683 : vector<16x1xi32> to vector<16xi32>
      %gather3A_685 = tpu.dynamic_gather %min3A_612[%gather3A_684] in [0] : vector<16xf32>, vector<16xi32> -> vector<16xf32>
      %min3A_686 = arith.minimumf %min3A_612, %gather3A_685 : vector<16xf32>
      %broadcast_in_dim3A_687 = vector.shape_cast %and3A_638 : vector<16xi32> to vector<16x1xi32>
      %gather3A_688 = vector.shape_cast %broadcast_in_dim3A_687 : vector<16x1xi32> to vector<16xi32>
      %gather3A_689 = tpu.dynamic_gather %min3A_616[%gather3A_688] in [0] : vector<16xf32>, vector<16xi32> -> vector<16xf32>
      %min3A_690 = arith.minimumf %min3A_616, %gather3A_689 : vector<16xf32>
      %broadcast_in_dim3A_691 = vector.shape_cast %and3A_638 : vector<16xi32> to vector<16x1xi32>
      %gather3A_692 = vector.shape_cast %broadcast_in_dim3A_691 : vector<16x1xi32> to vector<16xi32>
      %gather3A_693 = tpu.dynamic_gather %min3A_620[%gather3A_692] in [0] : vector<16xf32>, vector<16xi32> -> vector<16xf32>
      %min3A_694 = arith.minimumf %min3A_620, %gather3A_693 : vector<16xf32>
      %broadcast_in_dim3A_695 = vector.shape_cast %and3A_638 : vector<16xi32> to vector<16x1xi32>
      %gather3A_696 = vector.shape_cast %broadcast_in_dim3A_695 : vector<16x1xi32> to vector<16xi32>
      %gather3A_697 = tpu.dynamic_gather %min3A_624[%gather3A_696] in [0] : vector<16xf32>, vector<16xi32> -> vector<16xf32>
      %min3A_698 = arith.minimumf %min3A_624, %gather3A_697 : vector<16xf32>
      %broadcast_in_dim3A_699 = vector.shape_cast %and3A_638 : vector<16xi32> to vector<16x1xi32>
      %gather3A_700 = vector.shape_cast %broadcast_in_dim3A_699 : vector<16x1xi32> to vector<16xi32>
      %gather3A_701 = tpu.dynamic_gather %min3A_628[%gather3A_700] in [0] : vector<16xf32>, vector<16xi32> -> vector<16xf32>
      %min3A_702 = arith.minimumf %min3A_628, %gather3A_701 : vector<16xf32>
      %broadcast_in_dim3A_703 = vector.shape_cast %and3A_638 : vector<16xi32> to vector<16x1xi32>
      %gather3A_704 = vector.shape_cast %broadcast_in_dim3A_703 : vector<16x1xi32> to vector<16xi32>
      %gather3A_705 = tpu.dynamic_gather %min3A_632[%gather3A_704] in [0] : vector<16xf32>, vector<16xi32> -> vector<16xf32>
      %min3A_706 = arith.minimumf %min3A_632, %gather3A_705 : vector<16xf32>
      %swap3A_707 = arith.constant 0 : index
      %swap3A_708 = tpu.vector_load %arg12[%swap3A_707] {strides = array<i32>} : memref<256xf32, #tpu.memory_space<vmem>>, vector<16xf32>,
      tpu.vector_store %arg12[%swap3A_707], %min3A_646 {strides = array<i32>} : memref<256xf32, #tpu.memory_space<vmem>>, vector<16xf32>,
      %swap3A_709 = arith.constant 16 : index
      %swap3A_710 = tpu.vector_load %arg12[%swap3A_709] {strides = array<i32>} : memref<256xf32, #tpu.memory_space<vmem>>, vector<16xf32>,
      tpu.vector_store %arg12[%swap3A_709], %min3A_650 {strides = array<i32>} : memref<256xf32, #tpu.memory_space<vmem>>, vector<16xf32>,
      %swap3A_711 = arith.constant 32 : index
      %swap3A_712 = tpu.vector_load %arg12[%swap3A_711] {strides = array<i32>} : memref<256xf32, #tpu.memory_space<vmem>>, vector<16xf32>,
      tpu.vector_store %arg12[%swap3A_711], %min3A_654 {strides = array<i32>} : memref<256xf32, #tpu.memory_space<vmem>>, vector<16xf32>,
      %swap3A_713 = arith.constant 48 : index
      %swap3A_714 = tpu.vector_load %arg12[%swap3A_713] {strides = array<i32>} : memref<256xf32, #tpu.memory_space<vmem>>, vector<16xf32>,
      tpu.vector_store %arg12[%swap3A_713], %min3A_658 {strides = array<i32>} : memref<256xf32, #tpu.memory_space<vmem>>, vector<16xf32>,
      %swap3A_715 = arith.constant 64 : index
      %swap3A_716 = tpu.vector_load %arg12[%swap3A_715] {strides = array<i32>} : memref<256xf32, #tpu.memory_space<vmem>>, vector<16xf32>,
      tpu.vector_store %arg12[%swap3A_715], %min3A_662 {strides = array<i32>} : memref<256xf32, #tpu.memory_space<vmem>>, vector<16xf32>,
      %swap3A_717 = arith.constant 80 : index
      %swap3A_718 = tpu.vector_load %arg12[%swap3A_717] {strides = array<i32>} : memref<256xf32, #tpu.memory_space<vmem>>, vector<16xf32>,
      tpu.vector_store %arg12[%swap3A_717], %min3A_666 {strides = array<i32>} : memref<256xf32, #tpu.memory_space<vmem>>, vector<16xf32>,
      %swap3A_719 = arith.constant 96 : index
      %swap3A_720 = tpu.vector_load %arg12[%swap3A_719] {strides = array<i32>} : memref<256xf32, #tpu.memory_space<vmem>>, vector<16xf32>,
      tpu.vector_store %arg12[%swap3A_719], %min3A_670 {strides = array<i32>} : memref<256xf32, #tpu.memory_space<vmem>>, vector<16xf32>,
      %swap3A_721 = arith.constant 112 : index
      %swap3A_722 = tpu.vector_load %arg12[%swap3A_721] {strides = array<i32>} : memref<256xf32, #tpu.memory_space<vmem>>, vector<16xf32>,
      tpu.vector_store %arg12[%swap3A_721], %min3A_674 {strides = array<i32>} : memref<256xf32, #tpu.memory_space<vmem>>, vector<16xf32>,
      %swap3A_723 = arith.constant 128 : index
      %swap3A_724 = tpu.vector_load %arg12[%swap3A_723] {strides = array<i32>} : memref<256xf32, #tpu.memory_space<vmem>>, vector<16xf32>,
      tpu.vector_store %arg12[%swap3A_723], %min3A_678 {strides = array<i32>} : memref<256xf32, #tpu.memory_space<vmem>>, vector<16xf32>,
      %swap3A_725 = arith.constant 144 : index
      %swap3A_726 = tpu.vector_load %arg12[%swap3A_725] {strides = array<i32>} : memref<256xf32, #tpu.memory_space<vmem>>, vector<16xf32>,
      tpu.vector_store %arg12[%swap3A_725], %min3A_682 {strides = array<i32>} : memref<256xf32, #tpu.memory_space<vmem>>, vector<16xf32>,
      %swap3A_727 = arith.constant 160 : index
      %swap3A_728 = tpu.vector_load %arg12[%swap3A_727] {strides = array<i32>} : memref<256xf32, #tpu.memory_space<vmem>>, vector<16xf32>,
      tpu.vector_store %arg12[%swap3A_727], %min3A_686 {strides = array<i32>} : memref<256xf32, #tpu.memory_space<vmem>>, vector<16xf32>,
      %swap3A_729 = arith.constant 176 : index
      %swap3A_730 = tpu.vector_load %arg12[%swap3A_729] {strides = array<i32>} : memref<256xf32, #tpu.memory_space<vmem>>, vector<16xf32>,
      tpu.vector_store %arg12[%swap3A_729], %min3A_690 {strides = array<i32>} : memref<256xf32, #tpu.memory_space<vmem>>, vector<16xf32>,
      %swap3A_731 = arith.constant 192 : index
      %swap3A_732 = tpu.vector_load %arg12[%swap3A_731] {strides = array<i32>} : memref<256xf32, #tpu.memory_space<vmem>>, vector<16xf32>,
      tpu.vector_store %arg12[%swap3A_731], %min3A_694 {strides = array<i32>} : memref<256xf32, #tpu.memory_space<vmem>>, vector<16xf32>,
      %swap3A_733 = arith.constant 208 : index
      %swap3A_734 = tpu.vector_load %arg12[%swap3A_733] {strides = array<i32>} : memref<256xf32, #tpu.memory_space<vmem>>, vector<16xf32>,
      tpu.vector_store %arg12[%swap3A_733], %min3A_698 {strides = array<i32>} : memref<256xf32, #tpu.memory_space<vmem>>, vector<16xf32>,
      %swap3A_735 = arith.constant 224 : index
      %swap3A_736 = tpu.vector_load %arg12[%swap3A_735] {strides = array<i32>} : memref<256xf32, #tpu.memory_space<vmem>>, vector<16xf32>,
      tpu.vector_store %arg12[%swap3A_735], %min3A_702 {strides = array<i32>} : memref<256xf32, #tpu.memory_space<vmem>>, vector<16xf32>,
      %swap3A_737 = arith.constant 240 : index
      %swap3A_738 = tpu.vector_load %arg12[%swap3A_737] {strides = array<i32>} : memref<256xf32, #tpu.memory_space<vmem>>, vector<16xf32>,
      tpu.vector_store %arg12[%swap3A_737], %min3A_706 {strides = array<i32>} : memref<256xf32, #tpu.memory_space<vmem>>, vector<16xf32>,
      %mul3A_739 = arith.constant 16 : i32
      %mul3A_740 = vector.broadcast %mul3A_739 : i32 to vector<16xi32>
      %mul3A_741 = arith.muli %iota3A, %mul3A_740 : vector<16xi32>
      %gather3A_742 = tpu.vector_load_idx %arg12[%mul3A_741] : memref<256xf32, #tpu.memory_space<vmem>>[vector<16xi32>], vector<16xf32>,
      %broadcast_in_dim3A_743 = vector.broadcast %add3A_410 : i32 to vector<16xi32>
      %gather3A_744 = tpu.vector_load_idx %arg10[%broadcast_in_dim3A_743] : memref<64xi32, #tpu.memory_space<vmem>>[vector<16xi32>], vector<16xi32>,
      %gather3A_745 = tpu.vector_load_idx %arg7[%iota3A, %gather3A_744] : memref<16x2048xf32, #tpu.memory_space<vmem>>[vector<16xi32>, vector<16xi32>], vector<16xf32>,
      %gt3A_746 = arith.constant 5.000000e-01 : f32
      %gt3A_747 = vector.broadcast %gt3A_746 : f32 to vector<16xf32>
      %gt3A_748 = arith.cmpf ogt, %min3A_642, %gt3A_747 : vector<16xf32>
      %jit3A_749 = arith.constant 0x7F800000 : f32
      %broadcast_in_dim3A_750 = vector.broadcast %jit3A_749 : f32 to vector<16xf32>
      %select_n3A_751 = arith.select %gt3A_748, %gather3A_745, %broadcast_in_dim3A_750 : vector<16xi1>, vector<16xf32>
      %min3A_752 = arith.minimumf %gather3A_742, %select_n3A_751 : vector<16xf32>
      %broadcast_in_dim3A_753 = vector.broadcast %add3A_410 : i32 to vector<16xi32>
      tpu.vector_store_idx %arg11[%broadcast_in_dim3A_753, %iota3A], %min3A_752 : memref<64x16xf32, #tpu.memory_space<vmem>>[vector<16xi32>, vector<16xi32>], vector<16xf32>,
      %mul3A_754 = arith.constant 2 : i32
      %mul3A_755 = arith.muli %mul3A_754, %scan3A_29 : i32
      %add3A_756 = arith.constant 1 : i32
      %add3A_757 = arith.addi %mul3A_755, %add3A_756 : i32
      %add3A_758 = arith.constant 1 : i32
      %add3A_759 = arith.addi %add3A_757, %add3A_758 : i32
      %lt3A_760 = arith.constant 32 : i32
      %lt3A_761 = arith.cmpi slt, %add3A_759, %lt3A_760 : i32
      %convert_element_type3A_762 = arith.extui %lt3A_761 : i1 to i32
      %cond3A_763 = arith.constant 0 : i32
      %cond3A_764 = arith.cmpi ne, %convert_element_type3A_762, %cond3A_763 : i32
      scf.if %cond3A_764 {
        %add3A_1490 = arith.constant 1 : i32
        %add3A_1491 = arith.addi %add3A_757, %add3A_1490 : i32
        %mul3A_1492 = arith.constant 2 : i32
        %mul3A_1493 = arith.muli %mul3A_1492, %add3A_1491 : i32
        %add3A_1494 = arith.addi %multiple_of3A, %mul3A_1493 : i32
        %mul3A_1495 = arith.constant 2048 : i32
        %mul3A_1496 = arith.muli %add3A_1494, %mul3A_1495 : i32
        %dma_start3A_1497 = arith.constant 0 : i32
        %dma_start3A_1498 = arith.constant 0 : i32
        %dma_start3A_1499 = tpu.memref_slice %arg8[%dma_start3A_1497, %dma_start3A_1498] : memref<2x4096xf32, #tpu.memory_space<vmem>> -> memref<1x4096xf32, #tpu.memory_space<vmem>>
        %dma_start3A_1500 = tpu.memref_squeeze %dma_start3A_1499 : memref<1x4096xf32, #tpu.memory_space<vmem>> -> memref<4096xf32, #tpu.memory_space<vmem>>
        %dma_start3A_1501 = tpu.memref_slice %arg3[%mul3A_1496] : memref<4194304xf32, #tpu.memory_space<hbm>> -> memref<4096xf32, #tpu.memory_space<hbm>>
        %dma_start3A_1502 = arith.constant 0 : i32
        %dma_start3A_1503 = tpu.memref_slice %arg8[%dma_start3A_1497, %dma_start3A_1502] : memref<2x4096xf32, #tpu.memory_space<vmem>> -> memref<1x4096xf32, #tpu.memory_space<vmem>>
        %dma_start3A_1504 = tpu.memref_squeeze %dma_start3A_1503 : memref<1x4096xf32, #tpu.memory_space<vmem>> -> memref<4096xf32, #tpu.memory_space<vmem>>
        %dma_start3A_1505 = tpu.memref_slice %arg3[%mul3A_1496] : memref<4194304xf32, #tpu.memory_space<hbm>> -> memref<4096xf32, #tpu.memory_space<hbm>>
        tpu.enqueue_dma source(%dma_start3A_1505 : memref<4096xf32, #tpu.memory_space<hbm>>) target(%dma_start3A_1504 : memref<4096xf32, #tpu.memory_space<vmem>>) target_semaphore(%arg13 : memref<!tpu.dma_semaphore, #tpu.memory_space<semaphore_mem>>)
        %dma_start3A_1506 = arith.constant 0 : i32
        %dma_start3A_1507 = arith.constant 0 : i32
        %dma_start3A_1508 = tpu.memref_slice %arg9[%dma_start3A_1506, %dma_start3A_1507] : memref<2x4096xf32, #tpu.memory_space<vmem>> -> memref<1x4096xf32, #tpu.memory_space<vmem>>
        %dma_start3A_1509 = tpu.memref_squeeze %dma_start3A_1508 : memref<1x4096xf32, #tpu.memory_space<vmem>> -> memref<4096xf32, #tpu.memory_space<vmem>>
        %dma_start3A_1510 = tpu.memref_slice %arg4[%mul3A_1496] : memref<4194304xf32, #tpu.memory_space<hbm>> -> memref<4096xf32, #tpu.memory_space<hbm>>
        %dma_start3A_1511 = arith.constant 0 : i32
        %dma_start3A_1512 = tpu.memref_slice %arg9[%dma_start3A_1506, %dma_start3A_1511] : memref<2x4096xf32, #tpu.memory_space<vmem>> -> memref<1x4096xf32, #tpu.memory_space<vmem>>
        %dma_start3A_1513 = tpu.memref_squeeze %dma_start3A_1512 : memref<1x4096xf32, #tpu.memory_space<vmem>> -> memref<4096xf32, #tpu.memory_space<vmem>>
        %dma_start3A_1514 = tpu.memref_slice %arg4[%mul3A_1496] : memref<4194304xf32, #tpu.memory_space<hbm>> -> memref<4096xf32, #tpu.memory_space<hbm>>
        tpu.enqueue_dma source(%dma_start3A_1514 : memref<4096xf32, #tpu.memory_space<hbm>>) target(%dma_start3A_1513 : memref<4096xf32, #tpu.memory_space<vmem>>) target_semaphore(%arg15 : memref<!tpu.dma_semaphore, #tpu.memory_space<semaphore_mem>>)
      } else {
      }
      %mul3A_765 = arith.constant 2 : i32
      %mul3A_766 = arith.muli %mul3A_765, %add3A_757 : i32
      %add3A_767 = arith.addi %multiple_of3A, %mul3A_766 : i32
      %mul3A_768 = arith.constant 2048 : i32
      %mul3A_769 = arith.muli %add3A_767, %mul3A_768 : i32
      %dma_wait3A_770 = arith.constant 1 : i32
      %dma_wait3A_771 = arith.constant 0 : i32
      %dma_wait3A_772 = tpu.memref_slice %arg8[%dma_wait3A_770, %dma_wait3A_771] : memref<2x4096xf32, #tpu.memory_space<vmem>> -> memref<1x4096xf32, #tpu.memory_space<vmem>>
      %dma_wait3A_773 = tpu.memref_squeeze %dma_wait3A_772 : memref<1x4096xf32, #tpu.memory_space<vmem>> -> memref<4096xf32, #tpu.memory_space<vmem>>
      %dma_wait3A_774 = tpu.memref_slice %arg3[%mul3A_769] : memref<4194304xf32, #tpu.memory_space<hbm>> -> memref<4096xf32, #tpu.memory_space<hbm>>
      %dma_wait3A_775 = arith.constant 0 : i32
      %dma_wait3A_776 = tpu.memref_slice %arg8[%dma_wait3A_770, %dma_wait3A_775] : memref<2x4096xf32, #tpu.memory_space<vmem>> -> memref<1x4096xf32, #tpu.memory_space<vmem>>
      %dma_wait3A_777 = tpu.memref_squeeze %dma_wait3A_776 : memref<1x4096xf32, #tpu.memory_space<vmem>> -> memref<4096xf32, #tpu.memory_space<vmem>>
      %dma_wait3A_778 = tpu.memref_slice %arg3[%mul3A_769] : memref<4194304xf32, #tpu.memory_space<hbm>> -> memref<4096xf32, #tpu.memory_space<hbm>>
      tpu.wait_dma2 semaphore(%arg14 : memref<!tpu.dma_semaphore, #tpu.memory_space<semaphore_mem>>) src(%dma_wait3A_778 : memref<4096xf32, #tpu.memory_space<hbm>>) dst(%dma_wait3A_777 : memref<4096xf32, #tpu.memory_space<vmem>>)
      %dma_wait3A_779 = arith.constant 1 : i32
      %dma_wait3A_780 = arith.constant 0 : i32
      %dma_wait3A_781 = tpu.memref_slice %arg9[%dma_wait3A_779, %dma_wait3A_780] : memref<2x4096xf32, #tpu.memory_space<vmem>> -> memref<1x4096xf32, #tpu.memory_space<vmem>>
      %dma_wait3A_782 = tpu.memref_squeeze %dma_wait3A_781 : memref<1x4096xf32, #tpu.memory_space<vmem>> -> memref<4096xf32, #tpu.memory_space<vmem>>
      %dma_wait3A_783 = tpu.memref_slice %arg4[%mul3A_769] : memref<4194304xf32, #tpu.memory_space<hbm>> -> memref<4096xf32, #tpu.memory_space<hbm>>
      %dma_wait3A_784 = arith.constant 0 : i32
      %dma_wait3A_785 = tpu.memref_slice %arg9[%dma_wait3A_779, %dma_wait3A_784] : memref<2x4096xf32, #tpu.memory_space<vmem>> -> memref<1x4096xf32, #tpu.memory_space<vmem>>
      %dma_wait3A_786 = tpu.memref_squeeze %dma_wait3A_785 : memref<1x4096xf32, #tpu.memory_space<vmem>> -> memref<4096xf32, #tpu.memory_space<vmem>>
      %dma_wait3A_787 = tpu.memref_slice %arg4[%mul3A_769] : memref<4194304xf32, #tpu.memory_space<hbm>> -> memref<4096xf32, #tpu.memory_space<hbm>>
      tpu.wait_dma2 semaphore(%arg16 : memref<!tpu.dma_semaphore, #tpu.memory_space<semaphore_mem>>) src(%dma_wait3A_787 : memref<4096xf32, #tpu.memory_space<hbm>>) dst(%dma_wait3A_786 : memref<4096xf32, #tpu.memory_space<vmem>>)
      %broadcast_in_dim3A_788 = arith.constant 0x7F800000 : f32
      %broadcast_in_dim3A_789 = vector.broadcast %broadcast_in_dim3A_788 : f32 to vector<16xf32>
      %broadcast_in_dim3A_790 = arith.constant 1.000000e+00 : f32
      %broadcast_in_dim3A_791 = vector.broadcast %broadcast_in_dim3A_790 : f32 to vector<16xf32>
      %scan3A_792 = arith.constant 0 : i32
      %scan3A_793 = arith.constant 128 : i32
      %scan3A_794 = arith.addi %scan3A_792, %scan3A_793 : i32
      %scan3A_795 = arith.constant 1 : i32
      %scan3A_796:34 = scf.for %scan3A_1490 = %scan3A_792 to %scan3A_794 step %scan3A_795 iter_args(%scan3A_1491 = %broadcast_in_dim3A_789, %scan3A_1492 = %broadcast_in_dim3A_789, %scan3A_1493 = %broadcast_in_dim3A_789, %scan3A_1494 = %broadcast_in_dim3A_789, %scan3A_1495 = %broadcast_in_dim3A_789, %scan3A_1496 = %broadcast_in_dim3A_789, %scan3A_1497 = %broadcast_in_dim3A_789, %scan3A_1498 = %broadcast_in_dim3A_789, %scan3A_1499 = %broadcast_in_dim3A_789, %scan3A_1500 = %broadcast_in_dim3A_789, %scan3A_1501 = %broadcast_in_dim3A_789, %scan3A_1502 = %broadcast_in_dim3A_789, %scan3A_1503 = %broadcast_in_dim3A_789, %scan3A_1504 = %broadcast_in_dim3A_789, %scan3A_1505 = %broadcast_in_dim3A_789, %scan3A_1506 = %broadcast_in_dim3A_789, %scan3A_1507 = %broadcast_in_dim3A_789, %scan3A_1508 = %broadcast_in_dim3A_789, %scan3A_1509 = %broadcast_in_dim3A_789, %scan3A_1510 = %broadcast_in_dim3A_789, %scan3A_1511 = %broadcast_in_dim3A_789, %scan3A_1512 = %broadcast_in_dim3A_789, %scan3A_1513 = %broadcast_in_dim3A_789, %scan3A_1514 = %broadcast_in_dim3A_789, %scan3A_1515 = %broadcast_in_dim3A_789, %scan3A_1516 = %broadcast_in_dim3A_789, %scan3A_1517 = %broadcast_in_dim3A_789, %scan3A_1518 = %broadcast_in_dim3A_789, %scan3A_1519 = %broadcast_in_dim3A_789, %scan3A_1520 = %broadcast_in_dim3A_789, %scan3A_1521 = %broadcast_in_dim3A_789, %scan3A_1522 = %broadcast_in_dim3A_789, %scan3A_1523 = %broadcast_in_dim3A_791, %scan3A_1524 = %broadcast_in_dim3A_791) -> (vector<16xf32>, vector<16xf32>, vector<16xf32>, vector<16xf32>, vector<16xf32>, vector<16xf32>, vector<16xf32>, vector<16xf32>, vector<16xf32>, vector<16xf32>, vector<16xf32>, vector<16xf32>, vector<16xf32>, vector<16xf32>, vector<16xf32>, vector<16xf32>, vector<16xf32>, vector<16xf32>, vector<16xf32>, vector<16xf32>, vector<16xf32>, vector<16xf32>, vector<16xf32>, vector<16xf32>, vector<16xf32>, vector<16xf32>, vector<16xf32>, vector<16xf32>, vector<16xf32>, vector<16xf32>, vector<16xf32>, vector<16xf32>, vector<16xf32>, vector<16xf32>)  : i32 {
        %mul3A_1525 = arith.constant 16 : i32
        %mul3A_1526 = arith.muli %scan3A_1490, %mul3A_1525 : i32
        %get3A = arith.constant 1 : i32
        %get3A_1527 = arith.index_cast %get3A : i32 to index
        %get3A_1528 = arith.index_cast %mul3A_1526 : i32 to index
        %get3A_1529 = tpu.vector_load %arg8[%get3A_1527, %get3A_1528] {strides = array<i32>} : memref<2x4096xf32, #tpu.memory_space<vmem>>, vector<16xf32>,
        %add3A_1530 = arith.constant 2048 : i32
        %add3A_1531 = arith.addi %add3A_1530, %mul3A_1526 : i32
        %get3A_1532 = arith.constant 1 : i32
        %get3A_1533 = arith.index_cast %get3A_1532 : i32 to index
        %get3A_1534 = arith.index_cast %add3A_1531 : i32 to index
        %get3A_1535 = tpu.vector_load %arg8[%get3A_1533, %get3A_1534] {strides = array<i32>} : memref<2x4096xf32, #tpu.memory_space<vmem>>, vector<16xf32>,
        %get3A_1536 = arith.constant 1 : i32
        %get3A_1537 = arith.index_cast %get3A_1536 : i32 to index
        %get3A_1538 = arith.index_cast %mul3A_1526 : i32 to index
        %get3A_1539 = tpu.vector_load %arg9[%get3A_1537, %get3A_1538] {strides = array<i32>} : memref<2x4096xf32, #tpu.memory_space<vmem>>, vector<16xf32>,
        %add3A_1540 = arith.constant 2048 : i32
        %add3A_1541 = arith.addi %add3A_1540, %mul3A_1526 : i32
        %get3A_1542 = arith.constant 1 : i32
        %get3A_1543 = arith.index_cast %get3A_1542 : i32 to index
        %get3A_1544 = arith.index_cast %add3A_1541 : i32 to index
        %get3A_1545 = tpu.vector_load %arg9[%get3A_1543, %get3A_1544] {strides = array<i32>} : memref<2x4096xf32, #tpu.memory_space<vmem>>, vector<16xf32>,
        %gt3A_1546 = arith.cmpf ogt, %get3A_1529, %get3A_1539 : vector<16xf32>
        %jit3A_1547 = arith.constant 0.000000e+00 : f32
        %jit3A_1548 = arith.constant 1.000000e+00 : f32
        %broadcast_in_dim3A_1549 = vector.broadcast %jit3A_1547 : f32 to vector<16xf32>
        %broadcast_in_dim3A_1550 = vector.broadcast %jit3A_1548 : f32 to vector<16xf32>
        %select_n3A_1551 = arith.select %gt3A_1546, %broadcast_in_dim3A_1549, %broadcast_in_dim3A_1550 : vector<16xi1>, vector<16xf32>
        %gt3A_1552 = arith.cmpf ogt, %get3A_1535, %get3A_1545 : vector<16xf32>
        %jit3A_1553 = arith.constant 0.000000e+00 : f32
        %jit3A_1554 = arith.constant 1.000000e+00 : f32
        %broadcast_in_dim3A_1555 = vector.broadcast %jit3A_1553 : f32 to vector<16xf32>
        %broadcast_in_dim3A_1556 = vector.broadcast %jit3A_1554 : f32 to vector<16xf32>
        %select_n3A_1557 = arith.select %gt3A_1552, %broadcast_in_dim3A_1555, %broadcast_in_dim3A_1556 : vector<16xi1>, vector<16xf32>
        %min3A_1558 = arith.minimumf %scan3A_1523, %select_n3A_1551 : vector<16xf32>
        %min3A_1559 = arith.minimumf %scan3A_1524, %select_n3A_1557 : vector<16xf32>
        %get3A_1560 = arith.constant 0 : i32
        %get3A_1561 = arith.index_cast %get3A_1560 : i32 to index
        %get3A_1562 = arith.index_cast %mul3A_1526 : i32 to index
        %get3A_1563 = tpu.vector_load %arg7[%get3A_1561, %get3A_1562] {strides = array<i32>} : memref<16x2048xf32, #tpu.memory_space<vmem>>, vector<16xf32>,
        %add3A_1564 = arith.addf %get3A_1563, %select_n3A_1551 : vector<16xf32>
        %min3A_1565 = arith.minimumf %scan3A_1491, %add3A_1564 : vector<16xf32>
        %add3A_1566 = arith.addf %get3A_1563, %select_n3A_1557 : vector<16xf32>
        %min3A_1567 = arith.minimumf %scan3A_1507, %add3A_1566 : vector<16xf32>
        %get3A_1568 = arith.constant 1 : i32
        %get3A_1569 = arith.index_cast %get3A_1568 : i32 to index
        %get3A_1570 = arith.index_cast %mul3A_1526 : i32 to index
        %get3A_1571 = tpu.vector_load %arg7[%get3A_1569, %get3A_1570] {strides = array<i32>} : memref<16x2048xf32, #tpu.memory_space<vmem>>, vector<16xf32>,
        %add3A_1572 = arith.addf %get3A_1571, %select_n3A_1551 : vector<16xf32>
        %min3A_1573 = arith.minimumf %scan3A_1492, %add3A_1572 : vector<16xf32>
        %add3A_1574 = arith.addf %get3A_1571, %select_n3A_1557 : vector<16xf32>
        %min3A_1575 = arith.minimumf %scan3A_1508, %add3A_1574 : vector<16xf32>
        %get3A_1576 = arith.constant 2 : i32
        %get3A_1577 = arith.index_cast %get3A_1576 : i32 to index
        %get3A_1578 = arith.index_cast %mul3A_1526 : i32 to index
        %get3A_1579 = tpu.vector_load %arg7[%get3A_1577, %get3A_1578] {strides = array<i32>} : memref<16x2048xf32, #tpu.memory_space<vmem>>, vector<16xf32>,
        %add3A_1580 = arith.addf %get3A_1579, %select_n3A_1551 : vector<16xf32>
        %min3A_1581 = arith.minimumf %scan3A_1493, %add3A_1580 : vector<16xf32>
        %add3A_1582 = arith.addf %get3A_1579, %select_n3A_1557 : vector<16xf32>
        %min3A_1583 = arith.minimumf %scan3A_1509, %add3A_1582 : vector<16xf32>
        %get3A_1584 = arith.constant 3 : i32
        %get3A_1585 = arith.index_cast %get3A_1584 : i32 to index
        %get3A_1586 = arith.index_cast %mul3A_1526 : i32 to index
        %get3A_1587 = tpu.vector_load %arg7[%get3A_1585, %get3A_1586] {strides = array<i32>} : memref<16x2048xf32, #tpu.memory_space<vmem>>, vector<16xf32>,
        %add3A_1588 = arith.addf %get3A_1587, %select_n3A_1551 : vector<16xf32>
        %min3A_1589 = arith.minimumf %scan3A_1494, %add3A_1588 : vector<16xf32>
        %add3A_1590 = arith.addf %get3A_1587, %select_n3A_1557 : vector<16xf32>
        %min3A_1591 = arith.minimumf %scan3A_1510, %add3A_1590 : vector<16xf32>
        %get3A_1592 = arith.constant 4 : i32
        %get3A_1593 = arith.index_cast %get3A_1592 : i32 to index
        %get3A_1594 = arith.index_cast %mul3A_1526 : i32 to index
        %get3A_1595 = tpu.vector_load %arg7[%get3A_1593, %get3A_1594] {strides = array<i32>} : memref<16x2048xf32, #tpu.memory_space<vmem>>, vector<16xf32>,
        %add3A_1596 = arith.addf %get3A_1595, %select_n3A_1551 : vector<16xf32>
        %min3A_1597 = arith.minimumf %scan3A_1495, %add3A_1596 : vector<16xf32>
        %add3A_1598 = arith.addf %get3A_1595, %select_n3A_1557 : vector<16xf32>
        %min3A_1599 = arith.minimumf %scan3A_1511, %add3A_1598 : vector<16xf32>
        %get3A_1600 = arith.constant 5 : i32
        %get3A_1601 = arith.index_cast %get3A_1600 : i32 to index
        %get3A_1602 = arith.index_cast %mul3A_1526 : i32 to index
        %get3A_1603 = tpu.vector_load %arg7[%get3A_1601, %get3A_1602] {strides = array<i32>} : memref<16x2048xf32, #tpu.memory_space<vmem>>, vector<16xf32>,
        %add3A_1604 = arith.addf %get3A_1603, %select_n3A_1551 : vector<16xf32>
        %min3A_1605 = arith.minimumf %scan3A_1496, %add3A_1604 : vector<16xf32>
        %add3A_1606 = arith.addf %get3A_1603, %select_n3A_1557 : vector<16xf32>
        %min3A_1607 = arith.minimumf %scan3A_1512, %add3A_1606 : vector<16xf32>
        %get3A_1608 = arith.constant 6 : i32
        %get3A_1609 = arith.index_cast %get3A_1608 : i32 to index
        %get3A_1610 = arith.index_cast %mul3A_1526 : i32 to index
        %get3A_1611 = tpu.vector_load %arg7[%get3A_1609, %get3A_1610] {strides = array<i32>} : memref<16x2048xf32, #tpu.memory_space<vmem>>, vector<16xf32>,
        %add3A_1612 = arith.addf %get3A_1611, %select_n3A_1551 : vector<16xf32>
        %min3A_1613 = arith.minimumf %scan3A_1497, %add3A_1612 : vector<16xf32>
        %add3A_1614 = arith.addf %get3A_1611, %select_n3A_1557 : vector<16xf32>
        %min3A_1615 = arith.minimumf %scan3A_1513, %add3A_1614 : vector<16xf32>
        %get3A_1616 = arith.constant 7 : i32
        %get3A_1617 = arith.index_cast %get3A_1616 : i32 to index
        %get3A_1618 = arith.index_cast %mul3A_1526 : i32 to index
        %get3A_1619 = tpu.vector_load %arg7[%get3A_1617, %get3A_1618] {strides = array<i32>} : memref<16x2048xf32, #tpu.memory_space<vmem>>, vector<16xf32>,
        %add3A_1620 = arith.addf %get3A_1619, %select_n3A_1551 : vector<16xf32>
        %min3A_1621 = arith.minimumf %scan3A_1498, %add3A_1620 : vector<16xf32>
        %add3A_1622 = arith.addf %get3A_1619, %select_n3A_1557 : vector<16xf32>
        %min3A_1623 = arith.minimumf %scan3A_1514, %add3A_1622 : vector<16xf32>
        %get3A_1624 = arith.constant 8 : i32
        %get3A_1625 = arith.index_cast %get3A_1624 : i32 to index
        %get3A_1626 = arith.index_cast %mul3A_1526 : i32 to index
        %get3A_1627 = tpu.vector_load %arg7[%get3A_1625, %get3A_1626] {strides = array<i32>} : memref<16x2048xf32, #tpu.memory_space<vmem>>, vector<16xf32>,
        %add3A_1628 = arith.addf %get3A_1627, %select_n3A_1551 : vector<16xf32>
        %min3A_1629 = arith.minimumf %scan3A_1499, %add3A_1628 : vector<16xf32>
        %add3A_1630 = arith.addf %get3A_1627, %select_n3A_1557 : vector<16xf32>
        %min3A_1631 = arith.minimumf %scan3A_1515, %add3A_1630 : vector<16xf32>
        %get3A_1632 = arith.constant 9 : i32
        %get3A_1633 = arith.index_cast %get3A_1632 : i32 to index
        %get3A_1634 = arith.index_cast %mul3A_1526 : i32 to index
        %get3A_1635 = tpu.vector_load %arg7[%get3A_1633, %get3A_1634] {strides = array<i32>} : memref<16x2048xf32, #tpu.memory_space<vmem>>, vector<16xf32>,
        %add3A_1636 = arith.addf %get3A_1635, %select_n3A_1551 : vector<16xf32>
        %min3A_1637 = arith.minimumf %scan3A_1500, %add3A_1636 : vector<16xf32>
        %add3A_1638 = arith.addf %get3A_1635, %select_n3A_1557 : vector<16xf32>
        %min3A_1639 = arith.minimumf %scan3A_1516, %add3A_1638 : vector<16xf32>
        %get3A_1640 = arith.constant 10 : i32
        %get3A_1641 = arith.index_cast %get3A_1640 : i32 to index
        %get3A_1642 = arith.index_cast %mul3A_1526 : i32 to index
        %get3A_1643 = tpu.vector_load %arg7[%get3A_1641, %get3A_1642] {strides = array<i32>} : memref<16x2048xf32, #tpu.memory_space<vmem>>, vector<16xf32>,
        %add3A_1644 = arith.addf %get3A_1643, %select_n3A_1551 : vector<16xf32>
        %min3A_1645 = arith.minimumf %scan3A_1501, %add3A_1644 : vector<16xf32>
        %add3A_1646 = arith.addf %get3A_1643, %select_n3A_1557 : vector<16xf32>
        %min3A_1647 = arith.minimumf %scan3A_1517, %add3A_1646 : vector<16xf32>
        %get3A_1648 = arith.constant 11 : i32
        %get3A_1649 = arith.index_cast %get3A_1648 : i32 to index
        %get3A_1650 = arith.index_cast %mul3A_1526 : i32 to index
        %get3A_1651 = tpu.vector_load %arg7[%get3A_1649, %get3A_1650] {strides = array<i32>} : memref<16x2048xf32, #tpu.memory_space<vmem>>, vector<16xf32>,
        %add3A_1652 = arith.addf %get3A_1651, %select_n3A_1551 : vector<16xf32>
        %min3A_1653 = arith.minimumf %scan3A_1502, %add3A_1652 : vector<16xf32>
        %add3A_1654 = arith.addf %get3A_1651, %select_n3A_1557 : vector<16xf32>
        %min3A_1655 = arith.minimumf %scan3A_1518, %add3A_1654 : vector<16xf32>
        %get3A_1656 = arith.constant 12 : i32
        %get3A_1657 = arith.index_cast %get3A_1656 : i32 to index
        %get3A_1658 = arith.index_cast %mul3A_1526 : i32 to index
        %get3A_1659 = tpu.vector_load %arg7[%get3A_1657, %get3A_1658] {strides = array<i32>} : memref<16x2048xf32, #tpu.memory_space<vmem>>, vector<16xf32>,
        %add3A_1660 = arith.addf %get3A_1659, %select_n3A_1551 : vector<16xf32>
        %min3A_1661 = arith.minimumf %scan3A_1503, %add3A_1660 : vector<16xf32>
        %add3A_1662 = arith.addf %get3A_1659, %select_n3A_1557 : vector<16xf32>
        %min3A_1663 = arith.minimumf %scan3A_1519, %add3A_1662 : vector<16xf32>
        %get3A_1664 = arith.constant 13 : i32
        %get3A_1665 = arith.index_cast %get3A_1664 : i32 to index
        %get3A_1666 = arith.index_cast %mul3A_1526 : i32 to index
        %get3A_1667 = tpu.vector_load %arg7[%get3A_1665, %get3A_1666] {strides = array<i32>} : memref<16x2048xf32, #tpu.memory_space<vmem>>, vector<16xf32>,
        %add3A_1668 = arith.addf %get3A_1667, %select_n3A_1551 : vector<16xf32>
        %min3A_1669 = arith.minimumf %scan3A_1504, %add3A_1668 : vector<16xf32>
        %add3A_1670 = arith.addf %get3A_1667, %select_n3A_1557 : vector<16xf32>
        %min3A_1671 = arith.minimumf %scan3A_1520, %add3A_1670 : vector<16xf32>
        %get3A_1672 = arith.constant 14 : i32
        %get3A_1673 = arith.index_cast %get3A_1672 : i32 to index
        %get3A_1674 = arith.index_cast %mul3A_1526 : i32 to index
        %get3A_1675 = tpu.vector_load %arg7[%get3A_1673, %get3A_1674] {strides = array<i32>} : memref<16x2048xf32, #tpu.memory_space<vmem>>, vector<16xf32>,
        %add3A_1676 = arith.addf %get3A_1675, %select_n3A_1551 : vector<16xf32>
        %min3A_1677 = arith.minimumf %scan3A_1505, %add3A_1676 : vector<16xf32>
        %add3A_1678 = arith.addf %get3A_1675, %select_n3A_1557 : vector<16xf32>
        %min3A_1679 = arith.minimumf %scan3A_1521, %add3A_1678 : vector<16xf32>
        %get3A_1680 = arith.constant 15 : i32
        %get3A_1681 = arith.index_cast %get3A_1680 : i32 to index
        %get3A_1682 = arith.index_cast %mul3A_1526 : i32 to index
        %get3A_1683 = tpu.vector_load %arg7[%get3A_1681, %get3A_1682] {strides = array<i32>} : memref<16x2048xf32, #tpu.memory_space<vmem>>, vector<16xf32>,
        %add3A_1684 = arith.addf %get3A_1683, %select_n3A_1551 : vector<16xf32>
        %min3A_1685 = arith.minimumf %scan3A_1506, %add3A_1684 : vector<16xf32>
        %add3A_1686 = arith.addf %get3A_1683, %select_n3A_1557 : vector<16xf32>
        %min3A_1687 = arith.minimumf %scan3A_1522, %add3A_1686 : vector<16xf32>
        scf.yield %min3A_1565, %min3A_1573, %min3A_1581, %min3A_1589, %min3A_1597, %min3A_1605, %min3A_1613, %min3A_1621, %min3A_1629, %min3A_1637, %min3A_1645, %min3A_1653, %min3A_1661, %min3A_1669, %min3A_1677, %min3A_1685, %min3A_1567, %min3A_1575, %min3A_1583, %min3A_1591, %min3A_1599, %min3A_1607, %min3A_1615, %min3A_1623, %min3A_1631, %min3A_1639, %min3A_1647, %min3A_1655, %min3A_1663, %min3A_1671, %min3A_1679, %min3A_1687, %min3A_1558, %min3A_1559 : vector<16xf32>, vector<16xf32>, vector<16xf32>, vector<16xf32>, vector<16xf32>, vector<16xf32>, vector<16xf32>, vector<16xf32>, vector<16xf32>, vector<16xf32>, vector<16xf32>, vector<16xf32>, vector<16xf32>, vector<16xf32>, vector<16xf32>, vector<16xf32>, vector<16xf32>, vector<16xf32>, vector<16xf32>, vector<16xf32>, vector<16xf32>, vector<16xf32>, vector<16xf32>, vector<16xf32>, vector<16xf32>, vector<16xf32>, vector<16xf32>, vector<16xf32>, vector<16xf32>, vector<16xf32>, vector<16xf32>, vector<16xf32>, vector<16xf32>, vector<16xf32>
      }
      %scan3A_797 = arith.constant 128 : i32
      %mul3A_798 = arith.constant 2 : i32
      %mul3A_799 = arith.muli %mul3A_798, %add3A_757 : i32
      %add3A_800 = arith.constant 8 : i32
      %add3A_801 = vector.broadcast %add3A_800 : i32 to vector<16xi32>
      %add3A_802 = arith.addi %iota3A, %add3A_801 : vector<16xi32>
      %and3A_803 = arith.constant 15 : i32
      %and3A_804 = vector.broadcast %and3A_803 : i32 to vector<16xi32>
      %and3A_805 = arith.andi %add3A_802, %and3A_804 : vector<16xi32>
      %broadcast_in_dim3A_806 = vector.shape_cast %and3A_805 : vector<16xi32> to vector<16x1xi32>
      %gather3A_807 = vector.shape_cast %broadcast_in_dim3A_806 : vector<16x1xi32> to vector<16xi32>
      %gather3A_808 = tpu.dynamic_gather %scan3A_796#32[%gather3A_807] in [0] : vector<16xf32>, vector<16xi32> -> vector<16xf32>
      %min3A_809 = arith.minimumf %scan3A_796#32, %gather3A_808 : vector<16xf32>
      %broadcast_in_dim3A_810 = vector.shape_cast %and3A_805 : vector<16xi32> to vector<16x1xi32>
      %gather3A_811 = vector.shape_cast %broadcast_in_dim3A_810 : vector<16x1xi32> to vector<16xi32>
      %gather3A_812 = tpu.dynamic_gather %scan3A_796#0[%gather3A_811] in [0] : vector<16xf32>, vector<16xi32> -> vector<16xf32>
      %min3A_813 = arith.minimumf %scan3A_796#0, %gather3A_812 : vector<16xf32>
      %broadcast_in_dim3A_814 = vector.shape_cast %and3A_805 : vector<16xi32> to vector<16x1xi32>
      %gather3A_815 = vector.shape_cast %broadcast_in_dim3A_814 : vector<16x1xi32> to vector<16xi32>
      %gather3A_816 = tpu.dynamic_gather %scan3A_796#1[%gather3A_815] in [0] : vector<16xf32>, vector<16xi32> -> vector<16xf32>
      %min3A_817 = arith.minimumf %scan3A_796#1, %gather3A_816 : vector<16xf32>
      %broadcast_in_dim3A_818 = vector.shape_cast %and3A_805 : vector<16xi32> to vector<16x1xi32>
      %gather3A_819 = vector.shape_cast %broadcast_in_dim3A_818 : vector<16x1xi32> to vector<16xi32>
      %gather3A_820 = tpu.dynamic_gather %scan3A_796#2[%gather3A_819] in [0] : vector<16xf32>, vector<16xi32> -> vector<16xf32>
      %min3A_821 = arith.minimumf %scan3A_796#2, %gather3A_820 : vector<16xf32>
      %broadcast_in_dim3A_822 = vector.shape_cast %and3A_805 : vector<16xi32> to vector<16x1xi32>
      %gather3A_823 = vector.shape_cast %broadcast_in_dim3A_822 : vector<16x1xi32> to vector<16xi32>
      %gather3A_824 = tpu.dynamic_gather %scan3A_796#3[%gather3A_823] in [0] : vector<16xf32>, vector<16xi32> -> vector<16xf32>
      %min3A_825 = arith.minimumf %scan3A_796#3, %gather3A_824 : vector<16xf32>
      %broadcast_in_dim3A_826 = vector.shape_cast %and3A_805 : vector<16xi32> to vector<16x1xi32>
      %gather3A_827 = vector.shape_cast %broadcast_in_dim3A_826 : vector<16x1xi32> to vector<16xi32>
      %gather3A_828 = tpu.dynamic_gather %scan3A_796#4[%gather3A_827] in [0] : vector<16xf32>, vector<16xi32> -> vector<16xf32>
      %min3A_829 = arith.minimumf %scan3A_796#4, %gather3A_828 : vector<16xf32>
      %broadcast_in_dim3A_830 = vector.shape_cast %and3A_805 : vector<16xi32> to vector<16x1xi32>
      %gather3A_831 = vector.shape_cast %broadcast_in_dim3A_830 : vector<16x1xi32> to vector<16xi32>
      %gather3A_832 = tpu.dynamic_gather %scan3A_796#5[%gather3A_831] in [0] : vector<16xf32>, vector<16xi32> -> vector<16xf32>
      %min3A_833 = arith.minimumf %scan3A_796#5, %gather3A_832 : vector<16xf32>
      %broadcast_in_dim3A_834 = vector.shape_cast %and3A_805 : vector<16xi32> to vector<16x1xi32>
      %gather3A_835 = vector.shape_cast %broadcast_in_dim3A_834 : vector<16x1xi32> to vector<16xi32>
      %gather3A_836 = tpu.dynamic_gather %scan3A_796#6[%gather3A_835] in [0] : vector<16xf32>, vector<16xi32> -> vector<16xf32>
      %min3A_837 = arith.minimumf %scan3A_796#6, %gather3A_836 : vector<16xf32>
      %broadcast_in_dim3A_838 = vector.shape_cast %and3A_805 : vector<16xi32> to vector<16x1xi32>
      %gather3A_839 = vector.shape_cast %broadcast_in_dim3A_838 : vector<16x1xi32> to vector<16xi32>
      %gather3A_840 = tpu.dynamic_gather %scan3A_796#7[%gather3A_839] in [0] : vector<16xf32>, vector<16xi32> -> vector<16xf32>
      %min3A_841 = arith.minimumf %scan3A_796#7, %gather3A_840 : vector<16xf32>
      %broadcast_in_dim3A_842 = vector.shape_cast %and3A_805 : vector<16xi32> to vector<16x1xi32>
      %gather3A_843 = vector.shape_cast %broadcast_in_dim3A_842 : vector<16x1xi32> to vector<16xi32>
      %gather3A_844 = tpu.dynamic_gather %scan3A_796#8[%gather3A_843] in [0] : vector<16xf32>, vector<16xi32> -> vector<16xf32>
      %min3A_845 = arith.minimumf %scan3A_796#8, %gather3A_844 : vector<16xf32>
      %broadcast_in_dim3A_846 = vector.shape_cast %and3A_805 : vector<16xi32> to vector<16x1xi32>
      %gather3A_847 = vector.shape_cast %broadcast_in_dim3A_846 : vector<16x1xi32> to vector<16xi32>
      %gather3A_848 = tpu.dynamic_gather %scan3A_796#9[%gather3A_847] in [0] : vector<16xf32>, vector<16xi32> -> vector<16xf32>
      %min3A_849 = arith.minimumf %scan3A_796#9, %gather3A_848 : vector<16xf32>
      %broadcast_in_dim3A_850 = vector.shape_cast %and3A_805 : vector<16xi32> to vector<16x1xi32>
      %gather3A_851 = vector.shape_cast %broadcast_in_dim3A_850 : vector<16x1xi32> to vector<16xi32>
      %gather3A_852 = tpu.dynamic_gather %scan3A_796#10[%gather3A_851] in [0] : vector<16xf32>, vector<16xi32> -> vector<16xf32>
      %min3A_853 = arith.minimumf %scan3A_796#10, %gather3A_852 : vector<16xf32>
      %broadcast_in_dim3A_854 = vector.shape_cast %and3A_805 : vector<16xi32> to vector<16x1xi32>
      %gather3A_855 = vector.shape_cast %broadcast_in_dim3A_854 : vector<16x1xi32> to vector<16xi32>
      %gather3A_856 = tpu.dynamic_gather %scan3A_796#11[%gather3A_855] in [0] : vector<16xf32>, vector<16xi32> -> vector<16xf32>
      %min3A_857 = arith.minimumf %scan3A_796#11, %gather3A_856 : vector<16xf32>
      %broadcast_in_dim3A_858 = vector.shape_cast %and3A_805 : vector<16xi32> to vector<16x1xi32>
      %gather3A_859 = vector.shape_cast %broadcast_in_dim3A_858 : vector<16x1xi32> to vector<16xi32>
      %gather3A_860 = tpu.dynamic_gather %scan3A_796#12[%gather3A_859] in [0] : vector<16xf32>, vector<16xi32> -> vector<16xf32>
      %min3A_861 = arith.minimumf %scan3A_796#12, %gather3A_860 : vector<16xf32>
      %broadcast_in_dim3A_862 = vector.shape_cast %and3A_805 : vector<16xi32> to vector<16x1xi32>
      %gather3A_863 = vector.shape_cast %broadcast_in_dim3A_862 : vector<16x1xi32> to vector<16xi32>
      %gather3A_864 = tpu.dynamic_gather %scan3A_796#13[%gather3A_863] in [0] : vector<16xf32>, vector<16xi32> -> vector<16xf32>
      %min3A_865 = arith.minimumf %scan3A_796#13, %gather3A_864 : vector<16xf32>
      %broadcast_in_dim3A_866 = vector.shape_cast %and3A_805 : vector<16xi32> to vector<16x1xi32>
      %gather3A_867 = vector.shape_cast %broadcast_in_dim3A_866 : vector<16x1xi32> to vector<16xi32>
      %gather3A_868 = tpu.dynamic_gather %scan3A_796#14[%gather3A_867] in [0] : vector<16xf32>, vector<16xi32> -> vector<16xf32>
      %min3A_869 = arith.minimumf %scan3A_796#14, %gather3A_868 : vector<16xf32>
      %broadcast_in_dim3A_870 = vector.shape_cast %and3A_805 : vector<16xi32> to vector<16x1xi32>
      %gather3A_871 = vector.shape_cast %broadcast_in_dim3A_870 : vector<16x1xi32> to vector<16xi32>
      %gather3A_872 = tpu.dynamic_gather %scan3A_796#15[%gather3A_871] in [0] : vector<16xf32>, vector<16xi32> -> vector<16xf32>
      %min3A_873 = arith.minimumf %scan3A_796#15, %gather3A_872 : vector<16xf32>
      %add3A_874 = arith.constant 4 : i32
      %add3A_875 = vector.broadcast %add3A_874 : i32 to vector<16xi32>
      %add3A_876 = arith.addi %iota3A, %add3A_875 : vector<16xi32>
      %and3A_877 = arith.constant 15 : i32
      %and3A_878 = vector.broadcast %and3A_877 : i32 to vector<16xi32>
      %and3A_879 = arith.andi %add3A_876, %and3A_878 : vector<16xi32>
      %broadcast_in_dim3A_880 = vector.shape_cast %and3A_879 : vector<16xi32> to vector<16x1xi32>
      %gather3A_881 = vector.shape_cast %broadcast_in_dim3A_880 : vector<16x1xi32> to vector<16xi32>
      %gather3A_882 = tpu.dynamic_gather %min3A_809[%gather3A_881] in [0] : vector<16xf32>, vector<16xi32> -> vector<16xf32>
      %min3A_883 = arith.minimumf %min3A_809, %gather3A_882 : vector<16xf32>
      %broadcast_in_dim3A_884 = vector.shape_cast %and3A_879 : vector<16xi32> to vector<16x1xi32>
      %gather3A_885 = vector.shape_cast %broadcast_in_dim3A_884 : vector<16x1xi32> to vector<16xi32>
      %gather3A_886 = tpu.dynamic_gather %min3A_813[%gather3A_885] in [0] : vector<16xf32>, vector<16xi32> -> vector<16xf32>
      %min3A_887 = arith.minimumf %min3A_813, %gather3A_886 : vector<16xf32>
      %broadcast_in_dim3A_888 = vector.shape_cast %and3A_879 : vector<16xi32> to vector<16x1xi32>
      %gather3A_889 = vector.shape_cast %broadcast_in_dim3A_888 : vector<16x1xi32> to vector<16xi32>
      %gather3A_890 = tpu.dynamic_gather %min3A_817[%gather3A_889] in [0] : vector<16xf32>, vector<16xi32> -> vector<16xf32>
      %min3A_891 = arith.minimumf %min3A_817, %gather3A_890 : vector<16xf32>
      %broadcast_in_dim3A_892 = vector.shape_cast %and3A_879 : vector<16xi32> to vector<16x1xi32>
      %gather3A_893 = vector.shape_cast %broadcast_in_dim3A_892 : vector<16x1xi32> to vector<16xi32>
      %gather3A_894 = tpu.dynamic_gather %min3A_821[%gather3A_893] in [0] : vector<16xf32>, vector<16xi32> -> vector<16xf32>
      %min3A_895 = arith.minimumf %min3A_821, %gather3A_894 : vector<16xf32>
      %broadcast_in_dim3A_896 = vector.shape_cast %and3A_879 : vector<16xi32> to vector<16x1xi32>
      %gather3A_897 = vector.shape_cast %broadcast_in_dim3A_896 : vector<16x1xi32> to vector<16xi32>
      %gather3A_898 = tpu.dynamic_gather %min3A_825[%gather3A_897] in [0] : vector<16xf32>, vector<16xi32> -> vector<16xf32>
      %min3A_899 = arith.minimumf %min3A_825, %gather3A_898 : vector<16xf32>
      %broadcast_in_dim3A_900 = vector.shape_cast %and3A_879 : vector<16xi32> to vector<16x1xi32>
      %gather3A_901 = vector.shape_cast %broadcast_in_dim3A_900 : vector<16x1xi32> to vector<16xi32>
      %gather3A_902 = tpu.dynamic_gather %min3A_829[%gather3A_901] in [0] : vector<16xf32>, vector<16xi32> -> vector<16xf32>
      %min3A_903 = arith.minimumf %min3A_829, %gather3A_902 : vector<16xf32>
      %broadcast_in_dim3A_904 = vector.shape_cast %and3A_879 : vector<16xi32> to vector<16x1xi32>
      %gather3A_905 = vector.shape_cast %broadcast_in_dim3A_904 : vector<16x1xi32> to vector<16xi32>
      %gather3A_906 = tpu.dynamic_gather %min3A_833[%gather3A_905] in [0] : vector<16xf32>, vector<16xi32> -> vector<16xf32>
      %min3A_907 = arith.minimumf %min3A_833, %gather3A_906 : vector<16xf32>
      %broadcast_in_dim3A_908 = vector.shape_cast %and3A_879 : vector<16xi32> to vector<16x1xi32>
      %gather3A_909 = vector.shape_cast %broadcast_in_dim3A_908 : vector<16x1xi32> to vector<16xi32>
      %gather3A_910 = tpu.dynamic_gather %min3A_837[%gather3A_909] in [0] : vector<16xf32>, vector<16xi32> -> vector<16xf32>
      %min3A_911 = arith.minimumf %min3A_837, %gather3A_910 : vector<16xf32>
      %broadcast_in_dim3A_912 = vector.shape_cast %and3A_879 : vector<16xi32> to vector<16x1xi32>
      %gather3A_913 = vector.shape_cast %broadcast_in_dim3A_912 : vector<16x1xi32> to vector<16xi32>
      %gather3A_914 = tpu.dynamic_gather %min3A_841[%gather3A_913] in [0] : vector<16xf32>, vector<16xi32> -> vector<16xf32>
      %min3A_915 = arith.minimumf %min3A_841, %gather3A_914 : vector<16xf32>
      %broadcast_in_dim3A_916 = vector.shape_cast %and3A_879 : vector<16xi32> to vector<16x1xi32>
      %gather3A_917 = vector.shape_cast %broadcast_in_dim3A_916 : vector<16x1xi32> to vector<16xi32>
      %gather3A_918 = tpu.dynamic_gather %min3A_845[%gather3A_917] in [0] : vector<16xf32>, vector<16xi32> -> vector<16xf32>
      %min3A_919 = arith.minimumf %min3A_845, %gather3A_918 : vector<16xf32>
      %broadcast_in_dim3A_920 = vector.shape_cast %and3A_879 : vector<16xi32> to vector<16x1xi32>
      %gather3A_921 = vector.shape_cast %broadcast_in_dim3A_920 : vector<16x1xi32> to vector<16xi32>
      %gather3A_922 = tpu.dynamic_gather %min3A_849[%gather3A_921] in [0] : vector<16xf32>, vector<16xi32> -> vector<16xf32>
      %min3A_923 = arith.minimumf %min3A_849, %gather3A_922 : vector<16xf32>
      %broadcast_in_dim3A_924 = vector.shape_cast %and3A_879 : vector<16xi32> to vector<16x1xi32>
      %gather3A_925 = vector.shape_cast %broadcast_in_dim3A_924 : vector<16x1xi32> to vector<16xi32>
      %gather3A_926 = tpu.dynamic_gather %min3A_853[%gather3A_925] in [0] : vector<16xf32>, vector<16xi32> -> vector<16xf32>
      %min3A_927 = arith.minimumf %min3A_853, %gather3A_926 : vector<16xf32>
      %broadcast_in_dim3A_928 = vector.shape_cast %and3A_879 : vector<16xi32> to vector<16x1xi32>
      %gather3A_929 = vector.shape_cast %broadcast_in_dim3A_928 : vector<16x1xi32> to vector<16xi32>
      %gather3A_930 = tpu.dynamic_gather %min3A_857[%gather3A_929] in [0] : vector<16xf32>, vector<16xi32> -> vector<16xf32>
      %min3A_931 = arith.minimumf %min3A_857, %gather3A_930 : vector<16xf32>
      %broadcast_in_dim3A_932 = vector.shape_cast %and3A_879 : vector<16xi32> to vector<16x1xi32>
      %gather3A_933 = vector.shape_cast %broadcast_in_dim3A_932 : vector<16x1xi32> to vector<16xi32>
      %gather3A_934 = tpu.dynamic_gather %min3A_861[%gather3A_933] in [0] : vector<16xf32>, vector<16xi32> -> vector<16xf32>
      %min3A_935 = arith.minimumf %min3A_861, %gather3A_934 : vector<16xf32>
      %broadcast_in_dim3A_936 = vector.shape_cast %and3A_879 : vector<16xi32> to vector<16x1xi32>
      %gather3A_937 = vector.shape_cast %broadcast_in_dim3A_936 : vector<16x1xi32> to vector<16xi32>
      %gather3A_938 = tpu.dynamic_gather %min3A_865[%gather3A_937] in [0] : vector<16xf32>, vector<16xi32> -> vector<16xf32>
      %min3A_939 = arith.minimumf %min3A_865, %gather3A_938 : vector<16xf32>
      %broadcast_in_dim3A_940 = vector.shape_cast %and3A_879 : vector<16xi32> to vector<16x1xi32>
      %gather3A_941 = vector.shape_cast %broadcast_in_dim3A_940 : vector<16x1xi32> to vector<16xi32>
      %gather3A_942 = tpu.dynamic_gather %min3A_869[%gather3A_941] in [0] : vector<16xf32>, vector<16xi32> -> vector<16xf32>
      %min3A_943 = arith.minimumf %min3A_869, %gather3A_942 : vector<16xf32>
      %broadcast_in_dim3A_944 = vector.shape_cast %and3A_879 : vector<16xi32> to vector<16x1xi32>
      %gather3A_945 = vector.shape_cast %broadcast_in_dim3A_944 : vector<16x1xi32> to vector<16xi32>
      %gather3A_946 = tpu.dynamic_gather %min3A_873[%gather3A_945] in [0] : vector<16xf32>, vector<16xi32> -> vector<16xf32>
      %min3A_947 = arith.minimumf %min3A_873, %gather3A_946 : vector<16xf32>
      %add3A_948 = arith.constant 2 : i32
      %add3A_949 = vector.broadcast %add3A_948 : i32 to vector<16xi32>
      %add3A_950 = arith.addi %iota3A, %add3A_949 : vector<16xi32>
      %and3A_951 = arith.constant 15 : i32
      %and3A_952 = vector.broadcast %and3A_951 : i32 to vector<16xi32>
      %and3A_953 = arith.andi %add3A_950, %and3A_952 : vector<16xi32>
      %broadcast_in_dim3A_954 = vector.shape_cast %and3A_953 : vector<16xi32> to vector<16x1xi32>
      %gather3A_955 = vector.shape_cast %broadcast_in_dim3A_954 : vector<16x1xi32> to vector<16xi32>
      %gather3A_956 = tpu.dynamic_gather %min3A_883[%gather3A_955] in [0] : vector<16xf32>, vector<16xi32> -> vector<16xf32>
      %min3A_957 = arith.minimumf %min3A_883, %gather3A_956 : vector<16xf32>
      %broadcast_in_dim3A_958 = vector.shape_cast %and3A_953 : vector<16xi32> to vector<16x1xi32>
      %gather3A_959 = vector.shape_cast %broadcast_in_dim3A_958 : vector<16x1xi32> to vector<16xi32>
      %gather3A_960 = tpu.dynamic_gather %min3A_887[%gather3A_959] in [0] : vector<16xf32>, vector<16xi32> -> vector<16xf32>
      %min3A_961 = arith.minimumf %min3A_887, %gather3A_960 : vector<16xf32>
      %broadcast_in_dim3A_962 = vector.shape_cast %and3A_953 : vector<16xi32> to vector<16x1xi32>
      %gather3A_963 = vector.shape_cast %broadcast_in_dim3A_962 : vector<16x1xi32> to vector<16xi32>
      %gather3A_964 = tpu.dynamic_gather %min3A_891[%gather3A_963] in [0] : vector<16xf32>, vector<16xi32> -> vector<16xf32>
      %min3A_965 = arith.minimumf %min3A_891, %gather3A_964 : vector<16xf32>
      %broadcast_in_dim3A_966 = vector.shape_cast %and3A_953 : vector<16xi32> to vector<16x1xi32>
      %gather3A_967 = vector.shape_cast %broadcast_in_dim3A_966 : vector<16x1xi32> to vector<16xi32>
      %gather3A_968 = tpu.dynamic_gather %min3A_895[%gather3A_967] in [0] : vector<16xf32>, vector<16xi32> -> vector<16xf32>
      %min3A_969 = arith.minimumf %min3A_895, %gather3A_968 : vector<16xf32>
      %broadcast_in_dim3A_970 = vector.shape_cast %and3A_953 : vector<16xi32> to vector<16x1xi32>
      %gather3A_971 = vector.shape_cast %broadcast_in_dim3A_970 : vector<16x1xi32> to vector<16xi32>
      %gather3A_972 = tpu.dynamic_gather %min3A_899[%gather3A_971] in [0] : vector<16xf32>, vector<16xi32> -> vector<16xf32>
      %min3A_973 = arith.minimumf %min3A_899, %gather3A_972 : vector<16xf32>
      %broadcast_in_dim3A_974 = vector.shape_cast %and3A_953 : vector<16xi32> to vector<16x1xi32>
      %gather3A_975 = vector.shape_cast %broadcast_in_dim3A_974 : vector<16x1xi32> to vector<16xi32>
      %gather3A_976 = tpu.dynamic_gather %min3A_903[%gather3A_975] in [0] : vector<16xf32>, vector<16xi32> -> vector<16xf32>
      %min3A_977 = arith.minimumf %min3A_903, %gather3A_976 : vector<16xf32>
      %broadcast_in_dim3A_978 = vector.shape_cast %and3A_953 : vector<16xi32> to vector<16x1xi32>
      %gather3A_979 = vector.shape_cast %broadcast_in_dim3A_978 : vector<16x1xi32> to vector<16xi32>
      %gather3A_980 = tpu.dynamic_gather %min3A_907[%gather3A_979] in [0] : vector<16xf32>, vector<16xi32> -> vector<16xf32>
      %min3A_981 = arith.minimumf %min3A_907, %gather3A_980 : vector<16xf32>
      %broadcast_in_dim3A_982 = vector.shape_cast %and3A_953 : vector<16xi32> to vector<16x1xi32>
      %gather3A_983 = vector.shape_cast %broadcast_in_dim3A_982 : vector<16x1xi32> to vector<16xi32>
      %gather3A_984 = tpu.dynamic_gather %min3A_911[%gather3A_983] in [0] : vector<16xf32>, vector<16xi32> -> vector<16xf32>
      %min3A_985 = arith.minimumf %min3A_911, %gather3A_984 : vector<16xf32>
      %broadcast_in_dim3A_986 = vector.shape_cast %and3A_953 : vector<16xi32> to vector<16x1xi32>
      %gather3A_987 = vector.shape_cast %broadcast_in_dim3A_986 : vector<16x1xi32> to vector<16xi32>
      %gather3A_988 = tpu.dynamic_gather %min3A_915[%gather3A_987] in [0] : vector<16xf32>, vector<16xi32> -> vector<16xf32>
      %min3A_989 = arith.minimumf %min3A_915, %gather3A_988 : vector<16xf32>
      %broadcast_in_dim3A_990 = vector.shape_cast %and3A_953 : vector<16xi32> to vector<16x1xi32>
      %gather3A_991 = vector.shape_cast %broadcast_in_dim3A_990 : vector<16x1xi32> to vector<16xi32>
      %gather3A_992 = tpu.dynamic_gather %min3A_919[%gather3A_991] in [0] : vector<16xf32>, vector<16xi32> -> vector<16xf32>
      %min3A_993 = arith.minimumf %min3A_919, %gather3A_992 : vector<16xf32>
      %broadcast_in_dim3A_994 = vector.shape_cast %and3A_953 : vector<16xi32> to vector<16x1xi32>
      %gather3A_995 = vector.shape_cast %broadcast_in_dim3A_994 : vector<16x1xi32> to vector<16xi32>
      %gather3A_996 = tpu.dynamic_gather %min3A_923[%gather3A_995] in [0] : vector<16xf32>, vector<16xi32> -> vector<16xf32>
      %min3A_997 = arith.minimumf %min3A_923, %gather3A_996 : vector<16xf32>
      %broadcast_in_dim3A_998 = vector.shape_cast %and3A_953 : vector<16xi32> to vector<16x1xi32>
      %gather3A_999 = vector.shape_cast %broadcast_in_dim3A_998 : vector<16x1xi32> to vector<16xi32>
      %gather3A_1000 = tpu.dynamic_gather %min3A_927[%gather3A_999] in [0] : vector<16xf32>, vector<16xi32> -> vector<16xf32>
      %min3A_1001 = arith.minimumf %min3A_927, %gather3A_1000 : vector<16xf32>
      %broadcast_in_dim3A_1002 = vector.shape_cast %and3A_953 : vector<16xi32> to vector<16x1xi32>
      %gather3A_1003 = vector.shape_cast %broadcast_in_dim3A_1002 : vector<16x1xi32> to vector<16xi32>
      %gather3A_1004 = tpu.dynamic_gather %min3A_931[%gather3A_1003] in [0] : vector<16xf32>, vector<16xi32> -> vector<16xf32>
      %min3A_1005 = arith.minimumf %min3A_931, %gather3A_1004 : vector<16xf32>
      %broadcast_in_dim3A_1006 = vector.shape_cast %and3A_953 : vector<16xi32> to vector<16x1xi32>
      %gather3A_1007 = vector.shape_cast %broadcast_in_dim3A_1006 : vector<16x1xi32> to vector<16xi32>
      %gather3A_1008 = tpu.dynamic_gather %min3A_935[%gather3A_1007] in [0] : vector<16xf32>, vector<16xi32> -> vector<16xf32>
      %min3A_1009 = arith.minimumf %min3A_935, %gather3A_1008 : vector<16xf32>
      %broadcast_in_dim3A_1010 = vector.shape_cast %and3A_953 : vector<16xi32> to vector<16x1xi32>
      %gather3A_1011 = vector.shape_cast %broadcast_in_dim3A_1010 : vector<16x1xi32> to vector<16xi32>
      %gather3A_1012 = tpu.dynamic_gather %min3A_939[%gather3A_1011] in [0] : vector<16xf32>, vector<16xi32> -> vector<16xf32>
      %min3A_1013 = arith.minimumf %min3A_939, %gather3A_1012 : vector<16xf32>
      %broadcast_in_dim3A_1014 = vector.shape_cast %and3A_953 : vector<16xi32> to vector<16x1xi32>
      %gather3A_1015 = vector.shape_cast %broadcast_in_dim3A_1014 : vector<16x1xi32> to vector<16xi32>
      %gather3A_1016 = tpu.dynamic_gather %min3A_943[%gather3A_1015] in [0] : vector<16xf32>, vector<16xi32> -> vector<16xf32>
      %min3A_1017 = arith.minimumf %min3A_943, %gather3A_1016 : vector<16xf32>
      %broadcast_in_dim3A_1018 = vector.shape_cast %and3A_953 : vector<16xi32> to vector<16x1xi32>
      %gather3A_1019 = vector.shape_cast %broadcast_in_dim3A_1018 : vector<16x1xi32> to vector<16xi32>
      %gather3A_1020 = tpu.dynamic_gather %min3A_947[%gather3A_1019] in [0] : vector<16xf32>, vector<16xi32> -> vector<16xf32>
      %min3A_1021 = arith.minimumf %min3A_947, %gather3A_1020 : vector<16xf32>
      %add3A_1022 = arith.constant 1 : i32
      %add3A_1023 = vector.broadcast %add3A_1022 : i32 to vector<16xi32>
      %add3A_1024 = arith.addi %iota3A, %add3A_1023 : vector<16xi32>
      %and3A_1025 = arith.constant 15 : i32
      %and3A_1026 = vector.broadcast %and3A_1025 : i32 to vector<16xi32>
      %and3A_1027 = arith.andi %add3A_1024, %and3A_1026 : vector<16xi32>
      %broadcast_in_dim3A_1028 = vector.shape_cast %and3A_1027 : vector<16xi32> to vector<16x1xi32>
      %gather3A_1029 = vector.shape_cast %broadcast_in_dim3A_1028 : vector<16x1xi32> to vector<16xi32>
      %gather3A_1030 = tpu.dynamic_gather %min3A_957[%gather3A_1029] in [0] : vector<16xf32>, vector<16xi32> -> vector<16xf32>
      %min3A_1031 = arith.minimumf %min3A_957, %gather3A_1030 : vector<16xf32>
      %broadcast_in_dim3A_1032 = vector.shape_cast %and3A_1027 : vector<16xi32> to vector<16x1xi32>
      %gather3A_1033 = vector.shape_cast %broadcast_in_dim3A_1032 : vector<16x1xi32> to vector<16xi32>
      %gather3A_1034 = tpu.dynamic_gather %min3A_961[%gather3A_1033] in [0] : vector<16xf32>, vector<16xi32> -> vector<16xf32>
      %min3A_1035 = arith.minimumf %min3A_961, %gather3A_1034 : vector<16xf32>
      %broadcast_in_dim3A_1036 = vector.shape_cast %and3A_1027 : vector<16xi32> to vector<16x1xi32>
      %gather3A_1037 = vector.shape_cast %broadcast_in_dim3A_1036 : vector<16x1xi32> to vector<16xi32>
      %gather3A_1038 = tpu.dynamic_gather %min3A_965[%gather3A_1037] in [0] : vector<16xf32>, vector<16xi32> -> vector<16xf32>
      %min3A_1039 = arith.minimumf %min3A_965, %gather3A_1038 : vector<16xf32>
      %broadcast_in_dim3A_1040 = vector.shape_cast %and3A_1027 : vector<16xi32> to vector<16x1xi32>
      %gather3A_1041 = vector.shape_cast %broadcast_in_dim3A_1040 : vector<16x1xi32> to vector<16xi32>
      %gather3A_1042 = tpu.dynamic_gather %min3A_969[%gather3A_1041] in [0] : vector<16xf32>, vector<16xi32> -> vector<16xf32>
      %min3A_1043 = arith.minimumf %min3A_969, %gather3A_1042 : vector<16xf32>
      %broadcast_in_dim3A_1044 = vector.shape_cast %and3A_1027 : vector<16xi32> to vector<16x1xi32>
      %gather3A_1045 = vector.shape_cast %broadcast_in_dim3A_1044 : vector<16x1xi32> to vector<16xi32>
      %gather3A_1046 = tpu.dynamic_gather %min3A_973[%gather3A_1045] in [0] : vector<16xf32>, vector<16xi32> -> vector<16xf32>
      %min3A_1047 = arith.minimumf %min3A_973, %gather3A_1046 : vector<16xf32>
      %broadcast_in_dim3A_1048 = vector.shape_cast %and3A_1027 : vector<16xi32> to vector<16x1xi32>
      %gather3A_1049 = vector.shape_cast %broadcast_in_dim3A_1048 : vector<16x1xi32> to vector<16xi32>
      %gather3A_1050 = tpu.dynamic_gather %min3A_977[%gather3A_1049] in [0] : vector<16xf32>, vector<16xi32> -> vector<16xf32>
      %min3A_1051 = arith.minimumf %min3A_977, %gather3A_1050 : vector<16xf32>
      %broadcast_in_dim3A_1052 = vector.shape_cast %and3A_1027 : vector<16xi32> to vector<16x1xi32>
      %gather3A_1053 = vector.shape_cast %broadcast_in_dim3A_1052 : vector<16x1xi32> to vector<16xi32>
      %gather3A_1054 = tpu.dynamic_gather %min3A_981[%gather3A_1053] in [0] : vector<16xf32>, vector<16xi32> -> vector<16xf32>
      %min3A_1055 = arith.minimumf %min3A_981, %gather3A_1054 : vector<16xf32>
      %broadcast_in_dim3A_1056 = vector.shape_cast %and3A_1027 : vector<16xi32> to vector<16x1xi32>
      %gather3A_1057 = vector.shape_cast %broadcast_in_dim3A_1056 : vector<16x1xi32> to vector<16xi32>
      %gather3A_1058 = tpu.dynamic_gather %min3A_985[%gather3A_1057] in [0] : vector<16xf32>, vector<16xi32> -> vector<16xf32>
      %min3A_1059 = arith.minimumf %min3A_985, %gather3A_1058 : vector<16xf32>
      %broadcast_in_dim3A_1060 = vector.shape_cast %and3A_1027 : vector<16xi32> to vector<16x1xi32>
      %gather3A_1061 = vector.shape_cast %broadcast_in_dim3A_1060 : vector<16x1xi32> to vector<16xi32>
      %gather3A_1062 = tpu.dynamic_gather %min3A_989[%gather3A_1061] in [0] : vector<16xf32>, vector<16xi32> -> vector<16xf32>
      %min3A_1063 = arith.minimumf %min3A_989, %gather3A_1062 : vector<16xf32>
      %broadcast_in_dim3A_1064 = vector.shape_cast %and3A_1027 : vector<16xi32> to vector<16x1xi32>
      %gather3A_1065 = vector.shape_cast %broadcast_in_dim3A_1064 : vector<16x1xi32> to vector<16xi32>
      %gather3A_1066 = tpu.dynamic_gather %min3A_993[%gather3A_1065] in [0] : vector<16xf32>, vector<16xi32> -> vector<16xf32>
      %min3A_1067 = arith.minimumf %min3A_993, %gather3A_1066 : vector<16xf32>
      %broadcast_in_dim3A_1068 = vector.shape_cast %and3A_1027 : vector<16xi32> to vector<16x1xi32>
      %gather3A_1069 = vector.shape_cast %broadcast_in_dim3A_1068 : vector<16x1xi32> to vector<16xi32>
      %gather3A_1070 = tpu.dynamic_gather %min3A_997[%gather3A_1069] in [0] : vector<16xf32>, vector<16xi32> -> vector<16xf32>
      %min3A_1071 = arith.minimumf %min3A_997, %gather3A_1070 : vector<16xf32>
      %broadcast_in_dim3A_1072 = vector.shape_cast %and3A_1027 : vector<16xi32> to vector<16x1xi32>
      %gather3A_1073 = vector.shape_cast %broadcast_in_dim3A_1072 : vector<16x1xi32> to vector<16xi32>
      %gather3A_1074 = tpu.dynamic_gather %min3A_1001[%gather3A_1073] in [0] : vector<16xf32>, vector<16xi32> -> vector<16xf32>
      %min3A_1075 = arith.minimumf %min3A_1001, %gather3A_1074 : vector<16xf32>
      %broadcast_in_dim3A_1076 = vector.shape_cast %and3A_1027 : vector<16xi32> to vector<16x1xi32>
      %gather3A_1077 = vector.shape_cast %broadcast_in_dim3A_1076 : vector<16x1xi32> to vector<16xi32>
      %gather3A_1078 = tpu.dynamic_gather %min3A_1005[%gather3A_1077] in [0] : vector<16xf32>, vector<16xi32> -> vector<16xf32>
      %min3A_1079 = arith.minimumf %min3A_1005, %gather3A_1078 : vector<16xf32>
      %broadcast_in_dim3A_1080 = vector.shape_cast %and3A_1027 : vector<16xi32> to vector<16x1xi32>
      %gather3A_1081 = vector.shape_cast %broadcast_in_dim3A_1080 : vector<16x1xi32> to vector<16xi32>
      %gather3A_1082 = tpu.dynamic_gather %min3A_1009[%gather3A_1081] in [0] : vector<16xf32>, vector<16xi32> -> vector<16xf32>
      %min3A_1083 = arith.minimumf %min3A_1009, %gather3A_1082 : vector<16xf32>
      %broadcast_in_dim3A_1084 = vector.shape_cast %and3A_1027 : vector<16xi32> to vector<16x1xi32>
      %gather3A_1085 = vector.shape_cast %broadcast_in_dim3A_1084 : vector<16x1xi32> to vector<16xi32>
      %gather3A_1086 = tpu.dynamic_gather %min3A_1013[%gather3A_1085] in [0] : vector<16xf32>, vector<16xi32> -> vector<16xf32>
      %min3A_1087 = arith.minimumf %min3A_1013, %gather3A_1086 : vector<16xf32>
      %broadcast_in_dim3A_1088 = vector.shape_cast %and3A_1027 : vector<16xi32> to vector<16x1xi32>
      %gather3A_1089 = vector.shape_cast %broadcast_in_dim3A_1088 : vector<16x1xi32> to vector<16xi32>
      %gather3A_1090 = tpu.dynamic_gather %min3A_1017[%gather3A_1089] in [0] : vector<16xf32>, vector<16xi32> -> vector<16xf32>
      %min3A_1091 = arith.minimumf %min3A_1017, %gather3A_1090 : vector<16xf32>
      %broadcast_in_dim3A_1092 = vector.shape_cast %and3A_1027 : vector<16xi32> to vector<16x1xi32>
      %gather3A_1093 = vector.shape_cast %broadcast_in_dim3A_1092 : vector<16x1xi32> to vector<16xi32>
      %gather3A_1094 = tpu.dynamic_gather %min3A_1021[%gather3A_1093] in [0] : vector<16xf32>, vector<16xi32> -> vector<16xf32>
      %min3A_1095 = arith.minimumf %min3A_1021, %gather3A_1094 : vector<16xf32>
      %swap3A_1096 = arith.constant 0 : index
      %swap3A_1097 = tpu.vector_load %arg12[%swap3A_1096] {strides = array<i32>} : memref<256xf32, #tpu.memory_space<vmem>>, vector<16xf32>,
      tpu.vector_store %arg12[%swap3A_1096], %min3A_1035 {strides = array<i32>} : memref<256xf32, #tpu.memory_space<vmem>>, vector<16xf32>,
      %swap3A_1098 = arith.constant 16 : index
      %swap3A_1099 = tpu.vector_load %arg12[%swap3A_1098] {strides = array<i32>} : memref<256xf32, #tpu.memory_space<vmem>>, vector<16xf32>,
      tpu.vector_store %arg12[%swap3A_1098], %min3A_1039 {strides = array<i32>} : memref<256xf32, #tpu.memory_space<vmem>>, vector<16xf32>,
      %swap3A_1100 = arith.constant 32 : index
      %swap3A_1101 = tpu.vector_load %arg12[%swap3A_1100] {strides = array<i32>} : memref<256xf32, #tpu.memory_space<vmem>>, vector<16xf32>,
      tpu.vector_store %arg12[%swap3A_1100], %min3A_1043 {strides = array<i32>} : memref<256xf32, #tpu.memory_space<vmem>>, vector<16xf32>,
      %swap3A_1102 = arith.constant 48 : index
      %swap3A_1103 = tpu.vector_load %arg12[%swap3A_1102] {strides = array<i32>} : memref<256xf32, #tpu.memory_space<vmem>>, vector<16xf32>,
      tpu.vector_store %arg12[%swap3A_1102], %min3A_1047 {strides = array<i32>} : memref<256xf32, #tpu.memory_space<vmem>>, vector<16xf32>,
      %swap3A_1104 = arith.constant 64 : index
      %swap3A_1105 = tpu.vector_load %arg12[%swap3A_1104] {strides = array<i32>} : memref<256xf32, #tpu.memory_space<vmem>>, vector<16xf32>,
      tpu.vector_store %arg12[%swap3A_1104], %min3A_1051 {strides = array<i32>} : memref<256xf32, #tpu.memory_space<vmem>>, vector<16xf32>,
      %swap3A_1106 = arith.constant 80 : index
      %swap3A_1107 = tpu.vector_load %arg12[%swap3A_1106] {strides = array<i32>} : memref<256xf32, #tpu.memory_space<vmem>>, vector<16xf32>,
      tpu.vector_store %arg12[%swap3A_1106], %min3A_1055 {strides = array<i32>} : memref<256xf32, #tpu.memory_space<vmem>>, vector<16xf32>,
      %swap3A_1108 = arith.constant 96 : index
      %swap3A_1109 = tpu.vector_load %arg12[%swap3A_1108] {strides = array<i32>} : memref<256xf32, #tpu.memory_space<vmem>>, vector<16xf32>,
      tpu.vector_store %arg12[%swap3A_1108], %min3A_1059 {strides = array<i32>} : memref<256xf32, #tpu.memory_space<vmem>>, vector<16xf32>,
      %swap3A_1110 = arith.constant 112 : index
      %swap3A_1111 = tpu.vector_load %arg12[%swap3A_1110] {strides = array<i32>} : memref<256xf32, #tpu.memory_space<vmem>>, vector<16xf32>,
      tpu.vector_store %arg12[%swap3A_1110], %min3A_1063 {strides = array<i32>} : memref<256xf32, #tpu.memory_space<vmem>>, vector<16xf32>,
      %swap3A_1112 = arith.constant 128 : index
      %swap3A_1113 = tpu.vector_load %arg12[%swap3A_1112] {strides = array<i32>} : memref<256xf32, #tpu.memory_space<vmem>>, vector<16xf32>,
      tpu.vector_store %arg12[%swap3A_1112], %min3A_1067 {strides = array<i32>} : memref<256xf32, #tpu.memory_space<vmem>>, vector<16xf32>,
      %swap3A_1114 = arith.constant 144 : index
      %swap3A_1115 = tpu.vector_load %arg12[%swap3A_1114] {strides = array<i32>} : memref<256xf32, #tpu.memory_space<vmem>>, vector<16xf32>,
      tpu.vector_store %arg12[%swap3A_1114], %min3A_1071 {strides = array<i32>} : memref<256xf32, #tpu.memory_space<vmem>>, vector<16xf32>,
      %swap3A_1116 = arith.constant 160 : index
      %swap3A_1117 = tpu.vector_load %arg12[%swap3A_1116] {strides = array<i32>} : memref<256xf32, #tpu.memory_space<vmem>>, vector<16xf32>,
      tpu.vector_store %arg12[%swap3A_1116], %min3A_1075 {strides = array<i32>} : memref<256xf32, #tpu.memory_space<vmem>>, vector<16xf32>,
      %swap3A_1118 = arith.constant 176 : index
      %swap3A_1119 = tpu.vector_load %arg12[%swap3A_1118] {strides = array<i32>} : memref<256xf32, #tpu.memory_space<vmem>>, vector<16xf32>,
      tpu.vector_store %arg12[%swap3A_1118], %min3A_1079 {strides = array<i32>} : memref<256xf32, #tpu.memory_space<vmem>>, vector<16xf32>,
      %swap3A_1120 = arith.constant 192 : index
      %swap3A_1121 = tpu.vector_load %arg12[%swap3A_1120] {strides = array<i32>} : memref<256xf32, #tpu.memory_space<vmem>>, vector<16xf32>,
      tpu.vector_store %arg12[%swap3A_1120], %min3A_1083 {strides = array<i32>} : memref<256xf32, #tpu.memory_space<vmem>>, vector<16xf32>,
      %swap3A_1122 = arith.constant 208 : index
      %swap3A_1123 = tpu.vector_load %arg12[%swap3A_1122] {strides = array<i32>} : memref<256xf32, #tpu.memory_space<vmem>>, vector<16xf32>,
      tpu.vector_store %arg12[%swap3A_1122], %min3A_1087 {strides = array<i32>} : memref<256xf32, #tpu.memory_space<vmem>>, vector<16xf32>,
      %swap3A_1124 = arith.constant 224 : index
      %swap3A_1125 = tpu.vector_load %arg12[%swap3A_1124] {strides = array<i32>} : memref<256xf32, #tpu.memory_space<vmem>>, vector<16xf32>,
      tpu.vector_store %arg12[%swap3A_1124], %min3A_1091 {strides = array<i32>} : memref<256xf32, #tpu.memory_space<vmem>>, vector<16xf32>,
      %swap3A_1126 = arith.constant 240 : index
      %swap3A_1127 = tpu.vector_load %arg12[%swap3A_1126] {strides = array<i32>} : memref<256xf32, #tpu.memory_space<vmem>>, vector<16xf32>,
      tpu.vector_store %arg12[%swap3A_1126], %min3A_1095 {strides = array<i32>} : memref<256xf32, #tpu.memory_space<vmem>>, vector<16xf32>,
      %mul3A_1128 = arith.constant 16 : i32
      %mul3A_1129 = vector.broadcast %mul3A_1128 : i32 to vector<16xi32>
      %mul3A_1130 = arith.muli %iota3A, %mul3A_1129 : vector<16xi32>
      %gather3A_1131 = tpu.vector_load_idx %arg12[%mul3A_1130] : memref<256xf32, #tpu.memory_space<vmem>>[vector<16xi32>], vector<16xf32>,
      %broadcast_in_dim3A_1132 = vector.broadcast %mul3A_799 : i32 to vector<16xi32>
      %gather3A_1133 = tpu.vector_load_idx %arg10[%broadcast_in_dim3A_1132] : memref<64xi32, #tpu.memory_space<vmem>>[vector<16xi32>], vector<16xi32>,
      %gather3A_1134 = tpu.vector_load_idx %arg7[%iota3A, %gather3A_1133] : memref<16x2048xf32, #tpu.memory_space<vmem>>[vector<16xi32>, vector<16xi32>], vector<16xf32>,
      %gt3A_1135 = arith.constant 5.000000e-01 : f32
      %gt3A_1136 = vector.broadcast %gt3A_1135 : f32 to vector<16xf32>
      %gt3A_1137 = arith.cmpf ogt, %min3A_1031, %gt3A_1136 : vector<16xf32>
      %jit3A_1138 = arith.constant 0x7F800000 : f32
      %broadcast_in_dim3A_1139 = vector.broadcast %jit3A_1138 : f32 to vector<16xf32>
      %select_n3A_1140 = arith.select %gt3A_1137, %gather3A_1134, %broadcast_in_dim3A_1139 : vector<16xi1>, vector<16xf32>
      %min3A_1141 = arith.minimumf %gather3A_1131, %select_n3A_1140 : vector<16xf32>
      %broadcast_in_dim3A_1142 = vector.broadcast %mul3A_799 : i32 to vector<16xi32>
      tpu.vector_store_idx %arg11[%broadcast_in_dim3A_1142, %iota3A], %min3A_1141 : memref<64x16xf32, #tpu.memory_space<vmem>>[vector<16xi32>, vector<16xi32>], vector<16xf32>,
      %mul3A_1143 = arith.constant 2 : i32
      %mul3A_1144 = arith.muli %mul3A_1143, %add3A_757 : i32
      %add3A_1145 = arith.constant 1 : i32
      %add3A_1146 = arith.addi %mul3A_1144, %add3A_1145 : i32
      %add3A_1147 = arith.constant 8 : i32
      %add3A_1148 = vector.broadcast %add3A_1147 : i32 to vector<16xi32>
      %add3A_1149 = arith.addi %iota3A, %add3A_1148 : vector<16xi32>
      %and3A_1150 = arith.constant 15 : i32
      %and3A_1151 = vector.broadcast %and3A_1150 : i32 to vector<16xi32>
      %and3A_1152 = arith.andi %add3A_1149, %and3A_1151 : vector<16xi32>
      %broadcast_in_dim3A_1153 = vector.shape_cast %and3A_1152 : vector<16xi32> to vector<16x1xi32>
      %gather3A_1154 = vector.shape_cast %broadcast_in_dim3A_1153 : vector<16x1xi32> to vector<16xi32>
      %gather3A_1155 = tpu.dynamic_gather %scan3A_796#33[%gather3A_1154] in [0] : vector<16xf32>, vector<16xi32> -> vector<16xf32>
      %min3A_1156 = arith.minimumf %scan3A_796#33, %gather3A_1155 : vector<16xf32>
      %broadcast_in_dim3A_1157 = vector.shape_cast %and3A_1152 : vector<16xi32> to vector<16x1xi32>
      %gather3A_1158 = vector.shape_cast %broadcast_in_dim3A_1157 : vector<16x1xi32> to vector<16xi32>
      %gather3A_1159 = tpu.dynamic_gather %scan3A_796#16[%gather3A_1158] in [0] : vector<16xf32>, vector<16xi32> -> vector<16xf32>
      %min3A_1160 = arith.minimumf %scan3A_796#16, %gather3A_1159 : vector<16xf32>
      %broadcast_in_dim3A_1161 = vector.shape_cast %and3A_1152 : vector<16xi32> to vector<16x1xi32>
      %gather3A_1162 = vector.shape_cast %broadcast_in_dim3A_1161 : vector<16x1xi32> to vector<16xi32>
      %gather3A_1163 = tpu.dynamic_gather %scan3A_796#17[%gather3A_1162] in [0] : vector<16xf32>, vector<16xi32> -> vector<16xf32>
      %min3A_1164 = arith.minimumf %scan3A_796#17, %gather3A_1163 : vector<16xf32>
      %broadcast_in_dim3A_1165 = vector.shape_cast %and3A_1152 : vector<16xi32> to vector<16x1xi32>
      %gather3A_1166 = vector.shape_cast %broadcast_in_dim3A_1165 : vector<16x1xi32> to vector<16xi32>
      %gather3A_1167 = tpu.dynamic_gather %scan3A_796#18[%gather3A_1166] in [0] : vector<16xf32>, vector<16xi32> -> vector<16xf32>
      %min3A_1168 = arith.minimumf %scan3A_796#18, %gather3A_1167 : vector<16xf32>
      %broadcast_in_dim3A_1169 = vector.shape_cast %and3A_1152 : vector<16xi32> to vector<16x1xi32>
      %gather3A_1170 = vector.shape_cast %broadcast_in_dim3A_1169 : vector<16x1xi32> to vector<16xi32>
      %gather3A_1171 = tpu.dynamic_gather %scan3A_796#19[%gather3A_1170] in [0] : vector<16xf32>, vector<16xi32> -> vector<16xf32>
      %min3A_1172 = arith.minimumf %scan3A_796#19, %gather3A_1171 : vector<16xf32>
      %broadcast_in_dim3A_1173 = vector.shape_cast %and3A_1152 : vector<16xi32> to vector<16x1xi32>
      %gather3A_1174 = vector.shape_cast %broadcast_in_dim3A_1173 : vector<16x1xi32> to vector<16xi32>
      %gather3A_1175 = tpu.dynamic_gather %scan3A_796#20[%gather3A_1174] in [0] : vector<16xf32>, vector<16xi32> -> vector<16xf32>
      %min3A_1176 = arith.minimumf %scan3A_796#20, %gather3A_1175 : vector<16xf32>
      %broadcast_in_dim3A_1177 = vector.shape_cast %and3A_1152 : vector<16xi32> to vector<16x1xi32>
      %gather3A_1178 = vector.shape_cast %broadcast_in_dim3A_1177 : vector<16x1xi32> to vector<16xi32>
      %gather3A_1179 = tpu.dynamic_gather %scan3A_796#21[%gather3A_1178] in [0] : vector<16xf32>, vector<16xi32> -> vector<16xf32>
      %min3A_1180 = arith.minimumf %scan3A_796#21, %gather3A_1179 : vector<16xf32>
      %broadcast_in_dim3A_1181 = vector.shape_cast %and3A_1152 : vector<16xi32> to vector<16x1xi32>
      %gather3A_1182 = vector.shape_cast %broadcast_in_dim3A_1181 : vector<16x1xi32> to vector<16xi32>
      %gather3A_1183 = tpu.dynamic_gather %scan3A_796#22[%gather3A_1182] in [0] : vector<16xf32>, vector<16xi32> -> vector<16xf32>
      %min3A_1184 = arith.minimumf %scan3A_796#22, %gather3A_1183 : vector<16xf32>
      %broadcast_in_dim3A_1185 = vector.shape_cast %and3A_1152 : vector<16xi32> to vector<16x1xi32>
      %gather3A_1186 = vector.shape_cast %broadcast_in_dim3A_1185 : vector<16x1xi32> to vector<16xi32>
      %gather3A_1187 = tpu.dynamic_gather %scan3A_796#23[%gather3A_1186] in [0] : vector<16xf32>, vector<16xi32> -> vector<16xf32>
      %min3A_1188 = arith.minimumf %scan3A_796#23, %gather3A_1187 : vector<16xf32>
      %broadcast_in_dim3A_1189 = vector.shape_cast %and3A_1152 : vector<16xi32> to vector<16x1xi32>
      %gather3A_1190 = vector.shape_cast %broadcast_in_dim3A_1189 : vector<16x1xi32> to vector<16xi32>
      %gather3A_1191 = tpu.dynamic_gather %scan3A_796#24[%gather3A_1190] in [0] : vector<16xf32>, vector<16xi32> -> vector<16xf32>
      %min3A_1192 = arith.minimumf %scan3A_796#24, %gather3A_1191 : vector<16xf32>
      %broadcast_in_dim3A_1193 = vector.shape_cast %and3A_1152 : vector<16xi32> to vector<16x1xi32>
      %gather3A_1194 = vector.shape_cast %broadcast_in_dim3A_1193 : vector<16x1xi32> to vector<16xi32>
      %gather3A_1195 = tpu.dynamic_gather %scan3A_796#25[%gather3A_1194] in [0] : vector<16xf32>, vector<16xi32> -> vector<16xf32>
      %min3A_1196 = arith.minimumf %scan3A_796#25, %gather3A_1195 : vector<16xf32>
      %broadcast_in_dim3A_1197 = vector.shape_cast %and3A_1152 : vector<16xi32> to vector<16x1xi32>
      %gather3A_1198 = vector.shape_cast %broadcast_in_dim3A_1197 : vector<16x1xi32> to vector<16xi32>
      %gather3A_1199 = tpu.dynamic_gather %scan3A_796#26[%gather3A_1198] in [0] : vector<16xf32>, vector<16xi32> -> vector<16xf32>
      %min3A_1200 = arith.minimumf %scan3A_796#26, %gather3A_1199 : vector<16xf32>
      %broadcast_in_dim3A_1201 = vector.shape_cast %and3A_1152 : vector<16xi32> to vector<16x1xi32>
      %gather3A_1202 = vector.shape_cast %broadcast_in_dim3A_1201 : vector<16x1xi32> to vector<16xi32>
      %gather3A_1203 = tpu.dynamic_gather %scan3A_796#27[%gather3A_1202] in [0] : vector<16xf32>, vector<16xi32> -> vector<16xf32>
      %min3A_1204 = arith.minimumf %scan3A_796#27, %gather3A_1203 : vector<16xf32>
      %broadcast_in_dim3A_1205 = vector.shape_cast %and3A_1152 : vector<16xi32> to vector<16x1xi32>
      %gather3A_1206 = vector.shape_cast %broadcast_in_dim3A_1205 : vector<16x1xi32> to vector<16xi32>
      %gather3A_1207 = tpu.dynamic_gather %scan3A_796#28[%gather3A_1206] in [0] : vector<16xf32>, vector<16xi32> -> vector<16xf32>
      %min3A_1208 = arith.minimumf %scan3A_796#28, %gather3A_1207 : vector<16xf32>
      %broadcast_in_dim3A_1209 = vector.shape_cast %and3A_1152 : vector<16xi32> to vector<16x1xi32>
      %gather3A_1210 = vector.shape_cast %broadcast_in_dim3A_1209 : vector<16x1xi32> to vector<16xi32>
      %gather3A_1211 = tpu.dynamic_gather %scan3A_796#29[%gather3A_1210] in [0] : vector<16xf32>, vector<16xi32> -> vector<16xf32>
      %min3A_1212 = arith.minimumf %scan3A_796#29, %gather3A_1211 : vector<16xf32>
      %broadcast_in_dim3A_1213 = vector.shape_cast %and3A_1152 : vector<16xi32> to vector<16x1xi32>
      %gather3A_1214 = vector.shape_cast %broadcast_in_dim3A_1213 : vector<16x1xi32> to vector<16xi32>
      %gather3A_1215 = tpu.dynamic_gather %scan3A_796#30[%gather3A_1214] in [0] : vector<16xf32>, vector<16xi32> -> vector<16xf32>
      %min3A_1216 = arith.minimumf %scan3A_796#30, %gather3A_1215 : vector<16xf32>
      %broadcast_in_dim3A_1217 = vector.shape_cast %and3A_1152 : vector<16xi32> to vector<16x1xi32>
      %gather3A_1218 = vector.shape_cast %broadcast_in_dim3A_1217 : vector<16x1xi32> to vector<16xi32>
      %gather3A_1219 = tpu.dynamic_gather %scan3A_796#31[%gather3A_1218] in [0] : vector<16xf32>, vector<16xi32> -> vector<16xf32>
      %min3A_1220 = arith.minimumf %scan3A_796#31, %gather3A_1219 : vector<16xf32>
      %add3A_1221 = arith.constant 4 : i32
      %add3A_1222 = vector.broadcast %add3A_1221 : i32 to vector<16xi32>
      %add3A_1223 = arith.addi %iota3A, %add3A_1222 : vector<16xi32>
      %and3A_1224 = arith.constant 15 : i32
      %and3A_1225 = vector.broadcast %and3A_1224 : i32 to vector<16xi32>
      %and3A_1226 = arith.andi %add3A_1223, %and3A_1225 : vector<16xi32>
      %broadcast_in_dim3A_1227 = vector.shape_cast %and3A_1226 : vector<16xi32> to vector<16x1xi32>
      %gather3A_1228 = vector.shape_cast %broadcast_in_dim3A_1227 : vector<16x1xi32> to vector<16xi32>
      %gather3A_1229 = tpu.dynamic_gather %min3A_1156[%gather3A_1228] in [0] : vector<16xf32>, vector<16xi32> -> vector<16xf32>
      %min3A_1230 = arith.minimumf %min3A_1156, %gather3A_1229 : vector<16xf32>
      %broadcast_in_dim3A_1231 = vector.shape_cast %and3A_1226 : vector<16xi32> to vector<16x1xi32>
      %gather3A_1232 = vector.shape_cast %broadcast_in_dim3A_1231 : vector<16x1xi32> to vector<16xi32>
      %gather3A_1233 = tpu.dynamic_gather %min3A_1160[%gather3A_1232] in [0] : vector<16xf32>, vector<16xi32> -> vector<16xf32>
      %min3A_1234 = arith.minimumf %min3A_1160, %gather3A_1233 : vector<16xf32>
      %broadcast_in_dim3A_1235 = vector.shape_cast %and3A_1226 : vector<16xi32> to vector<16x1xi32>
      %gather3A_1236 = vector.shape_cast %broadcast_in_dim3A_1235 : vector<16x1xi32> to vector<16xi32>
      %gather3A_1237 = tpu.dynamic_gather %min3A_1164[%gather3A_1236] in [0] : vector<16xf32>, vector<16xi32> -> vector<16xf32>
      %min3A_1238 = arith.minimumf %min3A_1164, %gather3A_1237 : vector<16xf32>
      %broadcast_in_dim3A_1239 = vector.shape_cast %and3A_1226 : vector<16xi32> to vector<16x1xi32>
      %gather3A_1240 = vector.shape_cast %broadcast_in_dim3A_1239 : vector<16x1xi32> to vector<16xi32>
      %gather3A_1241 = tpu.dynamic_gather %min3A_1168[%gather3A_1240] in [0] : vector<16xf32>, vector<16xi32> -> vector<16xf32>
      %min3A_1242 = arith.minimumf %min3A_1168, %gather3A_1241 : vector<16xf32>
      %broadcast_in_dim3A_1243 = vector.shape_cast %and3A_1226 : vector<16xi32> to vector<16x1xi32>
      %gather3A_1244 = vector.shape_cast %broadcast_in_dim3A_1243 : vector<16x1xi32> to vector<16xi32>
      %gather3A_1245 = tpu.dynamic_gather %min3A_1172[%gather3A_1244] in [0] : vector<16xf32>, vector<16xi32> -> vector<16xf32>
      %min3A_1246 = arith.minimumf %min3A_1172, %gather3A_1245 : vector<16xf32>
      %broadcast_in_dim3A_1247 = vector.shape_cast %and3A_1226 : vector<16xi32> to vector<16x1xi32>
      %gather3A_1248 = vector.shape_cast %broadcast_in_dim3A_1247 : vector<16x1xi32> to vector<16xi32>
      %gather3A_1249 = tpu.dynamic_gather %min3A_1176[%gather3A_1248] in [0] : vector<16xf32>, vector<16xi32> -> vector<16xf32>
      %min3A_1250 = arith.minimumf %min3A_1176, %gather3A_1249 : vector<16xf32>
      %broadcast_in_dim3A_1251 = vector.shape_cast %and3A_1226 : vector<16xi32> to vector<16x1xi32>
      %gather3A_1252 = vector.shape_cast %broadcast_in_dim3A_1251 : vector<16x1xi32> to vector<16xi32>
      %gather3A_1253 = tpu.dynamic_gather %min3A_1180[%gather3A_1252] in [0] : vector<16xf32>, vector<16xi32> -> vector<16xf32>
      %min3A_1254 = arith.minimumf %min3A_1180, %gather3A_1253 : vector<16xf32>
      %broadcast_in_dim3A_1255 = vector.shape_cast %and3A_1226 : vector<16xi32> to vector<16x1xi32>
      %gather3A_1256 = vector.shape_cast %broadcast_in_dim3A_1255 : vector<16x1xi32> to vector<16xi32>
      %gather3A_1257 = tpu.dynamic_gather %min3A_1184[%gather3A_1256] in [0] : vector<16xf32>, vector<16xi32> -> vector<16xf32>
      %min3A_1258 = arith.minimumf %min3A_1184, %gather3A_1257 : vector<16xf32>
      %broadcast_in_dim3A_1259 = vector.shape_cast %and3A_1226 : vector<16xi32> to vector<16x1xi32>
      %gather3A_1260 = vector.shape_cast %broadcast_in_dim3A_1259 : vector<16x1xi32> to vector<16xi32>
      %gather3A_1261 = tpu.dynamic_gather %min3A_1188[%gather3A_1260] in [0] : vector<16xf32>, vector<16xi32> -> vector<16xf32>
      %min3A_1262 = arith.minimumf %min3A_1188, %gather3A_1261 : vector<16xf32>
      %broadcast_in_dim3A_1263 = vector.shape_cast %and3A_1226 : vector<16xi32> to vector<16x1xi32>
      %gather3A_1264 = vector.shape_cast %broadcast_in_dim3A_1263 : vector<16x1xi32> to vector<16xi32>
      %gather3A_1265 = tpu.dynamic_gather %min3A_1192[%gather3A_1264] in [0] : vector<16xf32>, vector<16xi32> -> vector<16xf32>
      %min3A_1266 = arith.minimumf %min3A_1192, %gather3A_1265 : vector<16xf32>
      %broadcast_in_dim3A_1267 = vector.shape_cast %and3A_1226 : vector<16xi32> to vector<16x1xi32>
      %gather3A_1268 = vector.shape_cast %broadcast_in_dim3A_1267 : vector<16x1xi32> to vector<16xi32>
      %gather3A_1269 = tpu.dynamic_gather %min3A_1196[%gather3A_1268] in [0] : vector<16xf32>, vector<16xi32> -> vector<16xf32>
      %min3A_1270 = arith.minimumf %min3A_1196, %gather3A_1269 : vector<16xf32>
      %broadcast_in_dim3A_1271 = vector.shape_cast %and3A_1226 : vector<16xi32> to vector<16x1xi32>
      %gather3A_1272 = vector.shape_cast %broadcast_in_dim3A_1271 : vector<16x1xi32> to vector<16xi32>
      %gather3A_1273 = tpu.dynamic_gather %min3A_1200[%gather3A_1272] in [0] : vector<16xf32>, vector<16xi32> -> vector<16xf32>
      %min3A_1274 = arith.minimumf %min3A_1200, %gather3A_1273 : vector<16xf32>
      %broadcast_in_dim3A_1275 = vector.shape_cast %and3A_1226 : vector<16xi32> to vector<16x1xi32>
      %gather3A_1276 = vector.shape_cast %broadcast_in_dim3A_1275 : vector<16x1xi32> to vector<16xi32>
      %gather3A_1277 = tpu.dynamic_gather %min3A_1204[%gather3A_1276] in [0] : vector<16xf32>, vector<16xi32> -> vector<16xf32>
      %min3A_1278 = arith.minimumf %min3A_1204, %gather3A_1277 : vector<16xf32>
      %broadcast_in_dim3A_1279 = vector.shape_cast %and3A_1226 : vector<16xi32> to vector<16x1xi32>
      %gather3A_1280 = vector.shape_cast %broadcast_in_dim3A_1279 : vector<16x1xi32> to vector<16xi32>
      %gather3A_1281 = tpu.dynamic_gather %min3A_1208[%gather3A_1280] in [0] : vector<16xf32>, vector<16xi32> -> vector<16xf32>
      %min3A_1282 = arith.minimumf %min3A_1208, %gather3A_1281 : vector<16xf32>
      %broadcast_in_dim3A_1283 = vector.shape_cast %and3A_1226 : vector<16xi32> to vector<16x1xi32>
      %gather3A_1284 = vector.shape_cast %broadcast_in_dim3A_1283 : vector<16x1xi32> to vector<16xi32>
      %gather3A_1285 = tpu.dynamic_gather %min3A_1212[%gather3A_1284] in [0] : vector<16xf32>, vector<16xi32> -> vector<16xf32>
      %min3A_1286 = arith.minimumf %min3A_1212, %gather3A_1285 : vector<16xf32>
      %broadcast_in_dim3A_1287 = vector.shape_cast %and3A_1226 : vector<16xi32> to vector<16x1xi32>
      %gather3A_1288 = vector.shape_cast %broadcast_in_dim3A_1287 : vector<16x1xi32> to vector<16xi32>
      %gather3A_1289 = tpu.dynamic_gather %min3A_1216[%gather3A_1288] in [0] : vector<16xf32>, vector<16xi32> -> vector<16xf32>
      %min3A_1290 = arith.minimumf %min3A_1216, %gather3A_1289 : vector<16xf32>
      %broadcast_in_dim3A_1291 = vector.shape_cast %and3A_1226 : vector<16xi32> to vector<16x1xi32>
      %gather3A_1292 = vector.shape_cast %broadcast_in_dim3A_1291 : vector<16x1xi32> to vector<16xi32>
      %gather3A_1293 = tpu.dynamic_gather %min3A_1220[%gather3A_1292] in [0] : vector<16xf32>, vector<16xi32> -> vector<16xf32>
      %min3A_1294 = arith.minimumf %min3A_1220, %gather3A_1293 : vector<16xf32>
      %add3A_1295 = arith.constant 2 : i32
      %add3A_1296 = vector.broadcast %add3A_1295 : i32 to vector<16xi32>
      %add3A_1297 = arith.addi %iota3A, %add3A_1296 : vector<16xi32>
      %and3A_1298 = arith.constant 15 : i32
      %and3A_1299 = vector.broadcast %and3A_1298 : i32 to vector<16xi32>
      %and3A_1300 = arith.andi %add3A_1297, %and3A_1299 : vector<16xi32>
      %broadcast_in_dim3A_1301 = vector.shape_cast %and3A_1300 : vector<16xi32> to vector<16x1xi32>
      %gather3A_1302 = vector.shape_cast %broadcast_in_dim3A_1301 : vector<16x1xi32> to vector<16xi32>
      %gather3A_1303 = tpu.dynamic_gather %min3A_1230[%gather3A_1302] in [0] : vector<16xf32>, vector<16xi32> -> vector<16xf32>
      %min3A_1304 = arith.minimumf %min3A_1230, %gather3A_1303 : vector<16xf32>
      %broadcast_in_dim3A_1305 = vector.shape_cast %and3A_1300 : vector<16xi32> to vector<16x1xi32>
      %gather3A_1306 = vector.shape_cast %broadcast_in_dim3A_1305 : vector<16x1xi32> to vector<16xi32>
      %gather3A_1307 = tpu.dynamic_gather %min3A_1234[%gather3A_1306] in [0] : vector<16xf32>, vector<16xi32> -> vector<16xf32>
      %min3A_1308 = arith.minimumf %min3A_1234, %gather3A_1307 : vector<16xf32>
      %broadcast_in_dim3A_1309 = vector.shape_cast %and3A_1300 : vector<16xi32> to vector<16x1xi32>
      %gather3A_1310 = vector.shape_cast %broadcast_in_dim3A_1309 : vector<16x1xi32> to vector<16xi32>
      %gather3A_1311 = tpu.dynamic_gather %min3A_1238[%gather3A_1310] in [0] : vector<16xf32>, vector<16xi32> -> vector<16xf32>
      %min3A_1312 = arith.minimumf %min3A_1238, %gather3A_1311 : vector<16xf32>
      %broadcast_in_dim3A_1313 = vector.shape_cast %and3A_1300 : vector<16xi32> to vector<16x1xi32>
      %gather3A_1314 = vector.shape_cast %broadcast_in_dim3A_1313 : vector<16x1xi32> to vector<16xi32>
      %gather3A_1315 = tpu.dynamic_gather %min3A_1242[%gather3A_1314] in [0] : vector<16xf32>, vector<16xi32> -> vector<16xf32>
      %min3A_1316 = arith.minimumf %min3A_1242, %gather3A_1315 : vector<16xf32>
      %broadcast_in_dim3A_1317 = vector.shape_cast %and3A_1300 : vector<16xi32> to vector<16x1xi32>
      %gather3A_1318 = vector.shape_cast %broadcast_in_dim3A_1317 : vector<16x1xi32> to vector<16xi32>
      %gather3A_1319 = tpu.dynamic_gather %min3A_1246[%gather3A_1318] in [0] : vector<16xf32>, vector<16xi32> -> vector<16xf32>
      %min3A_1320 = arith.minimumf %min3A_1246, %gather3A_1319 : vector<16xf32>
      %broadcast_in_dim3A_1321 = vector.shape_cast %and3A_1300 : vector<16xi32> to vector<16x1xi32>
      %gather3A_1322 = vector.shape_cast %broadcast_in_dim3A_1321 : vector<16x1xi32> to vector<16xi32>
      %gather3A_1323 = tpu.dynamic_gather %min3A_1250[%gather3A_1322] in [0] : vector<16xf32>, vector<16xi32> -> vector<16xf32>
      %min3A_1324 = arith.minimumf %min3A_1250, %gather3A_1323 : vector<16xf32>
      %broadcast_in_dim3A_1325 = vector.shape_cast %and3A_1300 : vector<16xi32> to vector<16x1xi32>
      %gather3A_1326 = vector.shape_cast %broadcast_in_dim3A_1325 : vector<16x1xi32> to vector<16xi32>
      %gather3A_1327 = tpu.dynamic_gather %min3A_1254[%gather3A_1326] in [0] : vector<16xf32>, vector<16xi32> -> vector<16xf32>
      %min3A_1328 = arith.minimumf %min3A_1254, %gather3A_1327 : vector<16xf32>
      %broadcast_in_dim3A_1329 = vector.shape_cast %and3A_1300 : vector<16xi32> to vector<16x1xi32>
      %gather3A_1330 = vector.shape_cast %broadcast_in_dim3A_1329 : vector<16x1xi32> to vector<16xi32>
      %gather3A_1331 = tpu.dynamic_gather %min3A_1258[%gather3A_1330] in [0] : vector<16xf32>, vector<16xi32> -> vector<16xf32>
      %min3A_1332 = arith.minimumf %min3A_1258, %gather3A_1331 : vector<16xf32>
      %broadcast_in_dim3A_1333 = vector.shape_cast %and3A_1300 : vector<16xi32> to vector<16x1xi32>
      %gather3A_1334 = vector.shape_cast %broadcast_in_dim3A_1333 : vector<16x1xi32> to vector<16xi32>
      %gather3A_1335 = tpu.dynamic_gather %min3A_1262[%gather3A_1334] in [0] : vector<16xf32>, vector<16xi32> -> vector<16xf32>
      %min3A_1336 = arith.minimumf %min3A_1262, %gather3A_1335 : vector<16xf32>
      %broadcast_in_dim3A_1337 = vector.shape_cast %and3A_1300 : vector<16xi32> to vector<16x1xi32>
      %gather3A_1338 = vector.shape_cast %broadcast_in_dim3A_1337 : vector<16x1xi32> to vector<16xi32>
      %gather3A_1339 = tpu.dynamic_gather %min3A_1266[%gather3A_1338] in [0] : vector<16xf32>, vector<16xi32> -> vector<16xf32>
      %min3A_1340 = arith.minimumf %min3A_1266, %gather3A_1339 : vector<16xf32>
      %broadcast_in_dim3A_1341 = vector.shape_cast %and3A_1300 : vector<16xi32> to vector<16x1xi32>
      %gather3A_1342 = vector.shape_cast %broadcast_in_dim3A_1341 : vector<16x1xi32> to vector<16xi32>
      %gather3A_1343 = tpu.dynamic_gather %min3A_1270[%gather3A_1342] in [0] : vector<16xf32>, vector<16xi32> -> vector<16xf32>
      %min3A_1344 = arith.minimumf %min3A_1270, %gather3A_1343 : vector<16xf32>
      %broadcast_in_dim3A_1345 = vector.shape_cast %and3A_1300 : vector<16xi32> to vector<16x1xi32>
      %gather3A_1346 = vector.shape_cast %broadcast_in_dim3A_1345 : vector<16x1xi32> to vector<16xi32>
      %gather3A_1347 = tpu.dynamic_gather %min3A_1274[%gather3A_1346] in [0] : vector<16xf32>, vector<16xi32> -> vector<16xf32>
      %min3A_1348 = arith.minimumf %min3A_1274, %gather3A_1347 : vector<16xf32>
      %broadcast_in_dim3A_1349 = vector.shape_cast %and3A_1300 : vector<16xi32> to vector<16x1xi32>
      %gather3A_1350 = vector.shape_cast %broadcast_in_dim3A_1349 : vector<16x1xi32> to vector<16xi32>
      %gather3A_1351 = tpu.dynamic_gather %min3A_1278[%gather3A_1350] in [0] : vector<16xf32>, vector<16xi32> -> vector<16xf32>
      %min3A_1352 = arith.minimumf %min3A_1278, %gather3A_1351 : vector<16xf32>
      %broadcast_in_dim3A_1353 = vector.shape_cast %and3A_1300 : vector<16xi32> to vector<16x1xi32>
      %gather3A_1354 = vector.shape_cast %broadcast_in_dim3A_1353 : vector<16x1xi32> to vector<16xi32>
      %gather3A_1355 = tpu.dynamic_gather %min3A_1282[%gather3A_1354] in [0] : vector<16xf32>, vector<16xi32> -> vector<16xf32>
      %min3A_1356 = arith.minimumf %min3A_1282, %gather3A_1355 : vector<16xf32>
      %broadcast_in_dim3A_1357 = vector.shape_cast %and3A_1300 : vector<16xi32> to vector<16x1xi32>
      %gather3A_1358 = vector.shape_cast %broadcast_in_dim3A_1357 : vector<16x1xi32> to vector<16xi32>
      %gather3A_1359 = tpu.dynamic_gather %min3A_1286[%gather3A_1358] in [0] : vector<16xf32>, vector<16xi32> -> vector<16xf32>
      %min3A_1360 = arith.minimumf %min3A_1286, %gather3A_1359 : vector<16xf32>
      %broadcast_in_dim3A_1361 = vector.shape_cast %and3A_1300 : vector<16xi32> to vector<16x1xi32>
      %gather3A_1362 = vector.shape_cast %broadcast_in_dim3A_1361 : vector<16x1xi32> to vector<16xi32>
      %gather3A_1363 = tpu.dynamic_gather %min3A_1290[%gather3A_1362] in [0] : vector<16xf32>, vector<16xi32> -> vector<16xf32>
      %min3A_1364 = arith.minimumf %min3A_1290, %gather3A_1363 : vector<16xf32>
      %broadcast_in_dim3A_1365 = vector.shape_cast %and3A_1300 : vector<16xi32> to vector<16x1xi32>
      %gather3A_1366 = vector.shape_cast %broadcast_in_dim3A_1365 : vector<16x1xi32> to vector<16xi32>
      %gather3A_1367 = tpu.dynamic_gather %min3A_1294[%gather3A_1366] in [0] : vector<16xf32>, vector<16xi32> -> vector<16xf32>
      %min3A_1368 = arith.minimumf %min3A_1294, %gather3A_1367 : vector<16xf32>
      %add3A_1369 = arith.constant 1 : i32
      %add3A_1370 = vector.broadcast %add3A_1369 : i32 to vector<16xi32>
      %add3A_1371 = arith.addi %iota3A, %add3A_1370 : vector<16xi32>
      %and3A_1372 = arith.constant 15 : i32
      %and3A_1373 = vector.broadcast %and3A_1372 : i32 to vector<16xi32>
      %and3A_1374 = arith.andi %add3A_1371, %and3A_1373 : vector<16xi32>
      %broadcast_in_dim3A_1375 = vector.shape_cast %and3A_1374 : vector<16xi32> to vector<16x1xi32>
      %gather3A_1376 = vector.shape_cast %broadcast_in_dim3A_1375 : vector<16x1xi32> to vector<16xi32>
      %gather3A_1377 = tpu.dynamic_gather %min3A_1304[%gather3A_1376] in [0] : vector<16xf32>, vector<16xi32> -> vector<16xf32>
      %min3A_1378 = arith.minimumf %min3A_1304, %gather3A_1377 : vector<16xf32>
      %broadcast_in_dim3A_1379 = vector.shape_cast %and3A_1374 : vector<16xi32> to vector<16x1xi32>
      %gather3A_1380 = vector.shape_cast %broadcast_in_dim3A_1379 : vector<16x1xi32> to vector<16xi32>
      %gather3A_1381 = tpu.dynamic_gather %min3A_1308[%gather3A_1380] in [0] : vector<16xf32>, vector<16xi32> -> vector<16xf32>
      %min3A_1382 = arith.minimumf %min3A_1308, %gather3A_1381 : vector<16xf32>
      %broadcast_in_dim3A_1383 = vector.shape_cast %and3A_1374 : vector<16xi32> to vector<16x1xi32>
      %gather3A_1384 = vector.shape_cast %broadcast_in_dim3A_1383 : vector<16x1xi32> to vector<16xi32>
      %gather3A_1385 = tpu.dynamic_gather %min3A_1312[%gather3A_1384] in [0] : vector<16xf32>, vector<16xi32> -> vector<16xf32>
      %min3A_1386 = arith.minimumf %min3A_1312, %gather3A_1385 : vector<16xf32>
      %broadcast_in_dim3A_1387 = vector.shape_cast %and3A_1374 : vector<16xi32> to vector<16x1xi32>
      %gather3A_1388 = vector.shape_cast %broadcast_in_dim3A_1387 : vector<16x1xi32> to vector<16xi32>
      %gather3A_1389 = tpu.dynamic_gather %min3A_1316[%gather3A_1388] in [0] : vector<16xf32>, vector<16xi32> -> vector<16xf32>
      %min3A_1390 = arith.minimumf %min3A_1316, %gather3A_1389 : vector<16xf32>
      %broadcast_in_dim3A_1391 = vector.shape_cast %and3A_1374 : vector<16xi32> to vector<16x1xi32>
      %gather3A_1392 = vector.shape_cast %broadcast_in_dim3A_1391 : vector<16x1xi32> to vector<16xi32>
      %gather3A_1393 = tpu.dynamic_gather %min3A_1320[%gather3A_1392] in [0] : vector<16xf32>, vector<16xi32> -> vector<16xf32>
      %min3A_1394 = arith.minimumf %min3A_1320, %gather3A_1393 : vector<16xf32>
      %broadcast_in_dim3A_1395 = vector.shape_cast %and3A_1374 : vector<16xi32> to vector<16x1xi32>
      %gather3A_1396 = vector.shape_cast %broadcast_in_dim3A_1395 : vector<16x1xi32> to vector<16xi32>
      %gather3A_1397 = tpu.dynamic_gather %min3A_1324[%gather3A_1396] in [0] : vector<16xf32>, vector<16xi32> -> vector<16xf32>
      %min3A_1398 = arith.minimumf %min3A_1324, %gather3A_1397 : vector<16xf32>
      %broadcast_in_dim3A_1399 = vector.shape_cast %and3A_1374 : vector<16xi32> to vector<16x1xi32>
      %gather3A_1400 = vector.shape_cast %broadcast_in_dim3A_1399 : vector<16x1xi32> to vector<16xi32>
      %gather3A_1401 = tpu.dynamic_gather %min3A_1328[%gather3A_1400] in [0] : vector<16xf32>, vector<16xi32> -> vector<16xf32>
      %min3A_1402 = arith.minimumf %min3A_1328, %gather3A_1401 : vector<16xf32>
      %broadcast_in_dim3A_1403 = vector.shape_cast %and3A_1374 : vector<16xi32> to vector<16x1xi32>
      %gather3A_1404 = vector.shape_cast %broadcast_in_dim3A_1403 : vector<16x1xi32> to vector<16xi32>
      %gather3A_1405 = tpu.dynamic_gather %min3A_1332[%gather3A_1404] in [0] : vector<16xf32>, vector<16xi32> -> vector<16xf32>
      %min3A_1406 = arith.minimumf %min3A_1332, %gather3A_1405 : vector<16xf32>
      %broadcast_in_dim3A_1407 = vector.shape_cast %and3A_1374 : vector<16xi32> to vector<16x1xi32>
      %gather3A_1408 = vector.shape_cast %broadcast_in_dim3A_1407 : vector<16x1xi32> to vector<16xi32>
      %gather3A_1409 = tpu.dynamic_gather %min3A_1336[%gather3A_1408] in [0] : vector<16xf32>, vector<16xi32> -> vector<16xf32>
      %min3A_1410 = arith.minimumf %min3A_1336, %gather3A_1409 : vector<16xf32>
      %broadcast_in_dim3A_1411 = vector.shape_cast %and3A_1374 : vector<16xi32> to vector<16x1xi32>
      %gather3A_1412 = vector.shape_cast %broadcast_in_dim3A_1411 : vector<16x1xi32> to vector<16xi32>
      %gather3A_1413 = tpu.dynamic_gather %min3A_1340[%gather3A_1412] in [0] : vector<16xf32>, vector<16xi32> -> vector<16xf32>
      %min3A_1414 = arith.minimumf %min3A_1340, %gather3A_1413 : vector<16xf32>
      %broadcast_in_dim3A_1415 = vector.shape_cast %and3A_1374 : vector<16xi32> to vector<16x1xi32>
      %gather3A_1416 = vector.shape_cast %broadcast_in_dim3A_1415 : vector<16x1xi32> to vector<16xi32>
      %gather3A_1417 = tpu.dynamic_gather %min3A_1344[%gather3A_1416] in [0] : vector<16xf32>, vector<16xi32> -> vector<16xf32>
      %min3A_1418 = arith.minimumf %min3A_1344, %gather3A_1417 : vector<16xf32>
      %broadcast_in_dim3A_1419 = vector.shape_cast %and3A_1374 : vector<16xi32> to vector<16x1xi32>
      %gather3A_1420 = vector.shape_cast %broadcast_in_dim3A_1419 : vector<16x1xi32> to vector<16xi32>
      %gather3A_1421 = tpu.dynamic_gather %min3A_1348[%gather3A_1420] in [0] : vector<16xf32>, vector<16xi32> -> vector<16xf32>
      %min3A_1422 = arith.minimumf %min3A_1348, %gather3A_1421 : vector<16xf32>
      %broadcast_in_dim3A_1423 = vector.shape_cast %and3A_1374 : vector<16xi32> to vector<16x1xi32>
      %gather3A_1424 = vector.shape_cast %broadcast_in_dim3A_1423 : vector<16x1xi32> to vector<16xi32>
      %gather3A_1425 = tpu.dynamic_gather %min3A_1352[%gather3A_1424] in [0] : vector<16xf32>, vector<16xi32> -> vector<16xf32>
      %min3A_1426 = arith.minimumf %min3A_1352, %gather3A_1425 : vector<16xf32>
      %broadcast_in_dim3A_1427 = vector.shape_cast %and3A_1374 : vector<16xi32> to vector<16x1xi32>
      %gather3A_1428 = vector.shape_cast %broadcast_in_dim3A_1427 : vector<16x1xi32> to vector<16xi32>
      %gather3A_1429 = tpu.dynamic_gather %min3A_1356[%gather3A_1428] in [0] : vector<16xf32>, vector<16xi32> -> vector<16xf32>
      %min3A_1430 = arith.minimumf %min3A_1356, %gather3A_1429 : vector<16xf32>
      %broadcast_in_dim3A_1431 = vector.shape_cast %and3A_1374 : vector<16xi32> to vector<16x1xi32>
      %gather3A_1432 = vector.shape_cast %broadcast_in_dim3A_1431 : vector<16x1xi32> to vector<16xi32>
      %gather3A_1433 = tpu.dynamic_gather %min3A_1360[%gather3A_1432] in [0] : vector<16xf32>, vector<16xi32> -> vector<16xf32>
      %min3A_1434 = arith.minimumf %min3A_1360, %gather3A_1433 : vector<16xf32>
      %broadcast_in_dim3A_1435 = vector.shape_cast %and3A_1374 : vector<16xi32> to vector<16x1xi32>
      %gather3A_1436 = vector.shape_cast %broadcast_in_dim3A_1435 : vector<16x1xi32> to vector<16xi32>
      %gather3A_1437 = tpu.dynamic_gather %min3A_1364[%gather3A_1436] in [0] : vector<16xf32>, vector<16xi32> -> vector<16xf32>
      %min3A_1438 = arith.minimumf %min3A_1364, %gather3A_1437 : vector<16xf32>
      %broadcast_in_dim3A_1439 = vector.shape_cast %and3A_1374 : vector<16xi32> to vector<16x1xi32>
      %gather3A_1440 = vector.shape_cast %broadcast_in_dim3A_1439 : vector<16x1xi32> to vector<16xi32>
      %gather3A_1441 = tpu.dynamic_gather %min3A_1368[%gather3A_1440] in [0] : vector<16xf32>, vector<16xi32> -> vector<16xf32>
      %min3A_1442 = arith.minimumf %min3A_1368, %gather3A_1441 : vector<16xf32>
      %swap3A_1443 = arith.constant 0 : index
      %swap3A_1444 = tpu.vector_load %arg12[%swap3A_1443] {strides = array<i32>} : memref<256xf32, #tpu.memory_space<vmem>>, vector<16xf32>,
      tpu.vector_store %arg12[%swap3A_1443], %min3A_1382 {strides = array<i32>} : memref<256xf32, #tpu.memory_space<vmem>>, vector<16xf32>,
      %swap3A_1445 = arith.constant 16 : index
      %swap3A_1446 = tpu.vector_load %arg12[%swap3A_1445] {strides = array<i32>} : memref<256xf32, #tpu.memory_space<vmem>>, vector<16xf32>,
      tpu.vector_store %arg12[%swap3A_1445], %min3A_1386 {strides = array<i32>} : memref<256xf32, #tpu.memory_space<vmem>>, vector<16xf32>,
      %swap3A_1447 = arith.constant 32 : index
      %swap3A_1448 = tpu.vector_load %arg12[%swap3A_1447] {strides = array<i32>} : memref<256xf32, #tpu.memory_space<vmem>>, vector<16xf32>,
      tpu.vector_store %arg12[%swap3A_1447], %min3A_1390 {strides = array<i32>} : memref<256xf32, #tpu.memory_space<vmem>>, vector<16xf32>,
      %swap3A_1449 = arith.constant 48 : index
      %swap3A_1450 = tpu.vector_load %arg12[%swap3A_1449] {strides = array<i32>} : memref<256xf32, #tpu.memory_space<vmem>>, vector<16xf32>,
      tpu.vector_store %arg12[%swap3A_1449], %min3A_1394 {strides = array<i32>} : memref<256xf32, #tpu.memory_space<vmem>>, vector<16xf32>,
      %swap3A_1451 = arith.constant 64 : index
      %swap3A_1452 = tpu.vector_load %arg12[%swap3A_1451] {strides = array<i32>} : memref<256xf32, #tpu.memory_space<vmem>>, vector<16xf32>,
      tpu.vector_store %arg12[%swap3A_1451], %min3A_1398 {strides = array<i32>} : memref<256xf32, #tpu.memory_space<vmem>>, vector<16xf32>,
      %swap3A_1453 = arith.constant 80 : index
      %swap3A_1454 = tpu.vector_load %arg12[%swap3A_1453] {strides = array<i32>} : memref<256xf32, #tpu.memory_space<vmem>>, vector<16xf32>,
      tpu.vector_store %arg12[%swap3A_1453], %min3A_1402 {strides = array<i32>} : memref<256xf32, #tpu.memory_space<vmem>>, vector<16xf32>,
      %swap3A_1455 = arith.constant 96 : index
      %swap3A_1456 = tpu.vector_load %arg12[%swap3A_1455] {strides = array<i32>} : memref<256xf32, #tpu.memory_space<vmem>>, vector<16xf32>,
      tpu.vector_store %arg12[%swap3A_1455], %min3A_1406 {strides = array<i32>} : memref<256xf32, #tpu.memory_space<vmem>>, vector<16xf32>,
      %swap3A_1457 = arith.constant 112 : index
      %swap3A_1458 = tpu.vector_load %arg12[%swap3A_1457] {strides = array<i32>} : memref<256xf32, #tpu.memory_space<vmem>>, vector<16xf32>,
      tpu.vector_store %arg12[%swap3A_1457], %min3A_1410 {strides = array<i32>} : memref<256xf32, #tpu.memory_space<vmem>>, vector<16xf32>,
      %swap3A_1459 = arith.constant 128 : index
      %swap3A_1460 = tpu.vector_load %arg12[%swap3A_1459] {strides = array<i32>} : memref<256xf32, #tpu.memory_space<vmem>>, vector<16xf32>,
      tpu.vector_store %arg12[%swap3A_1459], %min3A_1414 {strides = array<i32>} : memref<256xf32, #tpu.memory_space<vmem>>, vector<16xf32>,
      %swap3A_1461 = arith.constant 144 : index
      %swap3A_1462 = tpu.vector_load %arg12[%swap3A_1461] {strides = array<i32>} : memref<256xf32, #tpu.memory_space<vmem>>, vector<16xf32>,
      tpu.vector_store %arg12[%swap3A_1461], %min3A_1418 {strides = array<i32>} : memref<256xf32, #tpu.memory_space<vmem>>, vector<16xf32>,
      %swap3A_1463 = arith.constant 160 : index
      %swap3A_1464 = tpu.vector_load %arg12[%swap3A_1463] {strides = array<i32>} : memref<256xf32, #tpu.memory_space<vmem>>, vector<16xf32>,
      tpu.vector_store %arg12[%swap3A_1463], %min3A_1422 {strides = array<i32>} : memref<256xf32, #tpu.memory_space<vmem>>, vector<16xf32>,
      %swap3A_1465 = arith.constant 176 : index
      %swap3A_1466 = tpu.vector_load %arg12[%swap3A_1465] {strides = array<i32>} : memref<256xf32, #tpu.memory_space<vmem>>, vector<16xf32>,
      tpu.vector_store %arg12[%swap3A_1465], %min3A_1426 {strides = array<i32>} : memref<256xf32, #tpu.memory_space<vmem>>, vector<16xf32>,
      %swap3A_1467 = arith.constant 192 : index
      %swap3A_1468 = tpu.vector_load %arg12[%swap3A_1467] {strides = array<i32>} : memref<256xf32, #tpu.memory_space<vmem>>, vector<16xf32>,
      tpu.vector_store %arg12[%swap3A_1467], %min3A_1430 {strides = array<i32>} : memref<256xf32, #tpu.memory_space<vmem>>, vector<16xf32>,
      %swap3A_1469 = arith.constant 208 : index
      %swap3A_1470 = tpu.vector_load %arg12[%swap3A_1469] {strides = array<i32>} : memref<256xf32, #tpu.memory_space<vmem>>, vector<16xf32>,
      tpu.vector_store %arg12[%swap3A_1469], %min3A_1434 {strides = array<i32>} : memref<256xf32, #tpu.memory_space<vmem>>, vector<16xf32>,
      %swap3A_1471 = arith.constant 224 : index
      %swap3A_1472 = tpu.vector_load %arg12[%swap3A_1471] {strides = array<i32>} : memref<256xf32, #tpu.memory_space<vmem>>, vector<16xf32>,
      tpu.vector_store %arg12[%swap3A_1471], %min3A_1438 {strides = array<i32>} : memref<256xf32, #tpu.memory_space<vmem>>, vector<16xf32>,
      %swap3A_1473 = arith.constant 240 : index
      %swap3A_1474 = tpu.vector_load %arg12[%swap3A_1473] {strides = array<i32>} : memref<256xf32, #tpu.memory_space<vmem>>, vector<16xf32>,
      tpu.vector_store %arg12[%swap3A_1473], %min3A_1442 {strides = array<i32>} : memref<256xf32, #tpu.memory_space<vmem>>, vector<16xf32>,
      %mul3A_1475 = arith.constant 16 : i32
      %mul3A_1476 = vector.broadcast %mul3A_1475 : i32 to vector<16xi32>
      %mul3A_1477 = arith.muli %iota3A, %mul3A_1476 : vector<16xi32>
      %gather3A_1478 = tpu.vector_load_idx %arg12[%mul3A_1477] : memref<256xf32, #tpu.memory_space<vmem>>[vector<16xi32>], vector<16xf32>,
      %broadcast_in_dim3A_1479 = vector.broadcast %add3A_1146 : i32 to vector<16xi32>
      %gather3A_1480 = tpu.vector_load_idx %arg10[%broadcast_in_dim3A_1479] : memref<64xi32, #tpu.memory_space<vmem>>[vector<16xi32>], vector<16xi32>,
      %gather3A_1481 = tpu.vector_load_idx %arg7[%iota3A, %gather3A_1480] : memref<16x2048xf32, #tpu.memory_space<vmem>>[vector<16xi32>, vector<16xi32>], vector<16xf32>,
      %gt3A_1482 = arith.constant 5.000000e-01 : f32
      %gt3A_1483 = vector.broadcast %gt3A_1482 : f32 to vector<16xf32>
      %gt3A_1484 = arith.cmpf ogt, %min3A_1378, %gt3A_1483 : vector<16xf32>
      %jit3A_1485 = arith.constant 0x7F800000 : f32
      %broadcast_in_dim3A_1486 = vector.broadcast %jit3A_1485 : f32 to vector<16xf32>
      %select_n3A_1487 = arith.select %gt3A_1484, %gather3A_1481, %broadcast_in_dim3A_1486 : vector<16xi1>, vector<16xf32>
      %min3A_1488 = arith.minimumf %gather3A_1478, %select_n3A_1487 : vector<16xf32>
      %broadcast_in_dim3A_1489 = vector.broadcast %add3A_1146 : i32 to vector<16xi32>
      tpu.vector_store_idx %arg11[%broadcast_in_dim3A_1489, %iota3A], %min3A_1488 : memref<64x16xf32, #tpu.memory_space<vmem>>[vector<16xi32>, vector<16xi32>], vector<16xf32>,
    }
    %scan3A_28 = arith.constant 16 : i32
    "tpu.region"() ({
      %run_scoped3A = tpu.sem_alloc : memref<!tpu.dma_semaphore, #tpu.memory_space<semaphore_mem>>
      %dma_start3A_29 = arith.constant 0 : i32
      %dma_start3A_30 = tpu.memref_slice %arg6[%multiple_of3A, %dma_start3A_29] : memref<2048x16xf32, #tpu.memory_space<hbm>> -> memref<64x16xf32, #tpu.memory_space<hbm>>
      %dma_start3A_31 = arith.constant 0 : i32
      %dma_start3A_32 = tpu.memref_slice %arg6[%multiple_of3A, %dma_start3A_31] : memref<2048x16xf32, #tpu.memory_space<hbm>> -> memref<64x16xf32, #tpu.memory_space<hbm>>
      tpu.enqueue_dma source(%arg11 : memref<64x16xf32, #tpu.memory_space<vmem>>) target(%dma_start3A_32 : memref<64x16xf32, #tpu.memory_space<hbm>>) target_semaphore(%run_scoped3A : memref<!tpu.dma_semaphore, #tpu.memory_space<semaphore_mem>>)
      %dma_wait3A = arith.constant 0 : i32
      %dma_wait3A_33 = tpu.memref_slice %arg6[%multiple_of3A, %dma_wait3A] : memref<2048x16xf32, #tpu.memory_space<hbm>> -> memref<64x16xf32, #tpu.memory_space<hbm>>
      %dma_wait3A_34 = arith.constant 0 : i32
      %dma_wait3A_35 = tpu.memref_slice %arg6[%multiple_of3A, %dma_wait3A_34] : memref<2048x16xf32, #tpu.memory_space<hbm>> -> memref<64x16xf32, #tpu.memory_space<hbm>>
      tpu.wait_dma2 semaphore(%run_scoped3A : memref<!tpu.dma_semaphore, #tpu.memory_space<semaphore_mem>>) src(%arg11 : memref<64x16xf32, #tpu.memory_space<vmem>>) dst(%dma_wait3A_35 : memref<64x16xf32, #tpu.memory_space<hbm>>)
      tpu.yield
    }) : () -> ()
    return
  }
}

</mosaic_0001>

<sc_bundles>
// kernel: kernel.3.cloned.1.call-start
scs
__scs_entry_jumppad:
0x0: {  	(pc) =	sbr.rel $0x88, $3  }
0x1: {  	(tag) =	ssettag $0x0;
	lr =	simm.s32 $0x1  }
0x2: {  	[smem:$0x3F9F] =	sst lr;
	_ =	strace $0xD0000000  }
0x3: {  	_ = 	snop  }
0x4: {  	_ = 	snop  }
0x5: {  	_ = 	snop  }
0x6: {  	_ = 	snop  }
0x7: {  	_ = 	snop  }
__scs_overlays_trampoline_lowered:
0x8: {  	[smem:$0x3FAE] =	sst s0  }
0x9: {  	[smem:$0x3FAF] =	sst s1  }
0xa: {  	[smem:$0x3FB0] =	sst s2  }
0xb: {  	[smem:$0x3FB1] =	sst s3  }
0xc: {  	[smem:$0x3FB2] =	sst s4  }
0xd: {  	[smem:$0x3FB3] =	sst s5  }
0xe: {  	[smem:$0x3FB4] =	sst s6  }
0xf: {  	[smem:$0x3FB5] =	sst s7  }
0x10: {  	[smem:$0x3FB6] =	sst s8  }
0x11: {  	[smem:$0x3FB7] =	sst s9;
	s0 =	simm.s32 @!p0 $0x0  }
0x12: {  	s1 =	sld [smem:$0x3F9D];
	s0 =	simm.s32 @p0 $0x1  }
0x13: {  	[smem:$0x3FB8] =	sst s0;
	s0 =	simm.s32 @!p1 $0x0  }
0x14: {  	s2 =	sld [smem:$0x3F9C];
	s0 =	simm.s32 @p1 $0x1  }
0x15: {  	[smem:$0x3FB9] =	sst s0;
	s0 =	simm.s32 @!p2 $0x0  }
0x16: {  	s3 =	sld [smem:$0x3FDB];
	s0 =	simm.s32 @p2 $0x1  }
0x17: {  	s4 =	simm.s32 $0x1BF5;
	[smem:$0x3FBB] =	sst s0  }
0x18: {  	s0 =	sld [smem:$0x3F9E];
	_ =	swait.ge [sflag:s4], $0x0  }
0x19: {  	s7 =	sld [smem:$0x3F9F]  }
0x1a: {  	s8 =	sadd.s32 $0xFFFFE003, lr  }
0x1b: {  	s9 =	sadd.s32 $0xFFFFFEF7, lr;
	s5 =	simm.s32 $0xFFFFFFFF;
	p2 =	slt.u32 s8, $0xFFFFF086  }
0x1c: {  	p1 =	slt.u32 s9, $0xF7A;
	s5 =	simm.s32 @!p2 $0x0  }
0x1d: {  	s5 =	simm.s32 @p1 $0x1;
	p0 =	seq.s32 s7, s2  }
0x1e: {  	s7 =	smul.u32 @!p0 $0xF7A, s2;
	p2 =	seq.s32 @!p0 s5, $0x0  }
0x1f: {  	s9 =	smul.u32 $0xF7A, s1;
	s8 =	simm.s32 @!p0 $0x1BF5;
	p2 =	por !p2, p0  }
0x20: {  	[sflag:s8] =	ssyncset.s32 @!p0 $0xFFFFF086;
	s6 =	sadd.s32 @!p0 s3, s7;
	s7 =	simm.s32 @!p0 $0x108  }
0x21: {  	s3 =	sadd.s32 s3, s9;
	s6 =	sadd.s32 @!p0 $0x88, s6;
	s7 =	simm.s32 @p2 $0x1082  }
0x22: {  	[simem:s7], [sflag:s8] =	dma.local @!p0 [hbm:s6], $0xF7A  }
0x23: {  	s9 =	sor.u32 $0xD0000000, s2;
	s6 =	simm.s32 $0x108;
	_ =	swait.ge @!p0 [sflag:s8], $0x0  }
0x24: {  	s3 =	sadd.s32 $0x88, s3;
	s6 =	simm.s32 @!p1 $0x1082;
	[sflag:s4] =	ssyncset.s32 $0xFFFFF086  }
0x25: {  	[simem:s6], [sflag:s4] =	dma.local [hbm:s3], $0xF7A  }
0x26: {  	[smem:$0x3F9F] =	sst s1;
	(tag) =	ssettag s2;
	_ =	strace s9  }
0x27: {  	s1 =	sld [smem:$0x3FAF]  }
0x28: {  	s2 =	sld [smem:$0x3FB0]  }
0x29: {  	s4 =	sld [smem:$0x3FB2]  }
0x2a: {  	p0 =	seq.s32 s5, $0x0;
	s5 =	sld [smem:$0x3FB3]  }
0x2b: {  	s6 =	sld [smem:$0x3FB4]  }
0x2c: {  	s7 =	sld [smem:$0x3FB5]  }
0x2d: {  	s3 =	simm.s32 $0x108;
	s8 =	sld [smem:$0x3FB6]  }
0x2e: {  	s3 =	simm.s32 @!p0 $0x1082;
	s9 =	sld [smem:$0x3FB7]  }
0x2f: {  	lr =	sadd.s32 s0, s3;
	s0 =	sld [smem:$0x3FAE]  }
0x30: {  	s3 =	sld [smem:$0x3FB1]  }
0x31: {  	[smem:$0x3FBA] =	sst s10  }
0x32: {  	s10 =	sld [smem:$0x3FB8];
	_ =	sdelay $0x3  }
0x33: {  	p0 =	seq.s32 s10, $0x1;
	s10 =	sld [smem:$0x3FBA];
	_ =	sdelay $0x3  }
0x34: {  	[smem:$0x3FBA] =	sst s10  }
0x35: {  	s10 =	sld [smem:$0x3FB9];
	_ =	sdelay $0x3  }
0x36: {  	p1 =	seq.s32 s10, $0x1;
	s10 =	sld [smem:$0x3FBA];
	_ =	sdelay $0x3  }
0x37: {  	[smem:$0x3FBA] =	sst s10  }
0x38: {  	s10 =	sld [smem:$0x3FBB]  }
0x39: {  	_ = 	snop;
	(pc) =	sbr.ind lr, $3  }
0x3a: {  	_ = 	snop  }
0x3b: {  	_ = 	snop  }
0x3c: {  	p2 =	seq.s32 s10, $0x1;
	s10 =	sld [smem:$0x3FBA]  }
0x3d: {  	_ =	shalt  }
0x3e: {  	_ =	shalt  }
0x3f: {  	_ =	shalt  }
0x40: {  	_ =	shalt  }
0x41: {  	_ =	shalt  }
0x42: {  	_ =	shalt  }
0x43: {  	_ =	shalt  }
0x44: {  	_ =	shalt  }
0x45: {  	_ =	shalt  }
0x46: {  	_ =	shalt  }
0x47: {  	_ =	shalt  }
0x48: {  	_ =	shalt  }
0x49: {  	_ =	shalt  }
0x4a: {  	_ =	shalt  }
0x4b: {  	_ =	shalt  }
0x4c: {  	_ =	shalt  }
0x4d: {  	_ =	shalt  }
0x4e: {  	_ =	shalt  }
0x4f: {  	_ =	shalt  }
0x50: {  	_ =	shalt  }
0x51: {  	_ =	shalt  }
0x52: {  	_ =	shalt  }
0x53: {  	_ =	shalt  }
0x54: {  	_ =	shalt  }
0x55: {  	_ =	shalt  }
0x56: {  	_ =	shalt  }
0x57: {  	_ =	shalt  }
0x58: {  	_ =	shalt  }
0x59: {  	_ =	shalt  }
0x5a: {  	_ =	shalt  }
0x5b: {  	_ =	shalt  }
0x5c: {  	_ =	shalt  }
0x5d: {  	_ =	shalt  }
0x5e: {  	_ =	shalt  }
0x5f: {  	_ =	shalt  }
0x60: {  	_ =	shalt  }
0x61: {  	_ =	shalt  }
0x62: {  	_ =	shalt  }
0x63: {  	_ =	shalt  }
0x64: {  	_ =	shalt  }
0x65: {  	_ =	shalt  }
0x66: {  	_ =	shalt  }
0x67: {  	_ =	shalt  }
0x68: {  	_ =	shalt  }
0x69: {  	_ =	shalt  }
0x6a: {  	_ =	shalt  }
0x6b: {  	_ =	shalt  }
0x6c: {  	_ =	shalt  }
0x6d: {  	_ =	shalt  }
0x6e: {  	_ =	shalt  }
0x6f: {  	_ =	shalt  }
0x70: {  	_ =	shalt  }
0x71: {  	_ =	shalt  }
0x72: {  	_ =	shalt  }
0x73: {  	_ =	shalt  }
0x74: {  	_ =	shalt  }
0x75: {  	_ =	shalt  }
0x76: {  	_ =	shalt  }
0x77: {  	_ =	shalt  }
0x78: {  	_ =	shalt  }
0x79: {  	_ =	shalt  }
0x7a: {  	_ =	shalt  }
0x7b: {  	_ =	shalt  }
0x7c: {  	_ =	shalt  }
0x7d: {  	_ =	shalt  }
0x7e: {  	_ =	shalt  }
0x7f: {  	_ =	shalt  }
0x80: {  	_ =	shalt  }
0x81: {  	_ =	shalt  }
0x82: {  	_ =	shalt  }
0x83: {  	_ =	shalt  }
0x84: {  	_ =	shalt  }
0x85: {  	_ =	shalt  }
0x86: {  	_ =	shalt  }
0x87: {  	_ =	shalt  }
.Lfunc_end0:
.L_simem_size_0:
called_computation_lowered:
.L_overlay_start_0:
0x88: {  	s2 =	sld [smem:$0x3FD9]  }
0x89: {  	s3 =	sld [smem:$0x3FFE];
	_ =	sdelay $0x1  }
0x8a: {  	s1 =	srdreg.scid  }
0x8b: {  	s0 =	sand.u32 $0x1, s1  }
0x8c: {  	s17 =	sshll.u32 s0, $0xA;
	s2 =	sadd.s32 s3, s2  }
0x8d: {  	s2 =	sadd.s32 s2, s17  }
0x8e: {  	[smem:$0x3FC6] =	sst s2  }
0x8f: {  	_ = 	snop  }
0x90: {  	s2 =	sld [smem:$0x3FC9]  }
0x91: {  	s18 =	sld [smem:$0x3FD0];
	(tm) =	ssettm $0x1  }
0x92: {  	s4 =	sld [smem:$0x3FFB];
	_ =	sdelay $0x3  }
0x93: {  	_ =	strace s4  }
0x94: {  	s4 =	sld [smem:$0x3FFC];
	_ =	sdelay $0x3  }
0x95: {  	_ =	strace s4  }
0x96: {  	s4 =	sld [smem:$0x3FFD];
	_ =	sdelay $0x3  }
0x97: {  	_ =	strace s4  }
0x98: {  	_ =	strace $0x8FFFFFFF  }
0x99: {  	s19 =	sld [smem:$0x3FDB];
	_ =	sdelay $0x1  }
0x9a: {  	s5 =	simm.s32 $_scs_section_size  }
0x9b: {  	s6 =	simm.s32 $_size__tile_overlayer_lowered;
	s7 =	simm.s32 $_tile_overlayer_lowered  }
0x9c: {  	s22 =	simm.s32 $0x1BFF;
	s21 =	sshll.u32 s7, $0x1;
	s4 =	sadd.s32 s5, s19  }
0x9d: {  	s8 =	simm.s32 $0x0;
	s20 =	sshll.u32 s6, $0x1;
	s6 =	sadd.s32 s21, s4  }
0x9e: {  	[timem:s8], [sflag:s22] =	dma.local [hbm:s6], s20  }
0x9f: {  	_ =	swait.ge [sflag:s22], s20  }
0xa0: {  	s5 =	ssub.s32 $0x0, s20;
	[sflag:s22] =	ssyncset.done $0x0  }
0xa1: {  	[sflag:s22] =	ssyncadd.s32 s5;
	_ =	sdelay $0x1  }
0xa2: {  	s23 =	simm.s32 $0x1B8B  }
0xa3: {  	_ =	swait.ge [sflag:s23], $0x1  }
0xa4: {  	[sflag:s23] =	ssyncset.done $0x0  }
0xa5: {  	s25 =	simm.s32 $0x1B8E;
	s24 =	sld [smem:$0x3FFE];
	[sflag:s23] =	ssyncadd.s32 $0xFFFFFFFF  }
0xa6: {  	s26 =	simm.s32 $execute0_lowered;
	[smem:$0x3FD2] =	sst s25  }
0xa7: {  	s6 =	sshll.u32 s26, $0x1;
	_ =	strace $0x80000046;
	[dreg:$0x1] =	wrdreg $0xFFFFFFFF  }
0xa8: {  	s28 =	simm.s32 $_size_execute0_lowered;
	s4 =	sadd.s32 s4, s6;
	[dreg:$0x0] =	wrdreg $0x0  }
0xa9: {  	s6 =	sshll.u32 s28, $0x1;
	[dreg:$0x2] =	wrdreg s4  }
0xaa: {  	[dreg:$0x3] =	wrdreg s6  }
0xab: {  	[dreg:$0x4] =	wrdreg $0xC0  }
0xac: {  	_ =	task [dreg:s8], $0x5FFFF  }
0xad: {  	[dreg:$0x1] =	wrdreg $0xFFFFFFFF  }
0xae: {  	[dreg:$0x0] =	wrdreg $0x60  }
0xaf: {  	[dreg:$0x2] =	wrdreg s2  }
0xb0: {  	[dreg:$0x3] =	wrdreg s24  }
0xb1: {  	[dreg:$0x4] =	wrdreg s18  }
0xb2: {  	[dreg:$0x5] =	wrdreg $0x9  }
0xb3: {  	_ =	task.clear_ibuf [dreg:s8], $0x6FFFF;
	_ =	strace $0x90000046  }
0xb4: {  	s29 =	simm.s32 $0x9;
	_ =	strace $0x80000048  }
0xb5: {  	_ =	swait.ge [sflag:s29], $0x1  }
0xb6: {  	[sflag:s29] =	ssyncadd.s32 $0xFFFFFFFF  }
0xb7: {  	_ =	strace $0x90000048  }
0xb8: {  	_ =	sfence  }
0xb9: {  	s30 =	sld [smem:$0x0];
	_ =	sdelay $0x2  }
0xba: {  	s31 =	sshll.u32 s1, $0xD;
	s1 =	sshrl.u32 s1, $0x2  }
0xbb: {  	s3 =	sand.u32 $0x4000, s31;
	s1 =	sadd.s32 s1, s30  }
0xbc: {  	s0 =	sor.u32 s3, s0;
	s1 =	sshll.u32 s1, $0x11  }
0xbd: {  	s0 =	sor.u32 s1, s0  }
0xbe: {  	s0 =	sadd.s32 $0x8F2B, s0  }
0xbf: {  	[sflag:s0] =	ssyncadd.remote.s32 $0x1  }
0xc0: {  	_ =	sfence.sel $0xFFFF  }
0xc1: {  	[dreg:$0x0] =	wrdreg $0xFFFFFFFF;
	(pc) =	sbr.abs _section_cstart, $3  }
0xc2: {  	[dreg:$0x1] =	wrdreg $0xFFFFFFFF  }
0xc3: {  	_ =	task.clear_ibuf [dreg:s8], $0x2FFFF;
	_ =	strace $0x9FFFFFFF  }
0xc4: {  	(tm) =	ssettm $0x7FFFFFFF  }
0xc5: {  	_ =	shalt  }
tec
execute0_lowered:
.L_overlay_start_1:
0x0: {  	(tag) =	ssettag $0x1  }
0x1: {  	v0 =	vimm.s32 $0x76543210;
	v1 =	vimm.s32 $0xFEDCBA98  }
0x2: {  	v2 =	vimm.s32 $0x3210FEDC;
	v3 =	vimm.s32 $0xBA987654;
	v5 =	vimm.s32 $0x10FEDCBA  }
0x3: {  	v60 =	vimm.s32 $0x98765432;
	v61 =	vimm.s32 $0x4380;
	vm0 =	vcmask $0x300  }
0x4: {  	vm14 =	vcmask $0x704;
	vm15 =	vcmask $0xB08;
	v1 =	vunpack.c.l.s4.s8 v1  }
0x5: {  	vm4 =	vcmask $0xF0C;
	v2 =	vunpack.c.l.s4.s8 v2;
	v3 =	vunpack.c.l.s4.s8 v3  }
0x6: {  	vm5 =	vcmask $0x1310;
	v0 =	vunpack.c.l.s4.s8 v0;
	v1 =	vunpack.c.0.s8.s32 v1  }
0x7: {  	vm6 =	vcmask $0x1714;
	v2 =	vunpack.c.0.s8.s32 v2;
	v3 =	vunpack.c.0.s8.s32 v3  }
0x8: {  	v63 =	vimm.s32 $0xFEDCBA9;
	v4 =	vunpack.c.0.s8.s32 v0;
	v1 =	vand.u32 $0xF, v1  }
0x9: {  	v2 =	vcombine.low v3, v2;
	v3 =	vunpack.c.l.s4.s8 v5;
	v5 =	vsel vm0, $0x0, v61  }
0xa: {  	v1 =	vcombine.low v1, v4;
	v4 =	vunpack.c.l.s4.s8 v60;
	v5 =	vsel vm14, $0x80, v5  }
0xb: {  	s0 =	rddreg [dreg:$0x0];
	vm7 =	vcmask $0x1B18;
	vm8 =	vcmask $0x1F1C;
	v5 =	vsel vm15, $0x100, v5  }
0xc: {  	s6 =	rddreg [dreg:$0x1];
	v3 =	vunpack.c.0.s8.s32 v3;
	v4 =	vunpack.c.0.s8.s32 v4;
	v5 =	vsel vm4, $0x180, v5  }
0xd: {  	s7 =	rddreg [dreg:$0x2];
	v6 =	vimm.s32 $0x87654321;
	vm9 =	vcmask $0x2320;
	v62 =	vsel vm5, $0x200, v5  }
0xe: {  	s4 =	srdreg.scid;
	s3 =	simm.s32 $0x0;
	s2 =	stileid.u32;
	vm10 =	vcmask $0x2724;
	v3 =	vcombine.low v4, v3;
	v4 =	vsel vm6, $0x280, v62  }
0xf: {  	s13 =	simm.s32 $0x5;
	s14 =	simm.s32 $0xC000;
	s15 =	simm.s32 $0x1;
	v6 =	vunpack.c.l.s4.s8 v6;
	v5 =	vunpack.c.l.s4.s8 v63;
	v4 =	vsel vm7, $0x300, v4  }
0x10: {  	vm11 =	vcmask $0x2B28;
	vm12 =	vcmask $0x2F2C;
	s16 =	simm.s32 $0x3;
	s17 =	simm.s32 $0xE080;
	s18 =	simm.s32 $0xC080;
	v4 =	vsel vm8, $0x380, v4  }
0x11: {  	s19 =	simm.s32 $0x2;
	s20 =	simm.s32 $0x4;
	s21 =	simm.s32 $0x0;
	v6 =	vunpack.c.0.s8.s32 v6;
	v5 =	vunpack.c.0.s8.s32 v5;
	v4 =	vsel vm9, $0x4000, v4  }
0x12: {  	vm13 =	vcmask $0x3330;
	s5 =	sand.u32 $0x1, s4;
	[smem:$0x7FF] =	sst s3;
	s29 =	sshll.u32 s2, $0x7;
	[tilespmem:$0x1FFA0] =	vst v1;
	v1 =	vand.u32 $0xF, v2;
	v4 =	vsel vm10, $0x4080, v4  }
0x13: {  	s4 =	sadd.s32 $0x800, s6;
	s8 =	sshll.u32 s5, $0x6;
	s10 =	ssub.s32 $0x2, s5;
	[tilespmem:$0x1FFB0] =	vst v1;
	v1 =	vand.u32 $0xF, v3;
	v5 =	vcombine.low v6, v5;
	v4 =	vsel vm11, $0x4100, v4  }
0x14: {  	s8 =	sor.u32 s8, s29;
	s30 =	sshrl.u32 s10, $0x1;
	vm14 =	vcmask $0x3734;
	_ =	strace $0x80000047;
	[tilespmem:$0x1FFC0] =	vst v1;
	v1 =	vlaneseq.u32;
	v4 =	vsel vm12, $0x4180, v4  }
0x15: {  	s5 =	sadd.s32 $0x80800, s6;
	s9 =	sshll.u32 s8, $0x4;
	s12 =	ssub.s32 s10, s30;
	v1 =	vmul.u32 $0x10, v1;
	v2 =	vand.u32 $0xF, v5;
	v4 =	vsel vm13, $0x4200, v4  }
0x16: {  	s31 =	sshrl.u32 s8, $0x3;
	s11 =	sadd.s32 s9, s6;
	s6 =	sshll.u32 s8, $0x8;
	vm15 =	vcmask $0x3B38;
	[tilespmem:$0x1FFD0] =	vst v2;
	v4 =	vsel vm14, $0x4280, v4  }
0x17: {  	s7 =	sadd.s32 s7, s31;
	s12 =	smax.u32 s12, $0x1;
	s8 =	sadd.s32 s4, s6;
	[tilespmem:$0x1FFE0] =	vst v1;
	v1 =	vsel vm15, $0x4300, v4  }
0x18: {  	v0 =	vimm.f32 $1.000000000e+00;
	s9 =	sadd.s32 s5, s6;
	s10 =	sor.u32 $0x400, s6;
	s11 =	sadd.s32 $0x100800, s11;
	[tilespmem:$0x1FFF0] =	vst v1  }
.LBB2_1:
0x19: {  	[tilespmem:s3], [sflag:$0x5] =	stream.linear.gather [hbm4b:s0+s3], $0x8000, $0x38;
	[tilespmem:$0xE180] =	vst v63  }
0x1a: {  	_ =	swait.ge [sflag:s13], $0x8000  }
0x1b: {  	[sflag:s13] =	ssyncset.done $0x0  }
0x1c: {  	[sflag:s13] =	ssyncadd.s32 $0xFFFF8000  }
0x1d: {  	[tilespmem:s14], [sflag:$0x5] =	stream.linear.gather [hbm4b:s7+s3], $0x40, $0x38;
	[tilespmem:$0xE180] =	vst v63  }
0x1e: {  	_ =	swait.ge [sflag:s13], $0x40  }
0x1f: {  	s22 =	simm.s32 $0x8000;
	s23 =	simm.s32 $0x10;
	[sflag:s13] =	ssyncset.done $0x0  }
0x20: {  	s25 =	sadd.s32 $0x0, s8;
	s24 =	simm.s32 $0x8100;
	[sflag:s13] =	ssyncadd.s32 $0xFFFFFFC0  }
.LBB2_2:
0x21: {  	[tilespmem:s22], [sflag:$0x1] =	stream.linear.gather [hbm4b:s25+s3], $0x80, $0x38;
	[tilespmem:$0xE180] =	vst v63  }
0x22: {  	s25 =	smov.u32 s23;
	s22 =	smov.u32 s24;
	p0 =	sne.s32 s23, $0x1F0  }
.Ltmp0:
0x23: {  	s23 =	sadd.s32 $0x10, s23;
	(pc) =	sbr.rel @p0 .LBB2_2-.Ltmp0, $2  }
0x24: {  	_ =	sdelay $0x2  }
0x25: {  	s24 =	sadd.s32 $0x100, s24;
	s25 =	sadd.s32 s25, s8  }
0x26: {  	[tilespmem:s22], [sflag:$0x1] =	stream.linear.gather [hbm4b:s25+s3], $0x80, $0x38;
	[tilespmem:$0xE180] =	vst v63  }
0x27: {  	s22 =	simm.s32 $0x0;
	s23 =	simm.s32 $0xA000  }
0x28: {  	s24 =	simm.s32 $0x10;
	s26 =	sadd.s32 $0x0, s9;
	s25 =	simm.s32 $0xA100  }
.LBB2_4:
0x29: {  	[tilespmem:s23], [sflag:$0x3] =	stream.linear.gather [hbm4b:s26+s22], $0x80, $0x38;
	[tilespmem:$0xE180] =	vst v63  }
0x2a: {  	s26 =	smov.u32 s24;
	s23 =	smov.u32 s25;
	p0 =	sne.s32 s24, $0x1F0  }
.Ltmp1:
0x2b: {  	s24 =	sadd.s32 $0x10, s24;
	(pc) =	sbr.rel @p0 .LBB2_4-.Ltmp1, $2  }
0x2c: {  	_ =	sdelay $0x2  }
0x2d: {  	s25 =	sadd.s32 $0x100, s25;
	s26 =	sadd.s32 s26, s9  }
0x2e: {  	[tilespmem:s23], [sflag:$0x3] =	stream.linear.gather [hbm4b:s26+s22], $0x80, $0x38;
	[tilespmem:$0xE180] =	vst v63  }
.LBB2_6:
0x2f: {  	s23 =	sshllo.u32 s22, $0x1  }
0x30: {  	s24 =	sshll.u32 s23, $0x9  }
0x31: {  	s24 =	sadd.s32 s6, s24  }
0x32: {  	s26 =	simm.s32 $0x8080;
	s25 =	sadd.s32 s4, s24  }
0x33: {  	s28 =	simm.s32 $0x10;
	s29 =	simm.s32 $0x8180;
	s30 =	sadd.s32 $0x0, s25  }
.LBB2_7:
0x34: {  	[tilespmem:s26], [sflag:$0x2] =	stream.linear.gather [hbm4b:s30+s3], $0x80, $0x38;
	[tilespmem:$0xE180] =	vst v63  }
0x35: {  	s30 =	smov.u32 s28;
	s26 =	smov.u32 s29;
	p0 =	sne.s32 s28, $0x1F0  }
.Ltmp2:
0x36: {  	s28 =	sadd.s32 $0x10, s28;
	(pc) =	sbr.rel @p0 .LBB2_7-.Ltmp2, $2  }
0x37: {  	_ =	sdelay $0x2  }
0x38: {  	s29 =	sadd.s32 $0x100, s29;
	s30 =	sadd.s32 s30, s25  }
0x39: {  	[tilespmem:s26], [sflag:$0x2] =	stream.linear.gather [hbm4b:s30+s3], $0x80, $0x38;
	[tilespmem:$0xE180] =	vst v63  }
0x3a: {  	s24 =	sadd.s32 s5, s24;
	s25 =	simm.s32 $0xA080  }
0x3b: {  	s26 =	simm.s32 $0x10;
	s28 =	simm.s32 $0xA180;
	s29 =	sadd.s32 $0x0, s24  }
.LBB2_9:
0x3c: {  	[tilespmem:s25], [sflag:$0x4] =	stream.linear.gather [hbm4b:s29+s3], $0x80, $0x38;
	[tilespmem:$0xE180] =	vst v63  }
0x3d: {  	s29 =	smov.u32 s26;
	s25 =	smov.u32 s28;
	p0 =	sne.s32 s26, $0x1F0  }
.Ltmp3:
0x3e: {  	s26 =	sadd.s32 $0x10, s26;
	(pc) =	sbr.rel @p0 .LBB2_9-.Ltmp3, $2  }
0x3f: {  	_ =	sdelay $0x2  }
0x40: {  	s28 =	sadd.s32 $0x100, s28;
	s29 =	sadd.s32 s29, s24  }
0x41: {  	[tilespmem:s25], [sflag:$0x4] =	stream.linear.gather [hbm4b:s29+s3], $0x80, $0x38;
	[tilespmem:$0xE180] =	vst v63  }
0x42: {  	_ =	swait.ge [sflag:s15], $0x1000  }
0x43: {  	[sflag:s15] =	ssyncset.done $0x0  }
0x44: {  	[sflag:s15] =	ssyncadd.s32 $0xFFFFF000  }
0x45: {  	s24 =	simm.s32 $0x0;
	s1 =	simm.s32 $0x0;
	_ =	swait.ge [sflag:s16], $0x1000  }
0x46: {  	s26 =	sand.u32 $0x70, s24;
	s25 =	sand.u32 $0xFFFFFF00, s1;
	[sflag:s16] =	ssyncset.done $0x0  }
0x47: {  	s25 =	sor.u32 s26, s25;
	[sflag:s16] =	ssyncadd.s32 $0xFFFFF000  }
0x48: {  	s24 =	sand.u32 $0xF00, s24;
	v4 =	vld [tilespmem:s25+$0x8000]  }
0x49: {  	s28 =	simm.s32 $0x0;
	s29 =	sor.u32 s24, s26;
	v6 =	vld [tilespmem:s25+$0xA000]  }
0x4a: {  	s25 =	sand.u32 $0x3FFFFC00, s28;
	v7 =	vld [tilespmem:s29+$0x9000]  }
0x4b: {  	v8 =	vld [tilespmem:s29+$0xB000];
	s24 =	sor.u32 s26, s25  }
0x4c: {  	v38 =	vld [tilespmem:s24+$0x4380]  }
0x4d: {  	v10 =	vld [tilespmem:s24+$0x0]  }
0x4e: {  	v13 =	vimm.f32 $1.000000000e+00;
	v43 =	vimm.f32 $+Inf;
	v11 =	vld [tilespmem:s24+$0x80]  }
0x4f: {  	v58 =	vimm.f32 $+Inf;
	v23 =	vimm.f32 $+Inf;
	v62 =	vimm.f32 $+Inf;
	v12 =	vld [tilespmem:s24+$0x180]  }
0x50: {  	v19 =	vimm.f32 $+Inf;
	v20 =	vimm.f32 $+Inf;
	v22 =	vimm.f32 $+Inf;
	v15 =	vld [tilespmem:s24+$0x280]  }
0x51: {  	v17 =	vimm.f32 $+Inf;
	v59 =	vld [tilespmem:s24+$0x4200];
	vm0 =	vgt.f32 v4, v6;
	vm15 =	vgt.f32 v7, v8  }
0x52: {  	v18 =	vimm.f32 $+Inf;
	v6 =	vsel vm0, $0x0, v0;
	v60 =	vsel vm15, $0x0, v0  }
0x53: {  	v4 =	vld [tilespmem:s24+$0x100];
	v14 =	vadd.f32 v38, v6;
	v9 =	vmin.f32 v13, v6;
	v16 =	vadd.f32 v6, v10  }
0x54: {  	v7 =	vld [tilespmem:s24+$0x200];
	v61 =	vadd.f32 v60, v10;
	v8 =	vmin.f32 v13, v60;
	v13 =	vadd.f32 v11, v6  }
0x55: {  	v24 =	vimm.f32 $+Inf;
	v10 =	vld [tilespmem:s24+$0x300];
	v25 =	vadd.f32 v60, v11;
	v27 =	vadd.f32 v12, v60  }
0x56: {  	v21 =	vimm.f32 $+Inf;
	v11 =	vld [tilespmem:s24+$0x380];
	v29 =	vadd.f32 v15, v60;
	v46 =	vadd.f32 v59, v6  }
0x57: {  	v37 =	vmin.f32 v43, v14;
	v40 =	vmin.f32 v43, v13;
	v13 =	vadd.f32 v12, v6  }
0x58: {  	v39 =	vmin.f32 v43, v16;
	v12 =	vld [tilespmem:s24+$0x4080];
	v16 =	vimm.f32 $+Inf;
	v14 =	vadd.f32 v4, v6  }
0x59: {  	v26 =	vadd.f32 v4, v60;
	v4 =	vld [tilespmem:s24+$0x4000];
	v44 =	vmin.f32 v43, v13;
	v13 =	vadd.f32 v15, v6  }
0x5a: {  	v28 =	vadd.f32 v7, v60;
	v15 =	vld [tilespmem:s24+$0x4180];
	v41 =	vmin.f32 v43, v14;
	v14 =	vadd.f32 v7, v6  }
0x5b: {  	v30 =	vadd.f32 v10, v60;
	v31 =	vadd.f32 v11, v60;
	v45 =	vmin.f32 v43, v13  }
0x5c: {  	v7 =	vld [tilespmem:s24+$0x4100];
	v42 =	vmin.f32 v43, v14;
	v14 =	vadd.f32 v10, v6;
	v10 =	vadd.f32 v11, v6  }
0x5d: {  	v13 =	vadd.f32 v12, v6;
	v33 =	vadd.f32 v12, v60;
	v12 =	vimm.f32 $+Inf  }
0x5e: {  	v11 =	vadd.f32 v4, v6;
	v32 =	vadd.f32 v4, v60;
	v48 =	vmin.f32 v43, v14  }
0x5f: {  	v36 =	vld [tilespmem:s24+$0x4280];
	v51 =	vmin.f32 v43, v10;
	v56 =	vmin.f32 v43, v13;
	v54 =	vadd.f32 v15, v6  }
0x60: {  	s30 =	simm.s32 $0x20;
	v63 =	vld [tilespmem:s24+$0x4300];
	v35 =	vadd.f32 v15, v60;
	v13 =	vimm.f32 $+Inf;
	v14 =	vimm.f32 $+Inf  }
0x61: {  	s31 =	sand.u32 $0xFFFFFF00, s30;
	v15 =	vimm.f32 $+Inf;
	v10 =	vimm.f32 $+Inf;
	v4 =	vadd.f32 v7, v6  }
0x62: {  	s30 =	simm.s32 $0x2;
	s29 =	simm.s32 $0x10;
	s26 =	simm.s32 $0x20;
	v55 =	vmin.f32 v43, v11;
	v34 =	vadd.f32 v7, v60;
	v7 =	vimm.f32 $+Inf  }
0x63: {  	s28 =	simm.s32 $0x1;
	s25 =	sand.u32 $0xF00, s26;
	s24 =	sand.u32 $0x70, s29;
	v11 =	vimm.f32 $+Inf;
	v57 =	vmin.f32 v43, v4;
	v4 =	vimm.f32 $+Inf  }
.LBB2_11:
0x64: {  	p0 =	sne.s32 s30, $0x7F;
	s31 =	sor.u32 s24, s31;
	s25 =	sor.u32 s25, s24;
	v43 =	vmin.f32 v43, v54;
	v47 =	vadd.f32 v59, v60;
	v49 =	vadd.f32 v36, v6  }
0x65: {  	s1 =	sshll.u32 s28, $0x7;
	v36 =	vadd.f32 v36, v60;
	s28 =	smov.u32 s30;
	v50 =	vld [tilespmem:s31+$0x8000];
	v58 =	vmin.f32 v58, v46;
	v6 =	vadd.f32 v63, v6  }
0x66: {  	v52 =	vadd.f32 v38, v60;
	s1 =	sand.u32 $0x3FFFFC00, s1;
	v46 =	vld [tilespmem:s31+$0xA000];
	v7 =	vmin.f32 v7, v49;
	v49 =	vadd.f32 v63, v60  }
0x67: {  	v4 =	vmin.f32 v4, v61;
	v23 =	vmin.f32 v23, v25;
	s24 =	sor.u32 s24, s1;
	v53 =	vld [tilespmem:s25+$0x9000];
	v62 =	vmin.f32 v62, v6  }
0x68: {  	v19 =	vmin.f32 v19, v26;
	v20 =	vmin.f32 v20, v27;
	v13 =	vmin.f32 v13, v28;
	v38 =	vld [tilespmem:s24+$0x4380]  }
0x69: {  	v14 =	vmin.f32 v14, v29;
	v11 =	vmin.f32 v11, v30;
	v15 =	vmin.f32 v15, v31;
	v25 =	vld [tilespmem:s25+$0xB000]  }
0x6a: {  	v16 =	vmin.f32 v16, v32;
	v12 =	vmin.f32 v12, v33;
	v22 =	vmin.f32 v22, v34;
	v26 =	vld [tilespmem:s24+$0x0]  }
0x6b: {  	v17 =	vmin.f32 v17, v35;
	v18 =	vmin.f32 v18, v47;
	vm0 =	vgt.f32 v50, v46;
	v27 =	vld [tilespmem:s24+$0x80]  }
0x6c: {  	v24 =	vmin.f32 v24, v36;
	v21 =	vmin.f32 v21, v49;
	v6 =	vsel vm0, $0x0, v0;
	v28 =	vld [tilespmem:s24+$0x100]  }
0x6d: {  	v10 =	vmin.f32 v10, v52;
	v9 =	vmin.f32 v9, v6;
	v29 =	vld [tilespmem:s24+$0x180];
	v30 =	vadd.f32 v38, v6  }
0x6e: {  	vm0 =	vgt.f32 v53, v25;
	v31 =	vld [tilespmem:s24+$0x200]  }
0x6f: {  	v60 =	vsel vm0, $0x0, v0;
	v25 =	vadd.f32 v6, v26;
	v32 =	vld [tilespmem:s24+$0x280];
	v37 =	vmin.f32 v37, v30  }
0x70: {  	v8 =	vmin.f32 v8, v60;
	v61 =	vadd.f32 v60, v26;
	v26 =	vadd.f32 v27, v6;
	v30 =	vld [tilespmem:s24+$0x300]  }
0x71: {  	v39 =	vmin.f32 v39, v25;
	v25 =	vadd.f32 v60, v27;
	v27 =	vadd.f32 v28, v6;
	v33 =	vld [tilespmem:s24+$0x380]  }
0x72: {  	v40 =	vmin.f32 v40, v26;
	v26 =	vadd.f32 v28, v60;
	v28 =	vadd.f32 v29, v6;
	v34 =	vld [tilespmem:s24+$0x4000]  }
0x73: {  	v41 =	vmin.f32 v41, v27;
	v27 =	vadd.f32 v29, v60;
	v29 =	vadd.f32 v31, v6;
	v35 =	vld [tilespmem:s24+$0x4080]  }
0x74: {  	v44 =	vmin.f32 v44, v28;
	v28 =	vadd.f32 v31, v60;
	v31 =	vadd.f32 v32, v6;
	v46 =	vld [tilespmem:s24+$0x4100]  }
0x75: {  	v42 =	vmin.f32 v42, v29;
	v29 =	vadd.f32 v32, v60;
	v32 =	vadd.f32 v30, v6;
	v47 =	vld [tilespmem:s24+$0x4180]  }
0x76: {  	v30 =	vadd.f32 v30, v60;
	v45 =	vmin.f32 v45, v31;
	v49 =	vadd.f32 v33, v6;
	v59 =	vld [tilespmem:s24+$0x4200]  }
.Ltmp4:
0x77: {  	v31 =	vadd.f32 v33, v60;
	v48 =	vmin.f32 v48, v32;
	v33 =	vadd.f32 v34, v6;
	v36 =	vld [tilespmem:s24+$0x4280];
	(pc) =	sbr.rel @p0 .LBB2_11-.Ltmp4, $4  }
0x78: {  	v32 =	vadd.f32 v34, v60;
	v51 =	vmin.f32 v51, v49;
	v34 =	vadd.f32 v35, v6;
	v63 =	vld [tilespmem:s24+$0x4300]  }
0x79: {  	s26 =	sadd.s32 $0x20, s26;
	v55 =	vmin.f32 v55, v33;
	v33 =	vadd.f32 v35, v60;
	v35 =	vadd.f32 v46, v6  }
0x7a: {  	s29 =	sadd.s32 $0x10, s29;
	s1 =	sshll.u32 s30, $0x5;
	s25 =	sand.u32 $0xF00, s26;
	v56 =	vmin.f32 v56, v34;
	v34 =	vadd.f32 v46, v60;
	v54 =	vadd.f32 v47, v6  }
0x7b: {  	s30 =	sadd.s32 $0x1, s30;
	s31 =	sand.u32 $0xFFFFFF00, s1;
	s24 =	sand.u32 $0x70, s29;
	v57 =	vmin.f32 v57, v35;
	v35 =	vadd.f32 v47, v60;
	v46 =	vadd.f32 v59, v6  }
0x7c: {  	s1 =	sor.u32 s24, s31;
	s26 =	sshll.u32 s28, $0x7  }
0x7d: {  	v1 =	vld [tilespmem:s1+$0x8000];
	s26 =	sand.u32 $0x3FFFFC00, s26  }
0x7e: {  	v2 =	vld [tilespmem:s1+$0xA000];
	s28 =	sor.u32 s24, s26  }
0x7f: {  	v59 =	vadd.f32 v59, v60;
	v47 =	vld [tilespmem:s28+$0x0];
	_ =	sdelay $0x1  }
0x80: {  	[tilespmem:$0x1FED0] =	vst v59;
	v59 =	vadd.f32 v36, v60;
	v3 =	vld [tilespmem:s28+$0x280]  }
0x81: {  	v5 =	vld [tilespmem:s28+$0x4380]  }
0x82: {  	v49 =	vld [tilespmem:s28+$0x80];
	[tilespmem:$0x1FEE0] =	vst v59;
	vm0 =	vgt.f32 v1, v2;
	v1 =	vadd.f32 v63, v60  }
0x83: {  	v53 =	vld [tilespmem:s28+$0x200];
	[tilespmem:$0x1FEF0] =	vst v47  }
0x84: {  	v54 =	vmin.f32 v43, v54;
	v46 =	vmin.f32 v58, v46;
	v59 =	vld [tilespmem:s28+$0x380];
	[tilespmem:$0x1FF10] =	vst v1;
	v1 =	vadd.f32 v38, v60  }
0x85: {  	v58 =	vadd.f32 v63, v6;
	v43 =	vld [tilespmem:s28+$0x300];
	[tilespmem:$0x1FF50] =	vst v3;
	v3 =	vadd.f32 v36, v6;
	v6 =	vsel vm0, $0x0, v0  }
0x86: {  	v47 =	vadd.f32 v6, v47;
	[tilespmem:$0x1FF70] =	vst v1;
	v1 =	vmin.f32 v4, v61;
	v61 =	vld [tilespmem:s28+$0x4100]  }
0x87: {  	[tilespmem:$0x1FF90] =	vst v1;
	v1 =	vadd.f32 v49, v6  }
0x88: {  	v2 =	vadd.f32 v5, v6;
	v63 =	vmin.f32 v39, v47  }
0x89: {  	v39 =	vadd.f32 v59, v6;
	v4 =	vmin.f32 v40, v1;
	v40 =	vadd.f32 v53, v6;
	v1 =	vld [tilespmem:$0x1FF50]  }
0x8a: {  	v37 =	vmin.f32 v37, v2;
	v2 =	vadd.f32 v43, v6  }
0x8b: {  	v60 =	vld [tilespmem:s28+$0x4080];
	v40 =	vmin.f32 v42, v40;
	v42 =	vmin.f32 v51, v39;
	v39 =	vadd.f32 v61, v6  }
0x8c: {  	v50 =	vld [tilespmem:s28+$0x100]  }
0x8d: {  	v2 =	vmin.f32 v48, v2;
	v48 =	vmin.f32 v57, v39;
	v39 =	vld [tilespmem:$0x1FFA0]  }
0x8e: {  	v52 =	vld [tilespmem:s28+$0x180];
	v38 =	vadd.f32 v1, v6;
	_ =	sdelay $0x1  }
0x8f: {  	v58 =	vmin.f32 v62, v58;
	v62 =	vld [tilespmem:s28+$0x4180];
	[tilespmem:$0x1FF80] =	vst v5;
	v5 =	vmin.f32 v45, v38;
	v38 =	vadd.f32 v60, v6  }
0x90: {  	v36 =	vmin.f32 v7, v3  }
0x91: {  	[tilespmem:$0x1FF20] =	vst v50;
	v3 =	vadd.f32 v50, v6;
	v50 =	vld [tilespmem:s28+$0x4280];
	v45 =	vmin.f32 v56, v38;
	v38 =	vperm.xlane v4, v39  }
0x92: {  	[tilespmem:$0x1FF30] =	vst v52;
	v47 =	vadd.f32 v52, v6;
	v52 =	vld [tilespmem:s28+$0x4200]  }
0x93: {  	[tilespmem:$0x1FF00] =	vst v49;
	v7 =	vld [tilespmem:s28+$0x4000];
	v4 =	vmin.f32 v4, v38;
	v38 =	vperm.xlane v40, v39  }
0x94: {  	[tilespmem:$0x1FF40] =	vst v53;
	v49 =	vld [tilespmem:s28+$0x4300];
	v53 =	vmov v43;
	v43 =	vadd.f32 v62, v6  }
0x95: {  	v41 =	vmin.f32 v41, v3;
	v40 =	vmin.f32 v40, v38;
	v38 =	vperm.xlane v42, v39  }
0x96: {  	v44 =	vmin.f32 v44, v47;
	v43 =	vmin.f32 v54, v43;
	v56 =	vadd.f32 v50, v6  }
0x97: {  	v47 =	vadd.f32 v52, v6;
	v42 =	vmin.f32 v42, v38;
	v38 =	vperm.xlane v48, v39  }
0x98: {  	[tilespmem:$0x1FF60] =	vst v7;
	v1 =	vadd.f32 v7, v6;
	v7 =	vperm.xlane v63, v39;
	v3 =	vmin.f32 v36, v56  }
0x99: {  	v57 =	vadd.f32 v49, v6;
	v48 =	vmin.f32 v48, v38;
	v38 =	vperm.xlane v3, v39  }
0x9a: {  	v46 =	vmin.f32 v46, v47;
	v51 =	vmin.f32 v63, v7;
	v7 =	vperm.xlane v5, v39  }
0x9b: {  	v47 =	vperm.xlane v41, v39;
	v36 =	vperm.xlane v44, v39;
	v3 =	vmin.f32 v3, v38;
	v38 =	vld [tilespmem:$0x1FFB0]  }
0x9c: {  	v1 =	vmin.f32 v55, v1;
	v5 =	vmin.f32 v5, v7;
	v7 =	vperm.xlane v43, v39  }
0x9d: {  	v41 =	vmin.f32 v41, v47;
	v44 =	vmin.f32 v44, v36;
	v36 =	vperm.xlane v2, v39  }
0x9e: {  	v47 =	vperm.xlane v1, v39;
	v43 =	vmin.f32 v43, v7;
	v7 =	vperm.xlane v37, v39  }
0x9f: {  	v55 =	vmin.f32 v58, v57;
	v2 =	vmin.f32 v2, v36;
	v36 =	vperm.xlane v45, v39  }
0xa0: {  	v1 =	vmin.f32 v1, v47;
	v7 =	vmin.f32 v37, v7;
	v37 =	vperm.xlane v42, v38  }
0xa1: {  	v47 =	vperm.xlane v55, v39;
	v45 =	vmin.f32 v45, v36;
	v36 =	vperm.xlane v46, v39  }
0xa2: {  	v42 =	vmin.f32 v42, v37;
	v37 =	vperm.xlane v43, v38  }
0xa3: {  	v55 =	vmin.f32 v55, v47;
	v46 =	vmin.f32 v46, v36;
	v36 =	vperm.xlane v4, v38  }
0xa4: {  	v47 =	vperm.xlane v41, v38;
	v43 =	vmin.f32 v43, v37;
	v37 =	vperm.xlane v55, v38  }
0xa5: {  	v4 =	vmin.f32 v4, v36;
	v36 =	vperm.xlane v2, v38  }
0xa6: {  	v41 =	vmin.f32 v41, v47;
	v47 =	vperm.xlane v1, v38;
	v55 =	vmin.f32 v55, v37;
	v37 =	vld [tilespmem:$0x1FFC0]  }
0xa7: {  	v2 =	vmin.f32 v2, v36;
	v36 =	vperm.xlane v45, v38  }
0xa8: {  	v1 =	vmin.f32 v1, v47  }
0xa9: {  	v47 =	vperm.xlane v46, v38;
	v45 =	vmin.f32 v45, v36;
	v36 =	vperm.xlane v3, v38  }
0xaa: {  	v57 =	vperm.xlane v40, v38  }
0xab: {  	v46 =	vmin.f32 v46, v47;
	v47 =	vmin.f32 v3, v36;
	v36 =	vperm.xlane v4, v37  }
0xac: {  	v23 =	vmin.f32 v23, v25;
	v56 =	vperm.xlane v51, v38;
	v40 =	vmin.f32 v40, v57  }
0xad: {  	v63 =	vperm.xlane v44, v38;
	v4 =	vmin.f32 v4, v36;
	v36 =	vperm.xlane v40, v37  }
0xae: {  	v6 =	vmin.f32 v9, v6;
	v58 =	vperm.xlane v5, v38;
	v57 =	vperm.xlane v48, v38  }
0xaf: {  	v51 =	vmin.f32 v51, v56;
	v40 =	vmin.f32 v40, v36;
	v36 =	vperm.xlane v42, v37  }
0xb0: {  	v44 =	vmin.f32 v44, v63;
	v63 =	vperm.xlane v7, v38;
	v48 =	vmin.f32 v48, v57  }
0xb1: {  	v57 =	vperm.xlane v51, v37;
	v56 =	vperm.xlane v41, v37;
	v42 =	vmin.f32 v42, v36;
	v36 =	vld [tilespmem:$0x1FFD0]  }
0xb2: {  	v5 =	vmin.f32 v5, v58;
	v7 =	vmin.f32 v7, v63;
	v54 =	vperm.xlane v44, v37  }
0xb3: {  	v63 =	vperm.xlane v5, v37;
	v51 =	vmin.f32 v51, v57;
	v41 =	vmin.f32 v41, v56  }
0xb4: {  	v44 =	vmin.f32 v44, v54;
	v57 =	vperm.xlane v2, v37;
	v56 =	vperm.xlane v1, v37  }
0xb5: {  	v5 =	vmin.f32 v5, v63;
	v54 =	vperm.xlane v45, v37;
	v63 =	vperm.xlane v48, v37  }
0xb6: {  	v2 =	vmin.f32 v2, v57;
	v3 =	vmin.f32 v1, v56;
	v57 =	vperm.xlane v51, v36  }
0xb7: {  	s29 =	sor.u32 s25, s24;
	v45 =	vmin.f32 v45, v54;
	v48 =	vmin.f32 v48, v63;
	v54 =	vperm.xlane v4, v36  }
0xb8: {  	v56 =	vld [tilespmem:s29+$0x9000];
	v1 =	vperm.xlane v41, v36;
	v58 =	vperm.xlane v2, v36;
	v51 =	vmin.f32 v51, v57  }
0xb9: {  	v63 =	vperm.xlane v40, v36;
	v57 =	vld [tilespmem:s29+$0xB000];
	v4 =	vmin.f32 v4, v54;
	v54 =	vperm.xlane v44, v36;
	[tilespmem:$0xE080] =	vst v51  }
0xba: {  	v1 =	vmin.f32 v41, v1;
	v2 =	vmin.f32 v2, v58;
	v51 =	vperm.xlane v43, v37;
	[tilespmem:$0xE090] =	vst v4  }
0xbb: {  	[tilespmem:$0xE0A0] =	vst v1;
	v1 =	vperm.xlane v5, v36;
	v4 =	vmin.f32 v40, v63;
	v63 =	vperm.xlane v47, v37  }
0xbc: {  	[tilespmem:$0xE0E0] =	vst v2;
	v2 =	vperm.xlane v45, v36;
	v41 =	vmin.f32 v43, v51;
	v51 =	vmin.f32 v44, v54  }
0xbd: {  	[tilespmem:$0xE0C0] =	vst v4;
	v54 =	vperm.xlane v46, v37;
	v1 =	vmin.f32 v5, v1;
	v44 =	vperm.xlane v42, v36  }
0xbe: {  	v4 =	vmin.f32 v47, v63;
	v2 =	vmin.f32 v45, v2;
	[tilespmem:$0xE0D0] =	vst v1;
	v1 =	vperm.xlane v3, v36  }
0xbf: {  	[tilespmem:$0xE0B0] =	vst v51;
	v51 =	vperm.xlane v48, v36;
	v58 =	vperm.xlane v4, v36;
	v40 =	vmin.f32 v46, v54  }
0xc0: {  	[tilespmem:$0xE110] =	vst v2;
	v5 =	vmin.f32 v42, v44;
	v54 =	vperm.xlane v7, v37;
	vm13 =	vgt.f32 v56, v57  }
0xc1: {  	v43 =	vld [tilespmem:$0x1FEF0];
	v57 =	vperm.xlane v6, v39;
	v1 =	vmin.f32 v3, v1;
	v3 =	vperm.xlane v55, v37;
	[tilespmem:$0xE0F0] =	vst v5  }
0xc2: {  	v45 =	vld [tilespmem:$0x1FF10];
	v5 =	vmin.f32 v48, v51;
	v2 =	vperm.xlane v40, v36;
	v4 =	vmin.f32 v4, v58;
	[tilespmem:$0xE100] =	vst v1  }
0xc3: {  	v47 =	vld [tilespmem:$0x1FF30];
	v1 =	vperm.xlane v41, v36;
	v7 =	vmin.f32 v7, v54;
	[tilespmem:$0xE120] =	vst v5;
	v3 =	vmin.f32 v55, v3  }
0xc4: {  	v44 =	vld [tilespmem:$0x1FF00];
	v5 =	vmin.f32 v19, v26;
	[tilespmem:$0xE150] =	vst v4;
	v2 =	vmin.f32 v40, v2;
	v63 =	vperm.xlane v3, v36  }
0xc5: {  	v48 =	vld [tilespmem:$0x1FF40];
	v19 =	vmin.f32 v20, v27;
	v4 =	vmin.f32 v13, v28;
	[tilespmem:$0xE140] =	vst v2;
	v2 =	vperm.xlane v7, v36  }
0xc6: {  	v51 =	vld [tilespmem:$0x1FF50];
	v13 =	vmin.f32 v14, v29;
	v14 =	vmin.f32 v16, v32;
	v3 =	vmin.f32 v3, v63  }
0xc7: {  	v58 =	vld [tilespmem:$0x1FF60];
	v16 =	vmin.f32 v17, v35;
	v6 =	vmin.f32 v6, v57;
	v2 =	vmin.f32 v7, v2;
	[tilespmem:$0xE160] =	vst v3  }
0xc8: {  	v42 =	vld [tilespmem:$0x1FEE0];
	v3 =	vmin.f32 v11, v30;
	[tilespmem:$0xE170] =	vst v2;
	v2 =	vmin.f32 v12, v33;
	v11 =	vsel vm13, $0x0, v0  }
0xc9: {  	v46 =	vld [tilespmem:$0x1FF20];
	v12 =	vmin.f32 v22, v34;
	v20 =	vadd.f32 v11, v43;
	v22 =	vadd.f32 v11, v44  }
0xca: {  	v21 =	vmin.f32 v21, v45;
	v45 =	vld [tilespmem:$0x1FF70];
	v25 =	vadd.f32 v47, v11;
	v9 =	vadd.f32 v48, v11  }
0xcb: {  	v1 =	vmin.f32 v41, v1;
	v41 =	vld [tilespmem:$0x1FED0];
	v26 =	vadd.f32 v51, v11;
	v54 =	vadd.f32 v53, v11  }
0xcc: {  	v7 =	vmin.f32 v15, v31;
	v55 =	vadd.f32 v59, v11;
	v31 =	vadd.f32 v58, v11  }
0xcd: {  	s30 =	sshll.u32 s22, $0x2;
	v63 =	vperm.xlane v6, v38;
	v59 =	vadd.f32 v60, v11;
	v60 =	vadd.f32 v61, v11  }
0xce: {  	[tilespmem:$0xE130] =	vst v1;
	v1 =	vmov s30;
	v61 =	vadd.f32 v62, v11;
	v62 =	vadd.f32 v52, v11  }
0xcf: {  	v10 =	vmin.f32 v10, v45;
	v47 =	vadd.f32 v49, v11;
	v6 =	vmin.f32 v6, v63  }
0xd0: {  	v17 =	vmin.f32 v18, v41;
	v18 =	vmin.f32 v24, v42;
	v24 =	vadd.f32 v46, v11  }
0xd1: {  	v46 =	vadd.f32 v50, v11;
	v50 =	vperm.xlane v6, v37;
	v22 =	vmin.f32 v23, v22  }
0xd2: {  	v19 =	vmin.f32 v19, v25;
	v4 =	vmin.f32 v4, v9;
	v52 =	vmin.f32 v13, v26  }
0xd3: {  	v40 =	vld.idx.msk [tilespmem:v1+s14+$0x0], $0xffff;
	v3 =	vmin.f32 v3, v54;
	v1 =	vshll.u32 v1, $0x7;
	v7 =	vmin.f32 v7, v55  }
0xd4: {  	v23 =	vlaneseq.u32;
	v14 =	vmin.f32 v14, v31;
	v2 =	vmin.f32 v2, v59  }
0xd5: {  	v12 =	vmin.f32 v12, v60;
	v16 =	vmin.f32 v16, v61;
	v61 =	vperm.xlane v19, v39  }
0xd6: {  	v48 =	vld [tilespmem:$0x1FF80];
	v17 =	vmin.f32 v17, v62;
	v62 =	vperm.xlane v4, v39;
	v63 =	vperm.xlane v52, v39  }
0xd7: {  	v49 =	vld [tilespmem:$0x1FF90];
	v57 =	vmin.f32 v21, v47;
	v25 =	vperm.xlane v3, v39;
	v26 =	vperm.xlane v7, v39  }
0xd8: {  	v5 =	vmin.f32 v5, v24;
	v27 =	vperm.xlane v14, v39;
	v28 =	vperm.xlane v2, v39  }
0xd9: {  	v6 =	vmin.f32 v6, v50;
	v30 =	vperm.xlane v16, v39;
	v31 =	vperm.xlane v17, v39  }
0xda: {  	v55 =	vmin.f32 v18, v46;
	v33 =	vperm.xlane v57, v39;
	v54 =	vperm.xlane v6, v36  }
0xdb: {  	v1 =	vor.u32 v23, v1;
	v60 =	vperm.xlane v5, v39;
	v32 =	vperm.xlane v55, v39  }
0xdc: {  	v41 =	vadd.f32 v48, v11;
	v20 =	vmin.f32 v49, v20;
	v24 =	vmin.f32 v19, v61  }
0xdd: {  	v4 =	vmin.f32 v4, v62;
	v9 =	vmin.f32 v52, v63;
	v3 =	vmin.f32 v3, v25  }
0xde: {  	v7 =	vmin.f32 v7, v26;
	v14 =	vmin.f32 v14, v27;
	v2 =	vmin.f32 v2, v28  }
0xdf: {  	v16 =	vmin.f32 v16, v30;
	v17 =	vmin.f32 v17, v31;
	v58 =	vperm.xlane v20, v39  }
0xe0: {  	v13 =	vmin.f32 v57, v33;
	v44 =	vperm.xlane v24, v38;
	v45 =	vperm.xlane v4, v38  }
0xe1: {  	v6 =	vmin.f32 v6, v54;
	v46 =	vperm.xlane v9, v38;
	v47 =	vperm.xlane v3, v38  }
0xe2: {  	v5 =	vmin.f32 v5, v60;
	v48 =	vperm.xlane v7, v38;
	v49 =	vperm.xlane v14, v38  }
0xe3: {  	v50 =	vperm.xlane v2, v38;
	v52 =	vperm.xlane v16, v38;
	v56 =	vshll.u32 v40, $0x3  }
0xe4: {  	v42 =	vld [tilespmem:$0x1FFF0];
	v15 =	vand.u32 $0x7F, v40;
	vm14 =	vgt.f32 v6, $5.000000000e-01;
	v10 =	vmin.f32 v10, v41  }
0xe5: {  	v34 =	vld [tilespmem:$0x1FFE0];
	v43 =	vperm.xlane v5, v38;
	v29 =	vand.u32 $0xFFFFFC00, v56;
	v59 =	vmin.f32 v20, v58  }
0xe6: {  	v35 =	vperm.xlane v10, v39;
	v18 =	vmin.f32 v24, v44;
	v4 =	vmin.f32 v4, v45  }
0xe7: {  	v9 =	vmin.f32 v9, v46;
	v3 =	vmin.f32 v3, v47;
	v7 =	vmin.f32 v7, v48  }
0xe8: {  	v14 =	vmin.f32 v14, v49;
	v15 =	vor.u32 v15, v29;
	v29 =	vperm.xlane v12, v39  }
0xe9: {  	v40 =	vperm.xlane v59, v38;
	v60 =	vperm.xlane v18, v37;
	v15 =	vadd.s32 v42, v15  }
0xea: {  	v2 =	vmin.f32 v2, v50;
	v61 =	vperm.xlane v4, v37;
	v62 =	vperm.xlane v9, v37  }
0xeb: {  	v16 =	vmin.f32 v16, v52;
	v63 =	vperm.xlane v3, v37;
	v24 =	vperm.xlane v7, v37  }
0xec: {  	v5 =	vmin.f32 v5, v43;
	v25 =	vperm.xlane v14, v37;
	v26 =	vperm.xlane v2, v37  }
0xed: {  	v51 =	vld.idx.msk [tilespmem:v34+s17+$0x0], $0xffff;
	v31 =	vperm.xlane v16, v37;
	v10 =	vmin.f32 v10, v35;
	v12 =	vmin.f32 v12, v29  }
0xee: {  	v18 =	vmin.f32 v18, v60;
	v4 =	vmin.f32 v4, v61;
	v3 =	vmin.f32 v3, v63;
	v53 =	vld.idx.msk [tilespmem:v15+s3+$0x0], $0xffff  }
0xef: {  	v7 =	vmin.f32 v7, v24;
	v14 =	vmin.f32 v14, v25;
	v35 =	vperm.xlane v4, v36  }
0xf0: {  	v2 =	vmin.f32 v2, v26;
	v44 =	vperm.xlane v3, v36;
	v46 =	vperm.xlane v7, v36  }
0xf1: {  	v9 =	vmin.f32 v9, v62;
	v48 =	vperm.xlane v14, v36;
	v50 =	vperm.xlane v2, v36  }
0xf2: {  	v4 =	vmin.f32 v4, v35;
	v3 =	vmin.f32 v3, v44;
	v15 =	vmin.f32 v55, v32  }
0xf3: {  	v7 =	vmin.f32 v7, v46;
	v54 =	vperm.xlane v15, v38;
	v56 =	vmin.f32 v51, v53  }
0xf4: {  	v2 =	vmin.f32 v2, v50;
	v55 =	vperm.xlane v13, v38;
	v6 =	vsel vm14, v56, v51  }
0xf5: {  	v15 =	vmin.f32 v15, v54;
	[tilespmem:v1+s18+$0x0] =	vst.idx.msk $0xffff, v6;
	v1 =	vperm.xlane v22, v39  }
0xf6: {  	v32 =	vperm.xlane v18, v36;
	v13 =	vmin.f32 v13, v55;
	v45 =	vperm.xlane v15, v37  }
0xf7: {  	v53 =	vperm.xlane v17, v38;
	v51 =	vperm.xlane v12, v38;
	v1 =	vmin.f32 v22, v1  }
0xf8: {  	v56 =	vperm.xlane v10, v38;
	v49 =	vmin.f32 v15, v45;
	v41 =	vperm.xlane v1, v38  }
0xf9: {  	v6 =	vmin.f32 v59, v40;
	v59 =	vperm.xlane v5, v37;
	v40 =	vmin.f32 v18, v32  }
0xfa: {  	v17 =	vmin.f32 v17, v53;
	v57 =	vperm.xlane v6, v37;
	[tilespmem:$0xE0B0] =	vst v40;
	v1 =	vmin.f32 v1, v41  }
0xfb: {  	v12 =	vmin.f32 v12, v51;
	[tilespmem:$0xE0C0] =	vst v4;
	v5 =	vmin.f32 v5, v59;
	v58 =	vperm.xlane v1, v37  }
0xfc: {  	v10 =	vmin.f32 v10, v56;
	[tilespmem:$0xE0E0] =	vst v3;
	v6 =	vmin.f32 v6, v57;
	v30 =	vperm.xlane v5, v36  }
0xfd: {  	v43 =	vperm.xlane v17, v37;
	[tilespmem:$0xE0F0] =	vst v7;
	v27 =	vperm.xlane v6, v36;
	v1 =	vmin.f32 v1, v58  }
0xfe: {  	v3 =	vperm.xlane v13, v37;
	[tilespmem:$0xE110] =	vst v2;
	v5 =	vmin.f32 v5, v30;
	v28 =	vperm.xlane v1, v36  }
0xff: {  	v29 =	vperm.xlane v12, v37;
	v47 =	vmin.f32 v17, v43;
	v6 =	vmin.f32 v6, v27;
	[tilespmem:$0xE0A0] =	vst v5  }
0x100: {  	v3 =	vmin.f32 v13, v3;
	v55 =	vperm.xlane v47, v36;
	[tilespmem:$0xE080] =	vst v6;
	v1 =	vmin.f32 v1, v28  }
0x101: {  	v57 =	vperm.xlane v3, v36;
	v5 =	vmin.f32 v14, v48;
	[tilespmem:$0xE090] =	vst v1;
	v1 =	vmin.f32 v16, v31  }
0x102: {  	v52 =	vperm.xlane v10, v37;
	v4 =	vmin.f32 v47, v55;
	[tilespmem:$0xE100] =	vst v5;
	v53 =	vperm.xlane v1, v36  }
0x103: {  	v33 =	vmin.f32 v12, v29;
	v41 =	vperm.xlane v9, v36;
	v3 =	vmin.f32 v3, v57;
	[tilespmem:$0xE140] =	vst v4  }
0x104: {  	s31 =	sor.u32 $0x1, s30;
	v2 =	vmin.f32 v10, v52;
	v51 =	vperm.xlane v33, v36;
	[tilespmem:$0xE160] =	vst v3;
	v1 =	vmin.f32 v1, v53  }
0x105: {  	v59 =	vperm.xlane v2, v36;
	v9 =	vmin.f32 v9, v41;
	[tilespmem:$0xE130] =	vst v1;
	v1 =	vmov s31  }
0x106: {  	v56 =	vperm.xlane v49, v36;
	v54 =	vmin.f32 v33, v51;
	[tilespmem:$0xE0D0] =	vst v9  }
0x107: {  	v2 =	vmin.f32 v2, v59;
	[tilespmem:$0xE120] =	vst v54  }
0x108: {  	v58 =	vmin.f32 v49, v56;
	[tilespmem:$0xE170] =	vst v2  }
0x109: {  	[tilespmem:$0xE150] =	vst v58  }
0x10a: {  	v2 =	vld.idx.msk [tilespmem:v1+s14+$0x0], $0xffff;
	_ =	sdelay $0x4  }
0x10b: {  	v3 =	vmin.f32 v8, v11;
	v60 =	vshll.u32 v2, $0x3  }
0x10c: {  	v61 =	vperm.xlane v3, v39;
	v2 =	vand.u32 $0x7F, v2;
	v4 =	vand.u32 $0xFFFFFC00, v60  }
0x10d: {  	v2 =	vor.u32 v2, v4  }
0x10e: {  	v3 =	vmin.f32 v3, v61;
	v2 =	vadd.s32 v42, v2  }
0x10f: {  	v62 =	vperm.xlane v3, v38;
	_ =	sdelay $0x1  }
0x110: {  	v3 =	vmin.f32 v3, v62  }
0x111: {  	v63 =	vld.idx.msk [tilespmem:v34+s17+$0x0], $0xffff;
	v4 =	vperm.xlane v3, v37  }
0x112: {  	v2 =	vld.idx.msk [tilespmem:v2+s3+$0x0], $0xffff  }
0x113: {  	v1 =	vshll.u32 v1, $0x7;
	v3 =	vmin.f32 v3, v4  }
0x114: {  	p0 =	seq.s32 s22, $0xF;
	v1 =	vor.u32 v23, v1;
	v4 =	vperm.xlane v3, v36  }
.Ltmp5:
0x115: {  	_ = 	snop;
	(pc) =	sbr.rel @p0 .LBB2_18-.Ltmp5, $4  }
0x116: {  	v3 =	vmin.f32 v3, v4  }
0x117: {  	vm15 =	vgt.f32 v3, $5.000000000e-01;
	v2 =	vmin.f32 v63, v2  }
0x118: {  	v2 =	vsel vm15, v2, v63  }
0x119: {  	[tilespmem:v1+s18+$0x0] =	vst.idx.msk $0xffff, v2  }
0x11a: {  	s1 =	sshll.u32 s22, $0xA  }
0x11b: {  	s24 =	sadd.s32 s1, s10  }
0x11c: {  	s26 =	simm.s32 $0x8000;
	s25 =	sadd.s32 s4, s24  }
0x11d: {  	s28 =	simm.s32 $0x10;
	s29 =	simm.s32 $0x8100;
	s30 =	sadd.s32 $0x0, s25  }
.LBB2_14:
0x11e: {  	[tilespmem:s26], [sflag:$0x1] =	stream.linear.gather [hbm4b:s30+s3], $0x80, $0x38;
	[tilespmem:$0xE180] =	vst v63  }
0x11f: {  	s1 =	smov.u32 s28;
	s26 =	smov.u32 s29;
	p0 =	sne.s32 s28, $0x1F0  }
.Ltmp6:
0x120: {  	s28 =	sadd.s32 $0x10, s28;
	(pc) =	sbr.rel @p0 .LBB2_14-.Ltmp6, $2  }
0x121: {  	_ =	sdelay $0x2  }
0x122: {  	s29 =	sadd.s32 $0x100, s29;
	s30 =	sadd.s32 s1, s25  }
0x123: {  	[tilespmem:s26], [sflag:$0x1] =	stream.linear.gather [hbm4b:s30+s3], $0x80, $0x38;
	[tilespmem:$0xE180] =	vst v63  }
0x124: {  	s24 =	sadd.s32 s5, s24;
	s25 =	simm.s32 $0xA000  }
0x125: {  	s26 =	simm.s32 $0x10;
	s28 =	simm.s32 $0xA100;
	s29 =	sadd.s32 $0x0, s24  }
.LBB2_16:
0x126: {  	[tilespmem:s25], [sflag:$0x3] =	stream.linear.gather [hbm4b:s29+s3], $0x80, $0x38;
	[tilespmem:$0xE180] =	vst v63  }
0x127: {  	s1 =	smov.u32 s26;
	s25 =	smov.u32 s28;
	p0 =	sne.s32 s26, $0x1F0  }
.Ltmp7:
0x128: {  	s26 =	sadd.s32 $0x10, s26;
	(pc) =	sbr.rel @p0 .LBB2_16-.Ltmp7, $2  }
0x129: {  	_ =	sdelay $0x2  }
0x12a: {  	s28 =	sadd.s32 $0x100, s28;
	s29 =	sadd.s32 s1, s24  }
0x12b: {  	[tilespmem:s25], [sflag:$0x3] =	stream.linear.gather [hbm4b:s29+s3], $0x80, $0x38;
	[tilespmem:$0xE180] =	vst v63  }
.LBB2_18:
0x12c: {  	_ =	swait.ge [sflag:s19], $0x1000  }
0x12d: {  	[sflag:s19] =	ssyncset.done $0x0  }
0x12e: {  	[sflag:s19] =	ssyncadd.s32 $0xFFFFF000  }
0x12f: {  	s1 =	simm.s32 $0x0;
	s24 =	simm.s32 $0x0;
	_ =	swait.ge [sflag:s20], $0x1000  }
0x130: {  	s25 =	sand.u32 $0x70, s1;
	s24 =	sand.u32 $0xFFFFFF00, s24;
	[sflag:s20] =	ssyncset.done $0x0  }
0x131: {  	s24 =	sor.u32 s25, s24;
	[sflag:s20] =	ssyncadd.s32 $0xFFFFF000  }
0x132: {  	s1 =	sand.u32 $0xF00, s1;
	v1 =	vld [tilespmem:s24+$0x8080]  }
0x133: {  	s26 =	simm.s32 $0x0;
	s1 =	sor.u32 s1, s25;
	v2 =	vld [tilespmem:s24+$0xA080]  }
0x134: {  	s26 =	sand.u32 $0x3FFFFC00, s26;
	v3 =	vld [tilespmem:s1+$0x9080]  }
0x135: {  	s24 =	sor.u32 s25, s26;
	v4 =	vld [tilespmem:s1+$0xB080]  }
0x136: {  	v8 =	vimm.f32 $1.000000000e+00;
	v43 =	vimm.f32 $+Inf;
	v38 =	vld [tilespmem:s24+$0x4380]  }
0x137: {  	v58 =	vimm.f32 $+Inf;
	v23 =	vimm.f32 $+Inf;
	v62 =	vimm.f32 $+Inf;
	v5 =	vld [tilespmem:s24+$0x0]  }
0x138: {  	v19 =	vimm.f32 $+Inf;
	v20 =	vimm.f32 $+Inf;
	v13 =	vimm.f32 $+Inf;
	v7 =	vld [tilespmem:s24+$0x80]  }
0x139: {  	v14 =	vimm.f32 $+Inf;
	v15 =	vimm.f32 $+Inf;
	v16 =	vimm.f32 $+Inf;
	v59 =	vld [tilespmem:s24+$0x4200]  }
0x13a: {  	v12 =	vimm.f32 $+Inf;
	v22 =	vimm.f32 $+Inf;
	vm0 =	vgt.f32 v1, v2;
	v1 =	vld [tilespmem:s24+$0x100]  }
0x13b: {  	v17 =	vimm.f32 $+Inf;
	v18 =	vimm.f32 $+Inf;
	v24 =	vimm.f32 $+Inf;
	v2 =	vld [tilespmem:s24+$0x180]  }
0x13c: {  	v21 =	vimm.f32 $+Inf;
	vm15 =	vgt.f32 v3, v4;
	v3 =	vld [tilespmem:s24+$0x200];
	v6 =	vsel vm0, $0x0, v0  }
0x13d: {  	v4 =	vld [tilespmem:s24+$0x280];
	v60 =	vsel vm15, $0x0, v0;
	v10 =	vadd.f32 v38, v6;
	v11 =	vadd.f32 v6, v5  }
0x13e: {  	v9 =	vmin.f32 v8, v6;
	v61 =	vadd.f32 v60, v5;
	v5 =	vld [tilespmem:s24+$0x300];
	v25 =	vadd.f32 v60, v7  }
0x13f: {  	v46 =	vadd.f32 v59, v6;
	v37 =	vmin.f32 v43, v10;
	v10 =	vadd.f32 v7, v6  }
0x140: {  	v7 =	vld [tilespmem:s24+$0x380];
	v39 =	vmin.f32 v43, v11;
	v11 =	vadd.f32 v1, v6;
	v26 =	vadd.f32 v1, v60  }
0x141: {  	v8 =	vmin.f32 v8, v60;
	v1 =	vld [tilespmem:s24+$0x4000];
	v27 =	vadd.f32 v2, v60;
	v28 =	vadd.f32 v3, v60  }
0x142: {  	v29 =	vadd.f32 v4, v60;
	v40 =	vmin.f32 v43, v10;
	v10 =	vadd.f32 v2, v6;
	v2 =	vld [tilespmem:s24+$0x4080]  }
0x143: {  	v41 =	vmin.f32 v43, v11;
	v11 =	vadd.f32 v3, v6;
	v3 =	vld [tilespmem:s24+$0x4100];
	v30 =	vadd.f32 v5, v60  }
0x144: {  	v44 =	vmin.f32 v43, v10;
	v10 =	vadd.f32 v4, v6;
	v4 =	vadd.f32 v5, v6  }
0x145: {  	v42 =	vmin.f32 v43, v11;
	v11 =	vld [tilespmem:s24+$0x4180];
	v5 =	vadd.f32 v7, v6;
	v31 =	vadd.f32 v7, v60  }
0x146: {  	v45 =	vmin.f32 v43, v10;
	v48 =	vmin.f32 v43, v4;
	v4 =	vadd.f32 v1, v6  }
0x147: {  	v36 =	vld [tilespmem:s24+$0x4280];
	v32 =	vadd.f32 v1, v60;
	v10 =	vimm.f32 $+Inf;
	v7 =	vadd.f32 v2, v6  }
0x148: {  	v63 =	vld [tilespmem:s24+$0x4300];
	v51 =	vmin.f32 v43, v5;
	v33 =	vadd.f32 v2, v60;
	v1 =	vadd.f32 v3, v6  }
0x149: {  	s28 =	simm.s32 $0x1;
	s29 =	simm.s32 $0x10;
	v55 =	vmin.f32 v43, v4;
	v34 =	vadd.f32 v3, v60;
	v4 =	vimm.f32 $+Inf  }
0x14a: {  	s30 =	simm.s32 $0x2;
	s26 =	simm.s32 $0x20;
	s1 =	simm.s32 $0x20;
	v56 =	vmin.f32 v43, v7;
	v7 =	vimm.f32 $+Inf;
	v54 =	vadd.f32 v11, v6  }
0x14b: {  	s25 =	sand.u32 $0xF00, s26;
	s31 =	sand.u32 $0xFFFFFF00, s1;
	s24 =	sand.u32 $0x70, s29;
	v57 =	vmin.f32 v43, v1;
	v35 =	vadd.f32 v11, v60;
	v11 =	vimm.f32 $+Inf  }
.LBB2_19:
0x14c: {  	p0 =	sne.s32 s30, $0x7F;
	s1 =	sor.u32 s24, s31;
	s25 =	sor.u32 s25, s24;
	v43 =	vmin.f32 v43, v54;
	v1 =	vadd.f32 v59, v60;
	v2 =	vadd.f32 v36, v6  }
0x14d: {  	s31 =	sshll.u32 s28, $0x7;
	v5 =	vadd.f32 v36, v60;
	s28 =	smov.u32 s30;
	v3 =	vld [tilespmem:s1+$0x8080];
	v58 =	vmin.f32 v58, v46;
	v6 =	vadd.f32 v63, v6  }
0x14e: {  	v46 =	vadd.f32 v38, v60;
	v36 =	vld [tilespmem:s1+$0xA080];
	s1 =	sand.u32 $0x3FFFFC00, s31;
	v7 =	vmin.f32 v7, v2;
	v2 =	vadd.f32 v63, v60  }
0x14f: {  	v4 =	vmin.f32 v4, v61;
	v23 =	vmin.f32 v23, v25;
	v47 =	vld [tilespmem:s25+$0x9080];
	s24 =	sor.u32 s24, s1;
	v62 =	vmin.f32 v62, v6  }
0x150: {  	v19 =	vmin.f32 v19, v26;
	v20 =	vmin.f32 v20, v27;
	v13 =	vmin.f32 v13, v28;
	v38 =	vld [tilespmem:s24+$0x4380]  }
0x151: {  	v14 =	vmin.f32 v14, v29;
	v11 =	vmin.f32 v11, v30;
	v15 =	vmin.f32 v15, v31;
	v25 =	vld [tilespmem:s25+$0xB080]  }
0x152: {  	v16 =	vmin.f32 v16, v32;
	v12 =	vmin.f32 v12, v33;
	v22 =	vmin.f32 v22, v34;
	v26 =	vld [tilespmem:s24+$0x0]  }
0x153: {  	v17 =	vmin.f32 v17, v35;
	v18 =	vmin.f32 v18, v1;
	vm0 =	vgt.f32 v3, v36;
	v3 =	vld [tilespmem:s24+$0x80]  }
0x154: {  	v24 =	vmin.f32 v24, v5;
	v21 =	vmin.f32 v21, v2;
	v6 =	vsel vm0, $0x0, v0;
	v1 =	vld [tilespmem:s24+$0x100]  }
0x155: {  	v10 =	vmin.f32 v10, v46;
	v9 =	vmin.f32 v9, v6;
	v2 =	vld [tilespmem:s24+$0x180];
	v5 =	vadd.f32 v38, v6  }
0x156: {  	vm0 =	vgt.f32 v47, v25;
	v28 =	vld [tilespmem:s24+$0x200]  }
0x157: {  	v60 =	vsel vm0, $0x0, v0;
	v25 =	vadd.f32 v6, v26;
	v29 =	vld [tilespmem:s24+$0x280];
	v37 =	vmin.f32 v37, v5  }
0x158: {  	v8 =	vmin.f32 v8, v60;
	v61 =	vadd.f32 v60, v26;
	v5 =	vadd.f32 v3, v6;
	v30 =	vld [tilespmem:s24+$0x300]  }
0x159: {  	v39 =	vmin.f32 v39, v25;
	v25 =	vadd.f32 v60, v3;
	v3 =	vadd.f32 v1, v6;
	v31 =	vld [tilespmem:s24+$0x380]  }
0x15a: {  	v26 =	vadd.f32 v1, v60;
	v40 =	vmin.f32 v40, v5;
	v1 =	vadd.f32 v2, v6;
	v5 =	vld [tilespmem:s24+$0x4000]  }
0x15b: {  	v27 =	vadd.f32 v2, v60;
	v41 =	vmin.f32 v41, v3;
	v2 =	vadd.f32 v28, v6;
	v3 =	vld [tilespmem:s24+$0x4080]  }
0x15c: {  	v28 =	vadd.f32 v28, v60;
	v44 =	vmin.f32 v44, v1;
	v1 =	vadd.f32 v29, v6;
	v34 =	vld [tilespmem:s24+$0x4100]  }
0x15d: {  	v29 =	vadd.f32 v29, v60;
	v42 =	vmin.f32 v42, v2;
	v2 =	vadd.f32 v30, v6;
	v35 =	vld [tilespmem:s24+$0x4180]  }
0x15e: {  	v30 =	vadd.f32 v30, v60;
	v45 =	vmin.f32 v45, v1;
	v1 =	vadd.f32 v31, v6;
	v59 =	vld [tilespmem:s24+$0x4200]  }
.Ltmp8:
0x15f: {  	v31 =	vadd.f32 v31, v60;
	v48 =	vmin.f32 v48, v2;
	v2 =	vadd.f32 v5, v6;
	v36 =	vld [tilespmem:s24+$0x4280];
	(pc) =	sbr.rel @p0 .LBB2_19-.Ltmp8, $4  }
0x160: {  	v32 =	vadd.f32 v5, v60;
	v51 =	vmin.f32 v51, v1;
	v1 =	vadd.f32 v3, v6;
	v63 =	vld [tilespmem:s24+$0x4300]  }
0x161: {  	s26 =	sadd.s32 $0x20, s26;
	v33 =	vadd.f32 v3, v60;
	v55 =	vmin.f32 v55, v2;
	v2 =	vadd.f32 v34, v6  }
0x162: {  	s29 =	sadd.s32 $0x10, s29;
	s1 =	sshll.u32 s30, $0x5;
	s25 =	sand.u32 $0xF00, s26;
	v34 =	vadd.f32 v34, v60;
	v56 =	vmin.f32 v56, v1;
	v54 =	vadd.f32 v35, v6  }
0x163: {  	s30 =	sadd.s32 $0x1, s30;
	s31 =	sand.u32 $0xFFFFFF00, s1;
	s24 =	sand.u32 $0x70, s29;
	v35 =	vadd.f32 v35, v60;
	v57 =	vmin.f32 v57, v2;
	v46 =	vadd.f32 v59, v6  }
0x164: {  	s1 =	sor.u32 s24, s31  }
0x165: {  	v1 =	vld [tilespmem:s1+$0x8080]  }
0x166: {  	s26 =	sshll.u32 s28, $0x7;
	v2 =	vld [tilespmem:s1+$0xA080]  }
0x167: {  	s26 =	sand.u32 $0x3FFFFC00, s26  }
0x168: {  	s28 =	sor.u32 s24, s26  }
0x169: {  	v5 =	vld [tilespmem:s28+$0x280]  }
0x16a: {  	v59 =	vadd.f32 v59, v60  }
0x16b: {  	v3 =	vld [tilespmem:s28+$0x4380];
	vm0 =	vgt.f32 v1, v2;
	v1 =	vadd.f32 v63, v60  }
0x16c: {  	[tilespmem:$0x1FE00] =	vst v59  }
0x16d: {  	[tilespmem:$0x1FE40] =	vst v1;
	v1 =	vadd.f32 v38, v60  }
0x16e: {  	v59 =	vadd.f32 v36, v60;
	[tilespmem:$0x1FE80] =	vst v5;
	v5 =	vadd.f32 v36, v6  }
0x16f: {  	v36 =	vadd.f32 v63, v6;
	v6 =	vsel vm0, $0x0, v0;
	[tilespmem:$0x1FEA0] =	vst v1;
	v1 =	vmin.f32 v4, v61  }
0x170: {  	v47 =	vld [tilespmem:s28+$0x0];
	[tilespmem:$0x1FEC0] =	vst v1;
	v1 =	vadd.f32 v3, v6  }
0x171: {  	v54 =	vmin.f32 v43, v54;
	v60 =	vld [tilespmem:s28+$0x4080]  }
0x172: {  	[tilespmem:$0x1FDF0] =	vst v54;
	v54 =	vmin.f32 v7, v5;
	v5 =	vmin.f32 v37, v1;
	v1 =	vld [tilespmem:$0x1FE80];
	_ =	sdelay $0x1  }
0x173: {  	v49 =	vld [tilespmem:s28+$0x80]  }
0x174: {  	v53 =	vld [tilespmem:s28+$0x180];
	v2 =	vadd.f32 v6, v47  }
0x175: {  	[tilespmem:$0x1FE10] =	vst v59;
	v59 =	vld [tilespmem:s28+$0x380]  }
0x176: {  	v50 =	vld [tilespmem:s28+$0x200];
	[tilespmem:$0x1FEB0] =	vst v3;
	v4 =	vmin.f32 v39, v2;
	v39 =	vadd.f32 v60, v6;
	v3 =	vadd.f32 v1, v6;
	_ =	sdelay $0x1  }
0x177: {  	v3 =	vmin.f32 v45, v3;
	v45 =	vmin.f32 v56, v39;
	v39 =	vld [tilespmem:$0x1FFA0]  }
0x178: {  	v52 =	vld [tilespmem:s28+$0x100]  }
0x179: {  	[tilespmem:$0x1FE30] =	vst v49;
	v38 =	vadd.f32 v59, v6;
	v7 =	vmin.f32 v62, v36;
	v36 =	vadd.f32 v49, v6  }
0x17a: {  	[tilespmem:$0x1FE60] =	vst v53;
	v49 =	vadd.f32 v53, v6;
	v53 =	vld [tilespmem:s28+$0x4200];
	v37 =	vadd.f32 v50, v6  }
0x17b: {  	v36 =	vmin.f32 v40, v36  }
0x17c: {  	v40 =	vmin.f32 v42, v37;
	v42 =	vmin.f32 v51, v38;
	v38 =	vperm.xlane v36, v39  }
0x17d: {  	[tilespmem:$0x1FE20] =	vst v47;
	v47 =	vadd.f32 v52, v6  }
0x17e: {  	v36 =	vmin.f32 v36, v38;
	v38 =	vperm.xlane v3, v39  }
0x17f: {  	v62 =	vld [tilespmem:s28+$0x4180];
	v63 =	vmin.f32 v41, v47;
	v41 =	vadd.f32 v53, v6  }
0x180: {  	v46 =	vmin.f32 v58, v46;
	v3 =	vmin.f32 v3, v38;
	v38 =	vperm.xlane v45, v39  }
0x181: {  	v44 =	vmin.f32 v44, v49;
	v49 =	vld [tilespmem:$0x1FDF0];
	v46 =	vmin.f32 v46, v41;
	v37 =	vperm.xlane v4, v39  }
0x182: {  	v43 =	vld [tilespmem:s28+$0x300];
	v45 =	vmin.f32 v45, v38;
	v38 =	vperm.xlane v46, v39  }
0x183: {  	v61 =	vld [tilespmem:s28+$0x4100];
	v4 =	vmin.f32 v4, v37;
	v37 =	vperm.xlane v40, v39  }
0x184: {  	v47 =	vadd.f32 v62, v6;
	v46 =	vmin.f32 v46, v38;
	v38 =	vld [tilespmem:$0x1FFB0]  }
0x185: {  	v40 =	vmin.f32 v40, v37;
	v37 =	vperm.xlane v42, v39  }
0x186: {  	[tilespmem:$0x1FE50] =	vst v52;
	v52 =	vld [tilespmem:s28+$0x4280];
	v47 =	vmin.f32 v49, v47  }
0x187: {  	v42 =	vmin.f32 v42, v37;
	v37 =	vperm.xlane v47, v39  }
0x188: {  	[tilespmem:$0x1FE90] =	vst v43;
	v2 =	vadd.f32 v43, v6;
	v43 =	vadd.f32 v61, v6;
	v41 =	vperm.xlane v44, v39  }
0x189: {  	v58 =	vld [tilespmem:s28+$0x4000];
	v47 =	vmin.f32 v47, v37;
	v37 =	vperm.xlane v4, v38  }
0x18a: {  	[tilespmem:$0x1FE70] =	vst v50;
	v50 =	vld [tilespmem:s28+$0x4300];
	v2 =	vmin.f32 v48, v2;
	v48 =	vmin.f32 v57, v43;
	v44 =	vmin.f32 v44, v41  }
0x18b: {  	v43 =	vadd.f32 v52, v6;
	v4 =	vmin.f32 v4, v37;
	v37 =	vperm.xlane v44, v38  }
0x18c: {  	v23 =	vmin.f32 v23, v25;
	v19 =	vmin.f32 v19, v26  }
0x18d: {  	v43 =	vmin.f32 v54, v43;
	v44 =	vmin.f32 v44, v37;
	v37 =	vperm.xlane v42, v38  }
0x18e: {  	v20 =	vmin.f32 v20, v27;
	v1 =	vadd.f32 v58, v6;
	v41 =	vperm.xlane v43, v39  }
0x18f: {  	v57 =	vadd.f32 v50, v6;
	v42 =	vmin.f32 v42, v37;
	v37 =	vperm.xlane v45, v38  }
0x190: {  	v1 =	vmin.f32 v55, v1;
	v51 =	vperm.xlane v63, v39;
	v43 =	vmin.f32 v43, v41  }
0x191: {  	v49 =	vperm.xlane v48, v39;
	v45 =	vmin.f32 v45, v37;
	v37 =	vperm.xlane v43, v38  }
0x192: {  	v7 =	vmin.f32 v7, v57;
	v56 =	vperm.xlane v1, v39;
	v51 =	vmin.f32 v63, v51  }
0x193: {  	v48 =	vmin.f32 v48, v49;
	v49 =	vperm.xlane v5, v39;
	v43 =	vmin.f32 v43, v37;
	v37 =	vld [tilespmem:$0x1FFC0]  }
0x194: {  	v63 =	vperm.xlane v2, v39;
	v1 =	vmin.f32 v1, v56;
	v41 =	vperm.xlane v36, v38  }
0x195: {  	v56 =	vperm.xlane v7, v39;
	v5 =	vmin.f32 v5, v49;
	v49 =	vperm.xlane v51, v38  }
0x196: {  	v2 =	vmin.f32 v2, v63;
	v57 =	vperm.xlane v47, v38;
	v36 =	vmin.f32 v36, v41  }
0x197: {  	v51 =	vmin.f32 v51, v49;
	v41 =	vperm.xlane v40, v38;
	v49 =	vperm.xlane v3, v38  }
0x198: {  	v55 =	vperm.xlane v2, v38;
	v47 =	vmin.f32 v47, v57;
	v57 =	vperm.xlane v36, v37  }
0x199: {  	v40 =	vmin.f32 v40, v41;
	v3 =	vmin.f32 v3, v49;
	v49 =	vperm.xlane v1, v38  }
0x19a: {  	v41 =	vmin.f32 v2, v55;
	v2 =	vmin.f32 v36, v57;
	v36 =	vperm.xlane v40, v37  }
0x19b: {  	v7 =	vmin.f32 v7, v56;
	v1 =	vmin.f32 v1, v49;
	v49 =	vperm.xlane v48, v38  }
0x19c: {  	v55 =	vperm.xlane v46, v38;
	v40 =	vmin.f32 v40, v36;
	v36 =	vperm.xlane v42, v37  }
0x19d: {  	v6 =	vmin.f32 v9, v6;
	v48 =	vmin.f32 v48, v49;
	v49 =	vperm.xlane v7, v38  }
0x19e: {  	v63 =	vperm.xlane v5, v38;
	v46 =	vmin.f32 v46, v55;
	v42 =	vmin.f32 v42, v36;
	v36 =	vld [tilespmem:$0x1FFD0]  }
0x19f: {  	v7 =	vmin.f32 v7, v49;
	v56 =	vperm.xlane v4, v37;
	v55 =	vperm.xlane v51, v37  }
0x1a0: {  	v49 =	vmin.f32 v5, v63;
	v63 =	vperm.xlane v44, v37;
	v5 =	vperm.xlane v3, v37  }
0x1a1: {  	v4 =	vmin.f32 v4, v56;
	v51 =	vmin.f32 v51, v55;
	v56 =	vperm.xlane v41, v37  }
0x1a2: {  	v44 =	vmin.f32 v44, v63;
	v3 =	vmin.f32 v3, v5;
	v5 =	vperm.xlane v1, v37  }
0x1a3: {  	v63 =	vperm.xlane v45, v37;
	v41 =	vmin.f32 v41, v56;
	v56 =	vperm.xlane v4, v36  }
0x1a4: {  	s29 =	sor.u32 s25, s24;
	v5 =	vmin.f32 v1, v5;
	v57 =	vperm.xlane v2, v36;
	v1 =	vperm.xlane v51, v36  }
0x1a5: {  	v55 =	vld [tilespmem:s29+$0x9080];
	v45 =	vmin.f32 v45, v63;
	v54 =	vperm.xlane v44, v36;
	v4 =	vmin.f32 v4, v56  }
0x1a6: {  	v63 =	vperm.xlane v48, v37;
	v56 =	vld [tilespmem:s29+$0xB080];
	v2 =	vmin.f32 v2, v57;
	v1 =	vmin.f32 v51, v1;
	[tilespmem:$0xE080] =	vst v4  }
0x1a7: {  	v44 =	vmin.f32 v44, v54;
	v54 =	vperm.xlane v42, v36;
	v4 =	vperm.xlane v47, v37;
	[tilespmem:$0xE090] =	vst v2  }
0x1a8: {  	v48 =	vmin.f32 v48, v63;
	v2 =	vperm.xlane v40, v36;
	[tilespmem:$0xE0A0] =	vst v1;
	v1 =	vperm.xlane v3, v36  }
0x1a9: {  	v63 =	vperm.xlane v46, v37;
	v51 =	vperm.xlane v41, v36;
	v57 =	vmin.f32 v42, v54  }
0x1aa: {  	[tilespmem:$0xE0B0] =	vst v44;
	v4 =	vmin.f32 v47, v4;
	v2 =	vmin.f32 v40, v2;
	v1 =	vmin.f32 v3, v1  }
0x1ab: {  	v3 =	vperm.xlane v43, v37;
	v40 =	vmin.f32 v46, v63;
	v63 =	vperm.xlane v7, v37;
	[tilespmem:$0xE0C0] =	vst v2  }
0x1ac: {  	v44 =	vld [tilespmem:$0x1FE10];
	v46 =	vperm.xlane v48, v36;
	v47 =	vperm.xlane v49, v37;
	v2 =	vmin.f32 v41, v51;
	[tilespmem:$0xE0D0] =	vst v1  }
0x1ad: {  	v1 =	vperm.xlane v5, v36;
	v3 =	vmin.f32 v43, v3;
	[tilespmem:$0xE0E0] =	vst v2;
	v2 =	vperm.xlane v45, v36  }
0x1ae: {  	v51 =	vmin.f32 v48, v46;
	v54 =	vmin.f32 v49, v47;
	vm13 =	vgt.f32 v55, v56  }
0x1af: {  	[tilespmem:$0xE0F0] =	vst v57;
	v48 =	vld [tilespmem:$0x1FE50];
	v1 =	vmin.f32 v5, v1;
	v5 =	vmin.f32 v7, v63;
	v57 =	vperm.xlane v3, v36  }
0x1b0: {  	v49 =	vld [tilespmem:$0x1FE60];
	v7 =	vmin.f32 v11, v30;
	v11 =	vmin.f32 v15, v31;
	v15 =	vmin.f32 v17, v35  }
0x1b1: {  	v55 =	vld [tilespmem:$0x1FE90];
	v17 =	vmin.f32 v24, v44;
	v2 =	vmin.f32 v45, v2;
	[tilespmem:$0xE100] =	vst v1;
	v1 =	vperm.xlane v4, v36  }
0x1b2: {  	v43 =	vld [tilespmem:$0x1FE00];
	v63 =	vperm.xlane v5, v36;
	[tilespmem:$0xE110] =	vst v2;
	v2 =	vperm.xlane v40, v36;
	v3 =	vmin.f32 v3, v57  }
0x1b3: {  	v47 =	vld [tilespmem:$0x1FE40];
	v57 =	vperm.xlane v6, v39;
	v1 =	vmin.f32 v4, v1;
	[tilespmem:$0xE150] =	vst v3;
	v3 =	vmin.f32 v13, v28  }
0x1b4: {  	s30 =	sshll.u32 s23, $0x1;
	[tilespmem:$0xE120] =	vst v51;
	v13 =	vmin.f32 v16, v32;
	v4 =	vsel vm13, $0x0, v0;
	v2 =	vmin.f32 v40, v2  }
0x1b5: {  	v51 =	vld [tilespmem:$0x1FE70];
	[tilespmem:$0xE130] =	vst v1;
	v1 =	vmov s30;
	v40 =	vmin.f32 v5, v63;
	v24 =	vadd.f32 v48, v4  }
0x1b6: {  	v45 =	vld [tilespmem:$0x1FE20];
	v5 =	vmin.f32 v14, v29;
	v25 =	vadd.f32 v49, v4;
	v27 =	vadd.f32 v55, v4  }
0x1b7: {  	v16 =	vmin.f32 v18, v43;
	v28 =	vadd.f32 v59, v4;
	v59 =	vadd.f32 v58, v4  }
0x1b8: {  	v21 =	vmin.f32 v21, v47;
	v60 =	vadd.f32 v60, v4;
	v63 =	vadd.f32 v61, v4  }
0x1b9: {  	v6 =	vmin.f32 v6, v57;
	v49 =	vadd.f32 v52, v4;
	v50 =	vadd.f32 v50, v4  }
0x1ba: {  	[tilespmem:$0xE140] =	vst v2;
	v2 =	vperm.xlane v54, v36;
	v9 =	vadd.f32 v51, v4;
	v47 =	vperm.xlane v6, v38  }
0x1bb: {  	v18 =	vadd.f32 v4, v45;
	v45 =	vadd.f32 v62, v4;
	v19 =	vmin.f32 v19, v24  }
0x1bc: {  	v46 =	vld [tilespmem:$0x1FE30];
	v20 =	vmin.f32 v20, v25;
	v7 =	vmin.f32 v7, v27;
	v11 =	vmin.f32 v11, v28  }
0x1bd: {  	v48 =	vld [tilespmem:$0x1FEA0];
	v13 =	vmin.f32 v13, v59;
	v57 =	vmin.f32 v17, v49;
	v59 =	vmin.f32 v21, v50  }
0x1be: {  	v52 =	vld [tilespmem:$0x1FEC0];
	v2 =	vmin.f32 v54, v2;
	v6 =	vmin.f32 v6, v47;
	v62 =	vperm.xlane v19, v39  }
0x1bf: {  	v3 =	vmin.f32 v3, v9;
	v27 =	vperm.xlane v11, v39;
	v28 =	vperm.xlane v13, v39  }
0x1c0: {  	v35 =	vperm.xlane v59, v39;
	[tilespmem:$0xE170] =	vst v2;
	v2 =	vmin.f32 v12, v33;
	v12 =	vmin.f32 v22, v34  }
0x1c1: {  	v51 =	vld [tilespmem:$0x1FEB0];
	v22 =	vadd.f32 v4, v46;
	v46 =	vadd.f32 v53, v4;
	v53 =	vperm.xlane v6, v37  }
0x1c2: {  	[tilespmem:$0xE160] =	vst v40;
	v15 =	vmin.f32 v15, v45;
	v24 =	vperm.xlane v3, v39;
	v33 =	vperm.xlane v57, v39  }
0x1c3: {  	v42 =	vld.idx.msk [tilespmem:v1+s14+$0x0], $0xffff;
	v10 =	vmin.f32 v10, v48;
	v18 =	vmin.f32 v52, v18;
	v1 =	vshll.u32 v1, $0x7  }
0x1c4: {  	v2 =	vmin.f32 v2, v60;
	v12 =	vmin.f32 v12, v63;
	v63 =	vperm.xlane v20, v39  }
0x1c5: {  	v17 =	vmin.f32 v19, v62;
	v11 =	vmin.f32 v11, v27;
	v31 =	vperm.xlane v15, v39  }
0x1c6: {  	v54 =	vld [tilespmem:$0x1FE80];
	v13 =	vmin.f32 v13, v28;
	v9 =	vmin.f32 v59, v35;
	v40 =	vadd.f32 v51, v4  }
0x1c7: {  	v22 =	vmin.f32 v23, v22;
	v6 =	vmin.f32 v6, v53;
	v23 =	vlaneseq.u32  }
0x1c8: {  	v16 =	vmin.f32 v16, v46;
	v60 =	vperm.xlane v18, v39;
	v30 =	vperm.xlane v12, v39  }
0x1c9: {  	v3 =	vmin.f32 v3, v24;
	v44 =	vperm.xlane v17, v38;
	v49 =	vperm.xlane v11, v38  }
0x1ca: {  	v50 =	vperm.xlane v13, v38;
	v1 =	vor.u32 v23, v1;
	v32 =	vperm.xlane v16, v39  }
0x1cb: {  	v15 =	vmin.f32 v15, v31;
	v46 =	vperm.xlane v3, v38;
	v26 =	vadd.f32 v54, v4  }
0x1cc: {  	v10 =	vmin.f32 v10, v40;
	v61 =	vmin.f32 v18, v60;
	v18 =	vmin.f32 v20, v63  }
0x1cd: {  	v12 =	vmin.f32 v12, v30;
	v17 =	vmin.f32 v17, v44;
	v11 =	vmin.f32 v11, v49  }
0x1ce: {  	v13 =	vmin.f32 v13, v50;
	v53 =	vperm.xlane v15, v38;
	v40 =	vperm.xlane v10, v39  }
0x1cf: {  	v16 =	vmin.f32 v16, v32;
	v41 =	vperm.xlane v61, v38;
	v45 =	vperm.xlane v18, v38  }
0x1d0: {  	v3 =	vmin.f32 v3, v46;
	v52 =	vperm.xlane v12, v38;
	v60 =	vperm.xlane v17, v37  }
0x1d1: {  	v56 =	vshll.u32 v42, $0x3;
	v14 =	vand.u32 $0x7F, v42;
	v42 =	vld [tilespmem:$0x1FFF0];
	v5 =	vmin.f32 v5, v26  }
0x1d2: {  	v34 =	vld [tilespmem:$0x1FFE0];
	v26 =	vperm.xlane v7, v39;
	v15 =	vmin.f32 v15, v53;
	v62 =	vperm.xlane v3, v37  }
0x1d3: {  	v29 =	vand.u32 $0xFFFFFC00, v56;
	v56 =	vperm.xlane v6, v36;
	v25 =	vperm.xlane v5, v39  }
0x1d4: {  	v10 =	vmin.f32 v10, v40;
	v18 =	vmin.f32 v18, v45;
	v12 =	vmin.f32 v12, v52  }
0x1d5: {  	v17 =	vmin.f32 v17, v60;
	v32 =	vperm.xlane v15, v37;
	v14 =	vor.u32 v14, v29  }
0x1d6: {  	v7 =	vmin.f32 v7, v26;
	v29 =	vperm.xlane v2, v39;
	v14 =	vadd.s32 v42, v14  }
0x1d7: {  	v3 =	vmin.f32 v3, v62;
	v26 =	vperm.xlane v13, v37;
	v30 =	vperm.xlane v12, v37  }
0x1d8: {  	v31 =	vperm.xlane v17, v36;
	v6 =	vmin.f32 v6, v56;
	v48 =	vperm.xlane v7, v38  }
0x1d9: {  	v5 =	vmin.f32 v5, v25;
	v56 =	vperm.xlane v9, v38;
	v25 =	vperm.xlane v11, v37  }
0x1da: {  	v54 =	vld.idx.msk [tilespmem:v34+s17+$0x0], $0xffff;
	vm14 =	vgt.f32 v6, $5.000000000e-01;
	v2 =	vmin.f32 v2, v29;
	v47 =	vperm.xlane v5, v38  }
0x1db: {  	v13 =	vmin.f32 v13, v26;
	v35 =	vmin.f32 v12, v30;
	v40 =	vmin.f32 v17, v31;
	v55 =	vld.idx.msk [tilespmem:v14+s3+$0x0], $0xffff  }
0x1dc: {  	v7 =	vmin.f32 v7, v48;
	v51 =	vperm.xlane v2, v38;
	v9 =	vmin.f32 v9, v56  }
0x1dd: {  	v11 =	vmin.f32 v11, v25;
	v49 =	vperm.xlane v13, v36;
	v53 =	vperm.xlane v35, v36  }
0x1de: {  	v5 =	vmin.f32 v5, v47;
	v24 =	vperm.xlane v7, v37;
	v48 =	vperm.xlane v11, v36  }
0x1df: {  	v52 =	vperm.xlane v9, v37;
	v2 =	vmin.f32 v2, v51;
	v63 =	vperm.xlane v5, v37  }
0x1e0: {  	v12 =	vmin.f32 v13, v49;
	v27 =	vperm.xlane v2, v37;
	v58 =	vmin.f32 v54, v55  }
0x1e1: {  	v7 =	vmin.f32 v7, v24;
	v11 =	vmin.f32 v11, v48;
	v6 =	vsel vm14, v58, v54  }
0x1e2: {  	v5 =	vmin.f32 v5, v63;
	[tilespmem:v1+s18+$0x0] =	vst.idx.msk $0xffff, v6;
	v1 =	vperm.xlane v22, v39  }
0x1e3: {  	v46 =	vperm.xlane v7, v36;
	v14 =	vmin.f32 v57, v33;
	v57 =	vperm.xlane v10, v38  }
0x1e4: {  	v2 =	vmin.f32 v2, v27;
	v44 =	vperm.xlane v5, v36;
	v1 =	vmin.f32 v22, v1  }
0x1e5: {  	v7 =	vmin.f32 v7, v46;
	v51 =	vperm.xlane v2, v36;
	v43 =	vperm.xlane v1, v38  }
0x1e6: {  	v10 =	vmin.f32 v10, v57;
	v5 =	vmin.f32 v5, v44;
	v55 =	vperm.xlane v14, v38  }
0x1e7: {  	v2 =	vmin.f32 v2, v51;
	v54 =	vperm.xlane v16, v38;
	[tilespmem:$0xE0A0] =	vst v40;
	v1 =	vmin.f32 v1, v43  }
0x1e8: {  	v6 =	vmin.f32 v61, v41;
	v14 =	vmin.f32 v14, v55;
	[tilespmem:$0xE0D0] =	vst v5;
	v59 =	vperm.xlane v1, v37  }
0x1e9: {  	v61 =	vperm.xlane v18, v37;
	v41 =	vperm.xlane v3, v36;
	v16 =	vmin.f32 v16, v54;
	[tilespmem:$0xE0E0] =	vst v7  }
0x1ea: {  	v58 =	vperm.xlane v6, v37;
	v47 =	vperm.xlane v14, v37;
	[tilespmem:$0xE0F0] =	vst v11;
	v1 =	vmin.f32 v1, v59  }
0x1eb: {  	[tilespmem:$0xE100] =	vst v12;
	v18 =	vmin.f32 v18, v61;
	v45 =	vperm.xlane v16, v37;
	v29 =	vperm.xlane v1, v36  }
0x1ec: {  	[tilespmem:$0xE110] =	vst v2;
	v3 =	vmin.f32 v3, v41;
	v6 =	vmin.f32 v6, v58;
	v33 =	vperm.xlane v18, v36  }
0x1ed: {  	[tilespmem:$0xE0C0] =	vst v3;
	v50 =	vmin.f32 v14, v47;
	v28 =	vperm.xlane v6, v36;
	v1 =	vmin.f32 v1, v29  }
0x1ee: {  	v57 =	vperm.xlane v50, v36;
	v43 =	vmin.f32 v18, v33;
	[tilespmem:$0xE090] =	vst v1;
	v1 =	vmin.f32 v15, v32  }
0x1ef: {  	v54 =	vperm.xlane v10, v37;
	v6 =	vmin.f32 v6, v28;
	[tilespmem:$0xE0B0] =	vst v43;
	v55 =	vperm.xlane v1, v36  }
0x1f0: {  	v7 =	vmin.f32 v9, v52;
	v3 =	vmin.f32 v16, v45;
	v5 =	vmin.f32 v50, v57;
	[tilespmem:$0xE080] =	vst v6  }
0x1f1: {  	s31 =	sshllo.u32 s23, $0x1;
	v2 =	vmin.f32 v10, v54;
	v56 =	vperm.xlane v3, v36;
	[tilespmem:$0xE150] =	vst v5;
	v1 =	vmin.f32 v1, v55  }
0x1f2: {  	v58 =	vperm.xlane v7, v36;
	v6 =	vmin.f32 v35, v53;
	[tilespmem:$0xE130] =	vst v1;
	v1 =	vmov s31  }
0x1f3: {  	v3 =	vmin.f32 v3, v56;
	[tilespmem:$0xE120] =	vst v6;
	v59 =	vperm.xlane v2, v36  }
0x1f4: {  	[tilespmem:$0xE140] =	vst v3;
	v3 =	vmin.f32 v7, v58  }
0x1f5: {  	[tilespmem:$0xE160] =	vst v3;
	v2 =	vmin.f32 v2, v59  }
0x1f6: {  	[tilespmem:$0xE170] =	vst v2  }
0x1f7: {  	v2 =	vld.idx.msk [tilespmem:v1+s14+$0x0], $0xffff;
	_ =	sdelay $0x4  }
0x1f8: {  	v3 =	vmin.f32 v8, v4;
	v60 =	vshll.u32 v2, $0x3  }
0x1f9: {  	v61 =	vperm.xlane v3, v39;
	v2 =	vand.u32 $0x7F, v2;
	v4 =	vand.u32 $0xFFFFFC00, v60  }
0x1fa: {  	v2 =	vor.u32 v2, v4  }
0x1fb: {  	v3 =	vmin.f32 v3, v61;
	v2 =	vadd.s32 v42, v2  }
0x1fc: {  	v62 =	vperm.xlane v3, v38;
	_ =	sdelay $0x1  }
0x1fd: {  	v3 =	vmin.f32 v3, v62  }
0x1fe: {  	v63 =	vld.idx.msk [tilespmem:v34+s17+$0x0], $0xffff;
	v4 =	vperm.xlane v3, v37  }
0x1ff: {  	v2 =	vld.idx.msk [tilespmem:v2+s3+$0x0], $0xffff  }
0x200: {  	s22 =	sadd.s32 $0x1, s22;
	v1 =	vshll.u32 v1, $0x7;
	v3 =	vmin.f32 v3, v4  }
0x201: {  	p0 =	sne.s32 s22, $0x10;
	v1 =	vor.u32 v23, v1;
	v4 =	vperm.xlane v3, v36  }
.Ltmp9:
0x202: {  	_ = 	snop;
	(pc) =	sbr.rel @p0 .LBB2_6-.Ltmp9, $4  }
0x203: {  	v3 =	vmin.f32 v3, v4  }
0x204: {  	vm15 =	vgt.f32 v3, $5.000000000e-01;
	v2 =	vmin.f32 v63, v2  }
0x205: {  	v2 =	vsel vm15, v2, v63  }
0x206: {  	[tilespmem:v1+s18+$0x0] =	vst.idx.msk $0xffff, v2  }
0x207: {  	s21 =	sadd.s32 $0x1, s21  }
0x208: {  	p0 =	sne.s32 s21, s12  }
.Ltmp10:
0x209: {  	_ = 	snop;
	(pc) =	sbr.rel @p0 .LBB2_1-.Ltmp10, $4  }
0x20a: {  	[hbm4b:s11+s3] =	stream.linear.scatter [tilespmem:s18], [sflag:$0x5], $0x2000, $0x38;
	[tilespmem:$0xE180] =	vst v63  }
0x20b: {  	_ =	swait.ge [sflag:s13], $0x2000  }
0x20c: {  	[sflag:s13] =	ssyncset.done $0x0  }
0x20d: {  	[sflag:s13] =	ssyncadd.s32 $0xFFFFE000  }
0x20e: {  	_ =	sfence.sel $0x180000  }
0x20f: {  	[bflag:$0x0] =	sbarrier.arrive $0xFFFF  }
0x210: {  	_ =	strace $0x90000047  }
0x211: {  	[bflag:$0x2] =	sbarrier.arrive $0xFFFF  }
0x212: {  	p0 =	sne.s32 s2, $0x0;
	s0 =	rddreg [dreg:$0x3]  }
0x213: {  	s0 =	sadd.s32 @!p0 $0x100000, s0  }
0x214: {  	[sflag:s0] =	ssyncadd.tile.s32 @!p0 $0x1;
	_ =	shalt  }
.Lfunc_end2:
_tile_overlayer_lowered:
.L_overlay_start_2:
0x215: {  	(tag) =	ssettag $0x2  }
0x216: {  	s0 =	rddreg [dreg:$0x0];
	s2 =	stileid.u32  }
0x217: {  	s1 =	rddreg [dreg:$0x1];
	p0 =	sne.s32 s2, $0x0  }
0x218: {  	s3 =	rddreg [dreg:$0x2];
	[bflag:$0x3] =	sbarrier.arrive $0xFFFF;
	s2 =	simm.s32 @!p0 $0x1C05  }
0x219: {  	[timem:s3], [sflag:s2] =	dma.local @!p0 [hbm:s0], s1  }
0x21a: {  	s0 =	simm.s32 @!p0 $0x5  }
0x21b: {  	_ =	swait.ge @!p0 [sflag:s0], s1  }
0x21c: {  	s1 =	ssub.s32 @!p0 $0x0, s1;
	[sflag:s0] =	ssyncset.done @!p0 $0x0  }
0x21d: {  	[sflag:s0] =	ssyncadd.s32 @!p0 s1  }
0x21e: {  	[bflag:$0x3] =	sbarrier.arrive $0xFFFF  }
0x21f: {  	_ =	shalt  }

</sc_bundles>
